<compile_context>
chip_gen: v7x
topology: tpu7x:2x2x1
jax: 0.10.2.dev20260603
libtpu: 0.0.44.dev20260713+nightly
codegen_flags: <defaults>
</compile_context>

<pallas_src>
import functools

import jax
import jax.numpy as jnp
from jax import lax
from jax.experimental import pallas as pl
from jax.experimental.pallas import tpu as pltpu
from jax.experimental.pallas import tpu_sc as plsc

N = 10000
F = 128
F2 = F // 2
C = 16
E = 320000
NPAD = 10240
NW = 32
B = 80
KH = 126
BA = 112
KA = 180
EPAD = NW * KH * B
ZB = NPAD // 16
RB = 256
NCORES = 2
NSUB = 16

_mesh = plsc.VectorSubcoreMesh(
    core_axis_name="c", subcore_axis_name="s", num_cores=NCORES, num_subcores=NSUB
)


@functools.partial(
    pl.kernel,
    out_type=jax.ShapeDtypeStruct((NCORES, NPAD), jnp.float32),
    mesh=_mesh,
    scratch_types=[
        pltpu.VMEM((KH, B), jnp.int32),
        pltpu.VMEM((B,), jnp.float32),
        pltpu.VMEM((ZB,), jnp.float32),
        pltpu.VMEM_SHARED((NPAD,), jnp.float32),
        pltpu.SemaphoreType.DMA,
    ],
)
def _sc_hist(dst3, ones_h, z1d_h, hist_o, dstv, obuf, zbuf, acc, sem):
    cid = lax.axis_index("c")
    sid = lax.axis_index("s")
    wid = cid * NSUB + sid
    pltpu.sync_copy(z1d_h, zbuf)
    pltpu.sync_copy(ones_h, obuf)
    pltpu.sync_copy(dst3.at[wid], dstv)
    pltpu.sync_copy(zbuf, acc.at[pl.ds(sid * ZB, ZB)])
    plsc.subcore_barrier()

    CHUNK = 21

    def outer(j, carry):
        for t in range(CHUNK):
            pltpu.async_copy(obuf, acc.at[dstv.at[j * CHUNK + t]], sem, add=True)
        for t in range(CHUNK):
            pltpu.make_async_copy(obuf, acc.at[dstv.at[j * CHUNK + t]], sem).wait()
        return carry

    lax.fori_loop(0, KH // CHUNK, outer, 0)
    plsc.subcore_barrier()
    pltpu.sync_copy(acc.at[pl.ds(sid * ZB, ZB)], zbuf)
    pltpu.sync_copy(zbuf, hist_o.at[cid, pl.ds(sid * ZB, ZB)])


def _tc_dinvg_body(hist_ref, x_ref, w1_ref, dinv_ref, g_ref):
    i = pl.program_id(0)
    hb = hist_ref[...]
    deg = hb[0] + hb[1] + 1.0
    r = i * RB + lax.broadcasted_iota(jnp.int32, (RB, 1), 0)
    dinv = jnp.where(r < N, deg ** -0.5, 0.0)
    dinv_ref[...] = dinv
    gfull = dinv * jnp.dot(
        x_ref[...], w1_ref[...], preferred_element_type=jnp.float32
    )
    g_ref[0] = gfull[:, :F2]
    g_ref[1] = gfull[:, F2:]


_tc_dinvg = pl.pallas_call(
    _tc_dinvg_body,
    grid=(NPAD // RB,),
    in_specs=[
        pl.BlockSpec((2, RB, 1), lambda i: (0, i, 0)),
        pl.BlockSpec((RB, F), lambda i: (i, 0)),
        pl.BlockSpec((F, F), lambda i: (0, 0)),
    ],
    out_specs=[
        pl.BlockSpec((RB, 1), lambda i: (i, 0)),
        pl.BlockSpec((2, RB, F2), lambda i: (0, i, 0)),
    ],
    out_shape=[
        jax.ShapeDtypeStruct((NPAD, 1), jnp.float32),
        jax.ShapeDtypeStruct((NCORES, NPAD, F2), jnp.float32),
    ],
)


@functools.partial(
    pl.kernel,
    out_type=(
        jax.ShapeDtypeStruct((NCORES, NPAD, F2), jnp.float32),
        jax.ShapeDtypeStruct((NW, NPAD), jnp.float32),
    ),
    mesh=_mesh,
    scratch_types=[
        pltpu.VMEM((KA, BA), jnp.int32),
        pltpu.VMEM((KA, BA), jnp.int32),
        pltpu.VMEM((BA, F2), jnp.float32),
        pltpu.VMEM((BA, F2), jnp.float32),
        pltpu.VMEM((BA, F2), jnp.float32),
        pltpu.VMEM((ZB // 8, F2), jnp.float32),
        pltpu.VMEM((NPAD,), jnp.float32),
        pltpu.VMEM((NPAD,), jnp.float32),
        pltpu.VMEM_SHARED((NPAD, F2), jnp.float32),
        pltpu.SemaphoreType.DMA,
        pltpu.SemaphoreType.DMA,
        pltpu.SemaphoreType.DMA,
    ],
    compiler_params=pltpu.CompilerParams(
        use_tc_tiling_on_sc=False, needs_layout_passes=False
    ),
)
def _sc_agg(g_h, dinv_h, src3, dst3, z2d_h, znpad_h, agg_o, s_o,
            srcv, dstv, rb0, rb1, rb2, zbuf, dinvv, sloc, accS,
            sg0, sg1, sg2):
    cid = lax.axis_index("c")
    sid = lax.axis_index("s")
    wid = cid * NSUB + sid
    r0 = sid * ZB
    ZC = ZB // 8
    rbs = (rb0, rb1, rb2)
    sgs = (sg0, sg1, sg2)

    pltpu.sync_copy(z2d_h, zbuf)
    pltpu.sync_copy(src3.at[sid], srcv)
    pltpu.sync_copy(dst3.at[sid], dstv)
    pltpu.async_copy(g_h.at[cid].at[srcv.at[0]], rb0, sg0)
    pltpu.async_copy(g_h.at[cid].at[srcv.at[1]], rb1, sg1)
    pltpu.async_copy(g_h.at[cid].at[srcv.at[2]], rb2, sg2)
    pltpu.sync_copy(dinv_h, dinvv)
    pltpu.sync_copy(znpad_h, sloc)
    for j in range(8):
        pltpu.sync_copy(zbuf, accS.at[pl.ds(r0 + j * ZC, ZC)])
    plsc.subcore_barrier()

    def body(i, carry):
        for j in range(3):
            b = 3 * i + j
            rb, sg = rbs[j], sgs[j]
            for k in range(BA // 16):
                dt = dstv[b, pl.ds(k * 16, 16)]
                st = srcv[b, pl.ds(k * 16, 16)]
                vals = plsc.load_gather(dinvv, [dt])
                plsc.addupdate_scatter(sloc, [st], vals)
            pltpu.make_async_copy(g_h.at[cid].at[srcv.at[b]], rb, sg).wait()
            pltpu.sync_copy(rb, accS.at[dstv.at[b]], add=True)

            @pl.when(b + 3 < KA)
            def _():
                pltpu.async_copy(g_h.at[cid].at[srcv.at[b + 3]], rb, sg)
        return carry

    lax.fori_loop(0, KA // 3, body, 0)
    plsc.subcore_barrier()

    pltpu.sync_copy(sloc, s_o.at[wid])
    pltpu.sync_copy(accS.at[pl.ds(r0, ZB)], agg_o.at[cid, pl.ds(r0, ZB)])


def _tc_fin_body(agg_ref, g_ref, dinv_ref, s_ref, dinvt_ref,
                 b1_ref, w2_ref, b2_ref, out_ref, acc_ref):
    i = pl.program_id(0)
    aggb = jnp.concatenate([agg_ref[0], agg_ref[1]], axis=1)
    gb = jnp.concatenate([g_ref[0], g_ref[1]], axis=1)
    dcol = dinv_ref[...]
    out1 = dcol * (aggb + gb) + b1_ref[...]
    r = jnp.maximum(out1, 0.0)
    drow = dinvt_ref[...]
    srow = 0.5 * jnp.sum(s_ref[...], axis=0, keepdims=True)
    crow = drow * (srow + drow)
    part = jnp.dot(crow, r, preferred_element_type=jnp.float32)

    @pl.when(i == 0)
    def _():
        acc_ref[...] = jnp.zeros_like(acc_ref)

    acc_ref[...] += part
    out_ref[...] = (
        jnp.dot(acc_ref[...], w2_ref[...], preferred_element_type=jnp.float32)
        * (1.0 / N) + b2_ref[...]
    )


_tc_fin = pl.pallas_call(
    _tc_fin_body,
    grid=(NPAD // RB,),
    in_specs=[
        pl.BlockSpec((2, RB, F2), lambda i: (0, i, 0)),
        pl.BlockSpec((2, RB, F2), lambda i: (0, i, 0)),
        pl.BlockSpec((RB, 1), lambda i: (i, 0)),
        pl.BlockSpec((NW, RB), lambda i: (0, i)),
        pl.BlockSpec((1, RB), lambda i: (0, i)),
        pl.BlockSpec((1, F), lambda i: (0, 0)),
        pl.BlockSpec((F, C), lambda i: (0, 0)),
        pl.BlockSpec((1, C), lambda i: (0, 0)),
    ],
    out_specs=pl.BlockSpec((1, C), lambda i: (0, 0)),
    out_shape=jax.ShapeDtypeStruct((1, C), jnp.float32),
    scratch_shapes=[pltpu.VMEM((1, F), jnp.float32)],
)


def kernel(x, edge_index, W1, b1, W2, b2):
    ei = edge_index.astype(jnp.int32)
    pad = jnp.full((EPAD - E,), N, jnp.int32)
    srcf = jnp.concatenate([ei[0], pad])
    dstf = jnp.concatenate([ei[1], pad])
    xp = jnp.pad(x, ((0, NPAD - N), (0, 0)))
    ones_b = jnp.ones((B,), jnp.float32)
    z1 = jnp.zeros((ZB,), jnp.float32)
    z2 = jnp.zeros((ZB // 8, F2), jnp.float32)

    znpad = jnp.zeros((NPAD,), jnp.float32)

    hist = _sc_hist(dstf.reshape(NW, KH, B), ones_b, z1)
    dinv2d, g = _tc_dinvg(hist.reshape(NCORES, NPAD, 1), xp, W1)
    agg, sfull = _sc_agg(g, dinv2d.reshape(NPAD),
                         srcf.reshape(NSUB, KA, BA),
                         dstf.reshape(NSUB, KA, BA), z2, znpad)
    out = _tc_fin(agg, g, dinv2d, sfull, dinv2d.reshape(1, NPAD),
                  b1.reshape(1, F), W2, b2.reshape(1, C))
    return out

# --- scband reference (transcript-rebuilt; emitter-appended) ---
"""Pipeline reference for scband-tiny-gcn-22230750724509 (READ-ONLY COPY).

The authoritative reference and input builder live on the scoring server;
editing this copy changes nothing except your own understanding.
"""

import jax, jax.numpy as jnp
import numpy as np

N_NODES = 10000
IN_CH = 128
HIDDEN = 128
NUM_CLASSES = 16
N_EDGES = 320000


def setup_inputs(seed: int = 0) -> dict:
    key = jax.random.key(seed)
    k1, k2, k3, k4, k5, k6 = jax.random.split(key, 6)
    x = jax.random.normal(k1, (N_NODES, IN_CH), dtype=jnp.float32)
    edge_index = jax.random.randint(k2, (2, N_EDGES), 0, N_NODES, dtype=jnp.int64)
    W1 = jax.random.normal(k3, (IN_CH, HIDDEN), dtype=jnp.float32) * (1.0 / np.sqrt(IN_CH))
    b1 = jnp.zeros((HIDDEN,), dtype=jnp.float32)
    W2 = jax.random.normal(k4, (HIDDEN, NUM_CLASSES), dtype=jnp.float32) * (1.0 / np.sqrt(HIDDEN))
    b2 = jnp.zeros((NUM_CLASSES,), dtype=jnp.float32)
    return {"x": x, "edge_index": edge_index, "W1": W1, "b1": b1, "W2": W2, "b2": b2}


def _gcn_conv(x, src, dst, n, W, b):
    # PyG GCNConv: x' = D^{-1/2} (A + I) D^{-1/2} (x W) + b
    h = x @ W
    deg = jnp.zeros((n,), dtype=h.dtype).at[dst].add(1.0)
    dinv = jnp.where(deg > 0, deg ** -0.5, 0.0)
    norm = dinv[src] * dinv[dst]
    msg = h[src] * norm[:, None]
    out = jnp.zeros((n, h.shape[1]), dtype=h.dtype).at[dst].add(msg)
    return out + b


def reference(x, edge_index, W1, b1, W2, b2):
    n = x.shape[0]
    loops = jnp.arange(n, dtype=edge_index.dtype)
    src = jnp.concatenate([edge_index[0], loops])
    dst = jnp.concatenate([edge_index[1], loops])
    h = _gcn_conv(x, src, dst, n, W1, b1)
    h = jax.nn.relu(h)
    h = _gcn_conv(h, src, dst, n, W2, b2)
    # global_mean_pool with batch = all zeros -> mean over all nodes, shape [1, num_classes]
    out = jnp.mean(h, axis=0, keepdims=True)
    return out

if __name__ == "__main__":
    import jax
    _d = setup_inputs()
    print(jax.jit(kernel)(*tuple(_d.values())))

</pallas_src>

<mosaic_0001>
#map = affine_map<(d0, d1) -> (0, 0, 0)>
#map1 = affine_map<(d0, d1) -> (0)>
#map2 = affine_map<(d0, d1) -> (0, 0)>
module attributes {stable_mosaic.version = 14 : i64} {
  func.func @_sc_agg(%arg0: i32, %arg1: i32, %arg2: memref<2x10240x64xf32, #tpu.memory_space<hbm>>, %arg3: memref<10240xf32, #tpu.memory_space<hbm>>, %arg4: memref<16x180x112xi32, #tpu.memory_space<hbm>>, %arg5: memref<16x180x112xi32, #tpu.memory_space<hbm>>, %arg6: memref<80x64xf32, #tpu.memory_space<hbm>>, %arg7: memref<10240xf32, #tpu.memory_space<hbm>>, %arg8: memref<2x10240x64xf32, #tpu.memory_space<hbm>>, %arg9: memref<32x10240xf32, #tpu.memory_space<hbm>>, %arg10: memref<180x112xi32, #tpu.memory_space<vmem>>, %arg11: memref<180x112xi32, #tpu.memory_space<vmem>>, %arg12: memref<112x64xf32, #tpu.memory_space<vmem>>, %arg13: memref<112x64xf32, #tpu.memory_space<vmem>>, %arg14: memref<112x64xf32, #tpu.memory_space<vmem>>, %arg15: memref<80x64xf32, #tpu.memory_space<vmem>>, %arg16: memref<10240xf32, #tpu.memory_space<vmem>>, %arg17: memref<10240xf32, #tpu.memory_space<vmem>>, %arg18: memref<10240x64xf32, #tpu.memory_space<vmem_shared>>, %arg19: memref<!tpu.dma_semaphore, #tpu.memory_space<semaphore_mem>>, %arg20: memref<!tpu.dma_semaphore, #tpu.memory_space<semaphore_mem>>, %arg21: memref<!tpu.dma_semaphore, #tpu.memory_space<semaphore_mem>>) attributes {dimension_semantics = [#tpu.dimension_semantics<core_parallel>, #tpu.dimension_semantics<subcore_parallel>], iteration_bounds = array<i64: 2, 16>, scalar_prefetch = 0 : i64, scratch_operands = 12 : i64, tpu.core_type = #tpu.core_type<sc_vector_subcore>, window_params = [{transform_indices = #map}, {transform_indices = #map1}, {transform_indices = #map}, {transform_indices = #map}, {transform_indices = #map2}, {transform_indices = #map1}, {transform_indices = #map}, {transform_indices = #map2}]} {
    %mul3A = arith.constant 16 : i32
    %mul3A_0 = arith.muli %arg0, %mul3A : i32
    %add3A = arith.addi %mul3A_0, %arg1 : i32
    %mul3A_1 = arith.constant 640 : i32
    %mul3A_2 = arith.muli %arg1, %mul3A_1 : i32
    "tpu.region"() ({
      %run_scoped3A = tpu.sem_alloc : memref<!tpu.dma_semaphore, #tpu.memory_space<semaphore_mem>>
      tpu.enqueue_dma source(%arg6 : memref<80x64xf32, #tpu.memory_space<hbm>>) target(%arg15 : memref<80x64xf32, #tpu.memory_space<vmem>>) target_semaphore(%run_scoped3A : memref<!tpu.dma_semaphore, #tpu.memory_space<semaphore_mem>>)
      tpu.wait_dma2 semaphore(%run_scoped3A : memref<!tpu.dma_semaphore, #tpu.memory_space<semaphore_mem>>) src(%arg6 : memref<80x64xf32, #tpu.memory_space<hbm>>) dst(%arg15 : memref<80x64xf32, #tpu.memory_space<vmem>>)
      tpu.yield
    }) : () -> ()
    "tpu.region"() ({
      %run_scoped3A = tpu.sem_alloc : memref<!tpu.dma_semaphore, #tpu.memory_space<semaphore_mem>>
      %dma_start3A_57 = arith.constant 0 : i32
      %dma_start3A_58 = arith.constant 0 : i32
      %dma_start3A_59 = tpu.memref_slice %arg4[%arg1, %dma_start3A_57, %dma_start3A_58] : memref<16x180x112xi32, #tpu.memory_space<hbm>> -> memref<1x180x112xi32, #tpu.memory_space<hbm>>
      %dma_start3A_60 = tpu.memref_squeeze %dma_start3A_59 : memref<1x180x112xi32, #tpu.memory_space<hbm>> -> memref<180x112xi32, #tpu.memory_space<hbm>>
      %dma_start3A_61 = arith.constant 0 : i32
      %dma_start3A_62 = arith.constant 0 : i32
      %dma_start3A_63 = tpu.memref_slice %arg4[%arg1, %dma_start3A_61, %dma_start3A_62] : memref<16x180x112xi32, #tpu.memory_space<hbm>> -> memref<1x180x112xi32, #tpu.memory_space<hbm>>
      %dma_start3A_64 = tpu.memref_squeeze %dma_start3A_63 : memref<1x180x112xi32, #tpu.memory_space<hbm>> -> memref<180x112xi32, #tpu.memory_space<hbm>>
      tpu.enqueue_dma source(%dma_start3A_64 : memref<180x112xi32, #tpu.memory_space<hbm>>) target(%arg10 : memref<180x112xi32, #tpu.memory_space<vmem>>) target_semaphore(%run_scoped3A : memref<!tpu.dma_semaphore, #tpu.memory_space<semaphore_mem>>)
      %dma_wait3A = arith.constant 0 : i32
      %dma_wait3A_65 = arith.constant 0 : i32
      %dma_wait3A_66 = tpu.memref_slice %arg4[%arg1, %dma_wait3A, %dma_wait3A_65] : memref<16x180x112xi32, #tpu.memory_space<hbm>> -> memref<1x180x112xi32, #tpu.memory_space<hbm>>
      %dma_wait3A_67 = tpu.memref_squeeze %dma_wait3A_66 : memref<1x180x112xi32, #tpu.memory_space<hbm>> -> memref<180x112xi32, #tpu.memory_space<hbm>>
      %dma_wait3A_68 = arith.constant 0 : i32
      %dma_wait3A_69 = arith.constant 0 : i32
      %dma_wait3A_70 = tpu.memref_slice %arg4[%arg1, %dma_wait3A_68, %dma_wait3A_69] : memref<16x180x112xi32, #tpu.memory_space<hbm>> -> memref<1x180x112xi32, #tpu.memory_space<hbm>>
      %dma_wait3A_71 = tpu.memref_squeeze %dma_wait3A_70 : memref<1x180x112xi32, #tpu.memory_space<hbm>> -> memref<180x112xi32, #tpu.memory_space<hbm>>
      tpu.wait_dma2 semaphore(%run_scoped3A : memref<!tpu.dma_semaphore, #tpu.memory_space<semaphore_mem>>) src(%dma_wait3A_71 : memref<180x112xi32, #tpu.memory_space<hbm>>) dst(%arg10 : memref<180x112xi32, #tpu.memory_space<vmem>>)
      tpu.yield
    }) : () -> ()
    "tpu.region"() ({
      %run_scoped3A = tpu.sem_alloc : memref<!tpu.dma_semaphore, #tpu.memory_space<semaphore_mem>>
      %dma_start3A_57 = arith.constant 0 : i32
      %dma_start3A_58 = arith.constant 0 : i32
      %dma_start3A_59 = tpu.memref_slice %arg5[%arg1, %dma_start3A_57, %dma_start3A_58] : memref<16x180x112xi32, #tpu.memory_space<hbm>> -> memref<1x180x112xi32, #tpu.memory_space<hbm>>
      %dma_start3A_60 = tpu.memref_squeeze %dma_start3A_59 : memref<1x180x112xi32, #tpu.memory_space<hbm>> -> memref<180x112xi32, #tpu.memory_space<hbm>>
      %dma_start3A_61 = arith.constant 0 : i32
      %dma_start3A_62 = arith.constant 0 : i32
      %dma_start3A_63 = tpu.memref_slice %arg5[%arg1, %dma_start3A_61, %dma_start3A_62] : memref<16x180x112xi32, #tpu.memory_space<hbm>> -> memref<1x180x112xi32, #tpu.memory_space<hbm>>
      %dma_start3A_64 = tpu.memref_squeeze %dma_start3A_63 : memref<1x180x112xi32, #tpu.memory_space<hbm>> -> memref<180x112xi32, #tpu.memory_space<hbm>>
      tpu.enqueue_dma source(%dma_start3A_64 : memref<180x112xi32, #tpu.memory_space<hbm>>) target(%arg11 : memref<180x112xi32, #tpu.memory_space<vmem>>) target_semaphore(%run_scoped3A : memref<!tpu.dma_semaphore, #tpu.memory_space<semaphore_mem>>)
      %dma_wait3A = arith.constant 0 : i32
      %dma_wait3A_65 = arith.constant 0 : i32
      %dma_wait3A_66 = tpu.memref_slice %arg5[%arg1, %dma_wait3A, %dma_wait3A_65] : memref<16x180x112xi32, #tpu.memory_space<hbm>> -> memref<1x180x112xi32, #tpu.memory_space<hbm>>
      %dma_wait3A_67 = tpu.memref_squeeze %dma_wait3A_66 : memref<1x180x112xi32, #tpu.memory_space<hbm>> -> memref<180x112xi32, #tpu.memory_space<hbm>>
      %dma_wait3A_68 = arith.constant 0 : i32
      %dma_wait3A_69 = arith.constant 0 : i32
      %dma_wait3A_70 = tpu.memref_slice %arg5[%arg1, %dma_wait3A_68, %dma_wait3A_69] : memref<16x180x112xi32, #tpu.memory_space<hbm>> -> memref<1x180x112xi32, #tpu.memory_space<hbm>>
      %dma_wait3A_71 = tpu.memref_squeeze %dma_wait3A_70 : memref<1x180x112xi32, #tpu.memory_space<hbm>> -> memref<180x112xi32, #tpu.memory_space<hbm>>
      tpu.wait_dma2 semaphore(%run_scoped3A : memref<!tpu.dma_semaphore, #tpu.memory_space<semaphore_mem>>) src(%dma_wait3A_71 : memref<180x112xi32, #tpu.memory_space<hbm>>) dst(%arg11 : memref<180x112xi32, #tpu.memory_space<vmem>>)
      tpu.yield
    }) : () -> ()
    %dma_start3A = arith.constant 0 : i32
    %dma_start3A_3 = arith.constant 0 : i32
    %dma_start3A_4 = tpu.memref_slice %arg10[%dma_start3A, %dma_start3A_3] : memref<180x112xi32, #tpu.memory_space<vmem>> -> memref<1x112xi32, #tpu.memory_space<vmem>>
    %dma_start3A_5 = tpu.memref_squeeze %dma_start3A_4 : memref<1x112xi32, #tpu.memory_space<vmem>> -> memref<112xi32, #tpu.memory_space<vmem>>
    %dma_start3A_6 = arith.constant 0 : i32
    %dma_start3A_7 = arith.constant 0 : i32
    %dma_start3A_8 = tpu.memref_slice %arg2[%arg0, %dma_start3A_6, %dma_start3A_7] : memref<2x10240x64xf32, #tpu.memory_space<hbm>> -> memref<1x10240x64xf32, #tpu.memory_space<hbm>>
    %dma_start3A_9 = tpu.memref_squeeze %dma_start3A_8 : memref<1x10240x64xf32, #tpu.memory_space<hbm>> -> memref<10240x64xf32, #tpu.memory_space<hbm>>
    %dma_start3A_10 = arith.constant 0 : i32
    %dma_start3A_11 = arith.constant 0 : i32
    %dma_start3A_12 = tpu.memref_slice %dma_start3A_9[%dma_start3A_10, %dma_start3A_11] : memref<10240x64xf32, #tpu.memory_space<hbm>> -> memref<10240x64xf32, #tpu.memory_space<hbm>>
    tpu.enqueue_indirect_dma source(%dma_start3A_12 : memref<10240x64xf32, #tpu.memory_space<hbm>>) target(%arg12 : memref<112x64xf32, #tpu.memory_space<vmem>>) offsets(%dma_start3A_5 : memref<112xi32, #tpu.memory_space<vmem>>) semaphore(%arg19 : memref<!tpu.dma_semaphore, #tpu.memory_space<semaphore_mem>>)
    %dma_start3A_13 = arith.constant 1 : i32
    %dma_start3A_14 = arith.constant 0 : i32
    %dma_start3A_15 = tpu.memref_slice %arg10[%dma_start3A_13, %dma_start3A_14] : memref<180x112xi32, #tpu.memory_space<vmem>> -> memref<1x112xi32, #tpu.memory_space<vmem>>
    %dma_start3A_16 = tpu.memref_squeeze %dma_start3A_15 : memref<1x112xi32, #tpu.memory_space<vmem>> -> memref<112xi32, #tpu.memory_space<vmem>>
    %dma_start3A_17 = arith.constant 0 : i32
    %dma_start3A_18 = arith.constant 0 : i32
    %dma_start3A_19 = tpu.memref_slice %arg2[%arg0, %dma_start3A_17, %dma_start3A_18] : memref<2x10240x64xf32, #tpu.memory_space<hbm>> -> memref<1x10240x64xf32, #tpu.memory_space<hbm>>
    %dma_start3A_20 = tpu.memref_squeeze %dma_start3A_19 : memref<1x10240x64xf32, #tpu.memory_space<hbm>> -> memref<10240x64xf32, #tpu.memory_space<hbm>>
    %dma_start3A_21 = arith.constant 0 : i32
    %dma_start3A_22 = arith.constant 0 : i32
    %dma_start3A_23 = tpu.memref_slice %dma_start3A_20[%dma_start3A_21, %dma_start3A_22] : memref<10240x64xf32, #tpu.memory_space<hbm>> -> memref<10240x64xf32, #tpu.memory_space<hbm>>
    tpu.enqueue_indirect_dma source(%dma_start3A_23 : memref<10240x64xf32, #tpu.memory_space<hbm>>) target(%arg13 : memref<112x64xf32, #tpu.memory_space<vmem>>) offsets(%dma_start3A_16 : memref<112xi32, #tpu.memory_space<vmem>>) semaphore(%arg20 : memref<!tpu.dma_semaphore, #tpu.memory_space<semaphore_mem>>)
    %dma_start3A_24 = arith.constant 2 : i32
    %dma_start3A_25 = arith.constant 0 : i32
    %dma_start3A_26 = tpu.memref_slice %arg10[%dma_start3A_24, %dma_start3A_25] : memref<180x112xi32, #tpu.memory_space<vmem>> -> memref<1x112xi32, #tpu.memory_space<vmem>>
    %dma_start3A_27 = tpu.memref_squeeze %dma_start3A_26 : memref<1x112xi32, #tpu.memory_space<vmem>> -> memref<112xi32, #tpu.memory_space<vmem>>
    %dma_start3A_28 = arith.constant 0 : i32
    %dma_start3A_29 = arith.constant 0 : i32
    %dma_start3A_30 = tpu.memref_slice %arg2[%arg0, %dma_start3A_28, %dma_start3A_29] : memref<2x10240x64xf32, #tpu.memory_space<hbm>> -> memref<1x10240x64xf32, #tpu.memory_space<hbm>>
    %dma_start3A_31 = tpu.memref_squeeze %dma_start3A_30 : memref<1x10240x64xf32, #tpu.memory_space<hbm>> -> memref<10240x64xf32, #tpu.memory_space<hbm>>
    %dma_start3A_32 = arith.constant 0 : i32
    %dma_start3A_33 = arith.constant 0 : i32
    %dma_start3A_34 = tpu.memref_slice %dma_start3A_31[%dma_start3A_32, %dma_start3A_33] : memref<10240x64xf32, #tpu.memory_space<hbm>> -> memref<10240x64xf32, #tpu.memory_space<hbm>>
    tpu.enqueue_indirect_dma source(%dma_start3A_34 : memref<10240x64xf32, #tpu.memory_space<hbm>>) target(%arg14 : memref<112x64xf32, #tpu.memory_space<vmem>>) offsets(%dma_start3A_27 : memref<112xi32, #tpu.memory_space<vmem>>) semaphore(%arg21 : memref<!tpu.dma_semaphore, #tpu.memory_space<semaphore_mem>>)
    "tpu.region"() ({
      %run_scoped3A = tpu.sem_alloc : memref<!tpu.dma_semaphore, #tpu.memory_space<semaphore_mem>>
      tpu.enqueue_dma source(%arg3 : memref<10240xf32, #tpu.memory_space<hbm>>) target(%arg16 : memref<10240xf32, #tpu.memory_space<vmem>>) target_semaphore(%run_scoped3A : memref<!tpu.dma_semaphore, #tpu.memory_space<semaphore_mem>>)
      tpu.wait_dma2 semaphore(%run_scoped3A : memref<!tpu.dma_semaphore, #tpu.memory_space<semaphore_mem>>) src(%arg3 : memref<10240xf32, #tpu.memory_space<hbm>>) dst(%arg16 : memref<10240xf32, #tpu.memory_space<vmem>>)
      tpu.yield
    }) : () -> ()
    "tpu.region"() ({
      %run_scoped3A = tpu.sem_alloc : memref<!tpu.dma_semaphore, #tpu.memory_space<semaphore_mem>>
      tpu.enqueue_dma source(%arg7 : memref<10240xf32, #tpu.memory_space<hbm>>) target(%arg17 : memref<10240xf32, #tpu.memory_space<vmem>>) target_semaphore(%run_scoped3A : memref<!tpu.dma_semaphore, #tpu.memory_space<semaphore_mem>>)
      tpu.wait_dma2 semaphore(%run_scoped3A : memref<!tpu.dma_semaphore, #tpu.memory_space<semaphore_mem>>) src(%arg7 : memref<10240xf32, #tpu.memory_space<hbm>>) dst(%arg17 : memref<10240xf32, #tpu.memory_space<vmem>>)
      tpu.yield
    }) : () -> ()
    %add3A_35 = arith.constant 0 : i32
    %add3A_36 = arith.addi %mul3A_2, %add3A_35 : i32
    "tpu.region"() ({
      %run_scoped3A = tpu.sem_alloc : memref<!tpu.dma_semaphore, #tpu.memory_space<semaphore_mem>>
      %dma_start3A_57 = arith.constant 0 : i32
      %dma_start3A_58 = tpu.memref_slice %arg18[%add3A_36, %dma_start3A_57] : memref<10240x64xf32, #tpu.memory_space<vmem_shared>> -> memref<80x64xf32, #tpu.memory_space<vmem_shared>>
      %dma_start3A_59 = arith.constant 0 : i32
      %dma_start3A_60 = tpu.memref_slice %arg18[%add3A_36, %dma_start3A_59] : memref<10240x64xf32, #tpu.memory_space<vmem_shared>> -> memref<80x64xf32, #tpu.memory_space<vmem_shared>>
      tpu.enqueue_dma source(%arg15 : memref<80x64xf32, #tpu.memory_space<vmem>>) target(%dma_start3A_60 : memref<80x64xf32, #tpu.memory_space<vmem_shared>>) target_semaphore(%run_scoped3A : memref<!tpu.dma_semaphore, #tpu.memory_space<semaphore_mem>>)
      %dma_wait3A = arith.constant 0 : i32
      %dma_wait3A_61 = tpu.memref_slice %arg18[%add3A_36, %dma_wait3A] : memref<10240x64xf32, #tpu.memory_space<vmem_shared>> -> memref<80x64xf32, #tpu.memory_space<vmem_shared>>
      %dma_wait3A_62 = arith.constant 0 : i32
      %dma_wait3A_63 = tpu.memref_slice %arg18[%add3A_36, %dma_wait3A_62] : memref<10240x64xf32, #tpu.memory_space<vmem_shared>> -> memref<80x64xf32, #tpu.memory_space<vmem_shared>>
      tpu.wait_dma2 semaphore(%run_scoped3A : memref<!tpu.dma_semaphore, #tpu.memory_space<semaphore_mem>>) src(%arg15 : memref<80x64xf32, #tpu.memory_space<vmem>>) dst(%dma_wait3A_63 : memref<80x64xf32, #tpu.memory_space<vmem_shared>>)
      tpu.yield
    }) : () -> ()
    %add3A_37 = arith.constant 80 : i32
    %add3A_38 = arith.addi %mul3A_2, %add3A_37 : i32
    "tpu.region"() ({
      %run_scoped3A = tpu.sem_alloc : memref<!tpu.dma_semaphore, #tpu.memory_space<semaphore_mem>>
      %dma_start3A_57 = arith.constant 0 : i32
      %dma_start3A_58 = tpu.memref_slice %arg18[%add3A_38, %dma_start3A_57] : memref<10240x64xf32, #tpu.memory_space<vmem_shared>> -> memref<80x64xf32, #tpu.memory_space<vmem_shared>>
      %dma_start3A_59 = arith.constant 0 : i32
      %dma_start3A_60 = tpu.memref_slice %arg18[%add3A_38, %dma_start3A_59] : memref<10240x64xf32, #tpu.memory_space<vmem_shared>> -> memref<80x64xf32, #tpu.memory_space<vmem_shared>>
      tpu.enqueue_dma source(%arg15 : memref<80x64xf32, #tpu.memory_space<vmem>>) target(%dma_start3A_60 : memref<80x64xf32, #tpu.memory_space<vmem_shared>>) target_semaphore(%run_scoped3A : memref<!tpu.dma_semaphore, #tpu.memory_space<semaphore_mem>>)
      %dma_wait3A = arith.constant 0 : i32
      %dma_wait3A_61 = tpu.memref_slice %arg18[%add3A_38, %dma_wait3A] : memref<10240x64xf32, #tpu.memory_space<vmem_shared>> -> memref<80x64xf32, #tpu.memory_space<vmem_shared>>
      %dma_wait3A_62 = arith.constant 0 : i32
      %dma_wait3A_63 = tpu.memref_slice %arg18[%add3A_38, %dma_wait3A_62] : memref<10240x64xf32, #tpu.memory_space<vmem_shared>> -> memref<80x64xf32, #tpu.memory_space<vmem_shared>>
      tpu.wait_dma2 semaphore(%run_scoped3A : memref<!tpu.dma_semaphore, #tpu.memory_space<semaphore_mem>>) src(%arg15 : memref<80x64xf32, #tpu.memory_space<vmem>>) dst(%dma_wait3A_63 : memref<80x64xf32, #tpu.memory_space<vmem_shared>>)
      tpu.yield
    }) : () -> ()
    %add3A_39 = arith.constant 160 : i32
    %add3A_40 = arith.addi %mul3A_2, %add3A_39 : i32
    "tpu.region"() ({
      %run_scoped3A = tpu.sem_alloc : memref<!tpu.dma_semaphore, #tpu.memory_space<semaphore_mem>>
      %dma_start3A_57 = arith.constant 0 : i32
      %dma_start3A_58 = tpu.memref_slice %arg18[%add3A_40, %dma_start3A_57] : memref<10240x64xf32, #tpu.memory_space<vmem_shared>> -> memref<80x64xf32, #tpu.memory_space<vmem_shared>>
      %dma_start3A_59 = arith.constant 0 : i32
      %dma_start3A_60 = tpu.memref_slice %arg18[%add3A_40, %dma_start3A_59] : memref<10240x64xf32, #tpu.memory_space<vmem_shared>> -> memref<80x64xf32, #tpu.memory_space<vmem_shared>>
      tpu.enqueue_dma source(%arg15 : memref<80x64xf32, #tpu.memory_space<vmem>>) target(%dma_start3A_60 : memref<80x64xf32, #tpu.memory_space<vmem_shared>>) target_semaphore(%run_scoped3A : memref<!tpu.dma_semaphore, #tpu.memory_space<semaphore_mem>>)
      %dma_wait3A = arith.constant 0 : i32
      %dma_wait3A_61 = tpu.memref_slice %arg18[%add3A_40, %dma_wait3A] : memref<10240x64xf32, #tpu.memory_space<vmem_shared>> -> memref<80x64xf32, #tpu.memory_space<vmem_shared>>
      %dma_wait3A_62 = arith.constant 0 : i32
      %dma_wait3A_63 = tpu.memref_slice %arg18[%add3A_40, %dma_wait3A_62] : memref<10240x64xf32, #tpu.memory_space<vmem_shared>> -> memref<80x64xf32, #tpu.memory_space<vmem_shared>>
      tpu.wait_dma2 semaphore(%run_scoped3A : memref<!tpu.dma_semaphore, #tpu.memory_space<semaphore_mem>>) src(%arg15 : memref<80x64xf32, #tpu.memory_space<vmem>>) dst(%dma_wait3A_63 : memref<80x64xf32, #tpu.memory_space<vmem_shared>>)
      tpu.yield
    }) : () -> ()
    %add3A_41 = arith.constant 240 : i32
    %add3A_42 = arith.addi %mul3A_2, %add3A_41 : i32
    "tpu.region"() ({
      %run_scoped3A = tpu.sem_alloc : memref<!tpu.dma_semaphore, #tpu.memory_space<semaphore_mem>>
      %dma_start3A_57 = arith.constant 0 : i32
      %dma_start3A_58 = tpu.memref_slice %arg18[%add3A_42, %dma_start3A_57] : memref<10240x64xf32, #tpu.memory_space<vmem_shared>> -> memref<80x64xf32, #tpu.memory_space<vmem_shared>>
      %dma_start3A_59 = arith.constant 0 : i32
      %dma_start3A_60 = tpu.memref_slice %arg18[%add3A_42, %dma_start3A_59] : memref<10240x64xf32, #tpu.memory_space<vmem_shared>> -> memref<80x64xf32, #tpu.memory_space<vmem_shared>>
      tpu.enqueue_dma source(%arg15 : memref<80x64xf32, #tpu.memory_space<vmem>>) target(%dma_start3A_60 : memref<80x64xf32, #tpu.memory_space<vmem_shared>>) target_semaphore(%run_scoped3A : memref<!tpu.dma_semaphore, #tpu.memory_space<semaphore_mem>>)
      %dma_wait3A = arith.constant 0 : i32
      %dma_wait3A_61 = tpu.memref_slice %arg18[%add3A_42, %dma_wait3A] : memref<10240x64xf32, #tpu.memory_space<vmem_shared>> -> memref<80x64xf32, #tpu.memory_space<vmem_shared>>
      %dma_wait3A_62 = arith.constant 0 : i32
      %dma_wait3A_63 = tpu.memref_slice %arg18[%add3A_42, %dma_wait3A_62] : memref<10240x64xf32, #tpu.memory_space<vmem_shared>> -> memref<80x64xf32, #tpu.memory_space<vmem_shared>>
      tpu.wait_dma2 semaphore(%run_scoped3A : memref<!tpu.dma_semaphore, #tpu.memory_space<semaphore_mem>>) src(%arg15 : memref<80x64xf32, #tpu.memory_space<vmem>>) dst(%dma_wait3A_63 : memref<80x64xf32, #tpu.memory_space<vmem_shared>>)
      tpu.yield
    }) : () -> ()
    %add3A_43 = arith.constant 320 : i32
    %add3A_44 = arith.addi %mul3A_2, %add3A_43 : i32
    "tpu.region"() ({
      %run_scoped3A = tpu.sem_alloc : memref<!tpu.dma_semaphore, #tpu.memory_space<semaphore_mem>>
      %dma_start3A_57 = arith.constant 0 : i32
      %dma_start3A_58 = tpu.memref_slice %arg18[%add3A_44, %dma_start3A_57] : memref<10240x64xf32, #tpu.memory_space<vmem_shared>> -> memref<80x64xf32, #tpu.memory_space<vmem_shared>>
      %dma_start3A_59 = arith.constant 0 : i32
      %dma_start3A_60 = tpu.memref_slice %arg18[%add3A_44, %dma_start3A_59] : memref<10240x64xf32, #tpu.memory_space<vmem_shared>> -> memref<80x64xf32, #tpu.memory_space<vmem_shared>>
      tpu.enqueue_dma source(%arg15 : memref<80x64xf32, #tpu.memory_space<vmem>>) target(%dma_start3A_60 : memref<80x64xf32, #tpu.memory_space<vmem_shared>>) target_semaphore(%run_scoped3A : memref<!tpu.dma_semaphore, #tpu.memory_space<semaphore_mem>>)
      %dma_wait3A = arith.constant 0 : i32
      %dma_wait3A_61 = tpu.memref_slice %arg18[%add3A_44, %dma_wait3A] : memref<10240x64xf32, #tpu.memory_space<vmem_shared>> -> memref<80x64xf32, #tpu.memory_space<vmem_shared>>
      %dma_wait3A_62 = arith.constant 0 : i32
      %dma_wait3A_63 = tpu.memref_slice %arg18[%add3A_44, %dma_wait3A_62] : memref<10240x64xf32, #tpu.memory_space<vmem_shared>> -> memref<80x64xf32, #tpu.memory_space<vmem_shared>>
      tpu.wait_dma2 semaphore(%run_scoped3A : memref<!tpu.dma_semaphore, #tpu.memory_space<semaphore_mem>>) src(%arg15 : memref<80x64xf32, #tpu.memory_space<vmem>>) dst(%dma_wait3A_63 : memref<80x64xf32, #tpu.memory_space<vmem_shared>>)
      tpu.yield
    }) : () -> ()
    %add3A_45 = arith.constant 400 : i32
    %add3A_46 = arith.addi %mul3A_2, %add3A_45 : i32
    "tpu.region"() ({
      %run_scoped3A = tpu.sem_alloc : memref<!tpu.dma_semaphore, #tpu.memory_space<semaphore_mem>>
      %dma_start3A_57 = arith.constant 0 : i32
      %dma_start3A_58 = tpu.memref_slice %arg18[%add3A_46, %dma_start3A_57] : memref<10240x64xf32, #tpu.memory_space<vmem_shared>> -> memref<80x64xf32, #tpu.memory_space<vmem_shared>>
      %dma_start3A_59 = arith.constant 0 : i32
      %dma_start3A_60 = tpu.memref_slice %arg18[%add3A_46, %dma_start3A_59] : memref<10240x64xf32, #tpu.memory_space<vmem_shared>> -> memref<80x64xf32, #tpu.memory_space<vmem_shared>>
      tpu.enqueue_dma source(%arg15 : memref<80x64xf32, #tpu.memory_space<vmem>>) target(%dma_start3A_60 : memref<80x64xf32, #tpu.memory_space<vmem_shared>>) target_semaphore(%run_scoped3A : memref<!tpu.dma_semaphore, #tpu.memory_space<semaphore_mem>>)
      %dma_wait3A = arith.constant 0 : i32
      %dma_wait3A_61 = tpu.memref_slice %arg18[%add3A_46, %dma_wait3A] : memref<10240x64xf32, #tpu.memory_space<vmem_shared>> -> memref<80x64xf32, #tpu.memory_space<vmem_shared>>
      %dma_wait3A_62 = arith.constant 0 : i32
      %dma_wait3A_63 = tpu.memref_slice %arg18[%add3A_46, %dma_wait3A_62] : memref<10240x64xf32, #tpu.memory_space<vmem_shared>> -> memref<80x64xf32, #tpu.memory_space<vmem_shared>>
      tpu.wait_dma2 semaphore(%run_scoped3A : memref<!tpu.dma_semaphore, #tpu.memory_space<semaphore_mem>>) src(%arg15 : memref<80x64xf32, #tpu.memory_space<vmem>>) dst(%dma_wait3A_63 : memref<80x64xf32, #tpu.memory_space<vmem_shared>>)
      tpu.yield
    }) : () -> ()
    %add3A_47 = arith.constant 480 : i32
    %add3A_48 = arith.addi %mul3A_2, %add3A_47 : i32
    "tpu.region"() ({
      %run_scoped3A = tpu.sem_alloc : memref<!tpu.dma_semaphore, #tpu.memory_space<semaphore_mem>>
      %dma_start3A_57 = arith.constant 0 : i32
      %dma_start3A_58 = tpu.memref_slice %arg18[%add3A_48, %dma_start3A_57] : memref<10240x64xf32, #tpu.memory_space<vmem_shared>> -> memref<80x64xf32, #tpu.memory_space<vmem_shared>>
      %dma_start3A_59 = arith.constant 0 : i32
      %dma_start3A_60 = tpu.memref_slice %arg18[%add3A_48, %dma_start3A_59] : memref<10240x64xf32, #tpu.memory_space<vmem_shared>> -> memref<80x64xf32, #tpu.memory_space<vmem_shared>>
      tpu.enqueue_dma source(%arg15 : memref<80x64xf32, #tpu.memory_space<vmem>>) target(%dma_start3A_60 : memref<80x64xf32, #tpu.memory_space<vmem_shared>>) target_semaphore(%run_scoped3A : memref<!tpu.dma_semaphore, #tpu.memory_space<semaphore_mem>>)
      %dma_wait3A = arith.constant 0 : i32
      %dma_wait3A_61 = tpu.memref_slice %arg18[%add3A_48, %dma_wait3A] : memref<10240x64xf32, #tpu.memory_space<vmem_shared>> -> memref<80x64xf32, #tpu.memory_space<vmem_shared>>
      %dma_wait3A_62 = arith.constant 0 : i32
      %dma_wait3A_63 = tpu.memref_slice %arg18[%add3A_48, %dma_wait3A_62] : memref<10240x64xf32, #tpu.memory_space<vmem_shared>> -> memref<80x64xf32, #tpu.memory_space<vmem_shared>>
      tpu.wait_dma2 semaphore(%run_scoped3A : memref<!tpu.dma_semaphore, #tpu.memory_space<semaphore_mem>>) src(%arg15 : memref<80x64xf32, #tpu.memory_space<vmem>>) dst(%dma_wait3A_63 : memref<80x64xf32, #tpu.memory_space<vmem_shared>>)
      tpu.yield
    }) : () -> ()
    %add3A_49 = arith.constant 560 : i32
    %add3A_50 = arith.addi %mul3A_2, %add3A_49 : i32
    "tpu.region"() ({
      %run_scoped3A = tpu.sem_alloc : memref<!tpu.dma_semaphore, #tpu.memory_space<semaphore_mem>>
      %dma_start3A_57 = arith.constant 0 : i32
      %dma_start3A_58 = tpu.memref_slice %arg18[%add3A_50, %dma_start3A_57] : memref<10240x64xf32, #tpu.memory_space<vmem_shared>> -> memref<80x64xf32, #tpu.memory_space<vmem_shared>>
      %dma_start3A_59 = arith.constant 0 : i32
      %dma_start3A_60 = tpu.memref_slice %arg18[%add3A_50, %dma_start3A_59] : memref<10240x64xf32, #tpu.memory_space<vmem_shared>> -> memref<80x64xf32, #tpu.memory_space<vmem_shared>>
      tpu.enqueue_dma source(%arg15 : memref<80x64xf32, #tpu.memory_space<vmem>>) target(%dma_start3A_60 : memref<80x64xf32, #tpu.memory_space<vmem_shared>>) target_semaphore(%run_scoped3A : memref<!tpu.dma_semaphore, #tpu.memory_space<semaphore_mem>>)
      %dma_wait3A = arith.constant 0 : i32
      %dma_wait3A_61 = tpu.memref_slice %arg18[%add3A_50, %dma_wait3A] : memref<10240x64xf32, #tpu.memory_space<vmem_shared>> -> memref<80x64xf32, #tpu.memory_space<vmem_shared>>
      %dma_wait3A_62 = arith.constant 0 : i32
      %dma_wait3A_63 = tpu.memref_slice %arg18[%add3A_50, %dma_wait3A_62] : memref<10240x64xf32, #tpu.memory_space<vmem_shared>> -> memref<80x64xf32, #tpu.memory_space<vmem_shared>>
      tpu.wait_dma2 semaphore(%run_scoped3A : memref<!tpu.dma_semaphore, #tpu.memory_space<semaphore_mem>>) src(%arg15 : memref<80x64xf32, #tpu.memory_space<vmem>>) dst(%dma_wait3A_63 : memref<80x64xf32, #tpu.memory_space<vmem_shared>>)
      tpu.yield
    }) : () -> ()
    %barrier3A = arith.constant 0 : index
    tpu.barrier barrier_id(%barrier3A)
    %scan3A = arith.constant 0 : i32
    %scan3A_51 = arith.constant 0 : i32
    %scan3A_52 = arith.constant 60 : i32
    %scan3A_53 = arith.addi %scan3A_51, %scan3A_52 : i32
    %scan3A_54 = arith.constant 1 : i32
    scf.for %scan3A_57 = %scan3A_51 to %scan3A_53 step %scan3A_54  : i32 {
      %mul3A_58 = arith.constant 3 : i32
      %mul3A_59 = arith.muli %mul3A_58, %scan3A_57 : i32
      %add3A_60 = arith.constant 0 : i32
      %add3A_61 = arith.addi %mul3A_59, %add3A_60 : i32
      %get3A = arith.index_cast %add3A_61 : i32 to index
      %get3A_62 = arith.constant 0 : index
      %get3A_63 = tpu.vector_load %arg11[%get3A, %get3A_62] {strides = array<i32>} : memref<180x112xi32, #tpu.memory_space<vmem>>, vector<16xi32>,
      %get3A_64 = arith.index_cast %add3A_61 : i32 to index
      %get3A_65 = arith.constant 0 : index
      %get3A_66 = tpu.vector_load %arg10[%get3A_64, %get3A_65] {strides = array<i32>} : memref<180x112xi32, #tpu.memory_space<vmem>>, vector<16xi32>,
      %gather3A = tpu.vector_load_idx %arg16[%get3A_63] : memref<10240xf32, #tpu.memory_space<vmem>>[vector<16xi32>], vector<16xf32>,
      tpu.vector_store_idx %arg17[%get3A_66], %gather3A {add = true} : memref<10240xf32, #tpu.memory_space<vmem>>[vector<16xi32>], vector<16xf32>,
      %get3A_67 = arith.index_cast %add3A_61 : i32 to index
      %get3A_68 = arith.constant 16 : index
      %get3A_69 = tpu.vector_load %arg11[%get3A_67, %get3A_68] {strides = array<i32>} : memref<180x112xi32, #tpu.memory_space<vmem>>, vector<16xi32>,
      %get3A_70 = arith.index_cast %add3A_61 : i32 to index
      %get3A_71 = arith.constant 16 : index
      %get3A_72 = tpu.vector_load %arg10[%get3A_70, %get3A_71] {strides = array<i32>} : memref<180x112xi32, #tpu.memory_space<vmem>>, vector<16xi32>,
      %gather3A_73 = tpu.vector_load_idx %arg16[%get3A_69] : memref<10240xf32, #tpu.memory_space<vmem>>[vector<16xi32>], vector<16xf32>,
      tpu.vector_store_idx %arg17[%get3A_72], %gather3A_73 {add = true} : memref<10240xf32, #tpu.memory_space<vmem>>[vector<16xi32>], vector<16xf32>,
      %get3A_74 = arith.index_cast %add3A_61 : i32 to index
      %get3A_75 = arith.constant 32 : index
      %get3A_76 = tpu.vector_load %arg11[%get3A_74, %get3A_75] {strides = array<i32>} : memref<180x112xi32, #tpu.memory_space<vmem>>, vector<16xi32>,
      %get3A_77 = arith.index_cast %add3A_61 : i32 to index
      %get3A_78 = arith.constant 32 : index
      %get3A_79 = tpu.vector_load %arg10[%get3A_77, %get3A_78] {strides = array<i32>} : memref<180x112xi32, #tpu.memory_space<vmem>>, vector<16xi32>,
      %gather3A_80 = tpu.vector_load_idx %arg16[%get3A_76] : memref<10240xf32, #tpu.memory_space<vmem>>[vector<16xi32>], vector<16xf32>,
      tpu.vector_store_idx %arg17[%get3A_79], %gather3A_80 {add = true} : memref<10240xf32, #tpu.memory_space<vmem>>[vector<16xi32>], vector<16xf32>,
      %get3A_81 = arith.index_cast %add3A_61 : i32 to index
      %get3A_82 = arith.constant 48 : index
      %get3A_83 = tpu.vector_load %arg11[%get3A_81, %get3A_82] {strides = array<i32>} : memref<180x112xi32, #tpu.memory_space<vmem>>, vector<16xi32>,
      %get3A_84 = arith.index_cast %add3A_61 : i32 to index
      %get3A_85 = arith.constant 48 : index
      %get3A_86 = tpu.vector_load %arg10[%get3A_84, %get3A_85] {strides = array<i32>} : memref<180x112xi32, #tpu.memory_space<vmem>>, vector<16xi32>,
      %gather3A_87 = tpu.vector_load_idx %arg16[%get3A_83] : memref<10240xf32, #tpu.memory_space<vmem>>[vector<16xi32>], vector<16xf32>,
      tpu.vector_store_idx %arg17[%get3A_86], %gather3A_87 {add = true} : memref<10240xf32, #tpu.memory_space<vmem>>[vector<16xi32>], vector<16xf32>,
      %get3A_88 = arith.index_cast %add3A_61 : i32 to index
      %get3A_89 = arith.constant 64 : index
      %get3A_90 = tpu.vector_load %arg11[%get3A_88, %get3A_89] {strides = array<i32>} : memref<180x112xi32, #tpu.memory_space<vmem>>, vector<16xi32>,
      %get3A_91 = arith.index_cast %add3A_61 : i32 to index
      %get3A_92 = arith.constant 64 : index
      %get3A_93 = tpu.vector_load %arg10[%get3A_91, %get3A_92] {strides = array<i32>} : memref<180x112xi32, #tpu.memory_space<vmem>>, vector<16xi32>,
      %gather3A_94 = tpu.vector_load_idx %arg16[%get3A_90] : memref<10240xf32, #tpu.memory_space<vmem>>[vector<16xi32>], vector<16xf32>,
      tpu.vector_store_idx %arg17[%get3A_93], %gather3A_94 {add = true} : memref<10240xf32, #tpu.memory_space<vmem>>[vector<16xi32>], vector<16xf32>,
      %get3A_95 = arith.index_cast %add3A_61 : i32 to index
      %get3A_96 = arith.constant 80 : index
      %get3A_97 = tpu.vector_load %arg11[%get3A_95, %get3A_96] {strides = array<i32>} : memref<180x112xi32, #tpu.memory_space<vmem>>, vector<16xi32>,
      %get3A_98 = arith.index_cast %add3A_61 : i32 to index
      %get3A_99 = arith.constant 80 : index
      %get3A_100 = tpu.vector_load %arg10[%get3A_98, %get3A_99] {strides = array<i32>} : memref<180x112xi32, #tpu.memory_space<vmem>>, vector<16xi32>,
      %gather3A_101 = tpu.vector_load_idx %arg16[%get3A_97] : memref<10240xf32, #tpu.memory_space<vmem>>[vector<16xi32>], vector<16xf32>,
      tpu.vector_store_idx %arg17[%get3A_100], %gather3A_101 {add = true} : memref<10240xf32, #tpu.memory_space<vmem>>[vector<16xi32>], vector<16xf32>,
      %get3A_102 = arith.index_cast %add3A_61 : i32 to index
      %get3A_103 = arith.constant 96 : index
      %get3A_104 = tpu.vector_load %arg11[%get3A_102, %get3A_103] {strides = array<i32>} : memref<180x112xi32, #tpu.memory_space<vmem>>, vector<16xi32>,
      %get3A_105 = arith.index_cast %add3A_61 : i32 to index
      %get3A_106 = arith.constant 96 : index
      %get3A_107 = tpu.vector_load %arg10[%get3A_105, %get3A_106] {strides = array<i32>} : memref<180x112xi32, #tpu.memory_space<vmem>>, vector<16xi32>,
      %gather3A_108 = tpu.vector_load_idx %arg16[%get3A_104] : memref<10240xf32, #tpu.memory_space<vmem>>[vector<16xi32>], vector<16xf32>,
      tpu.vector_store_idx %arg17[%get3A_107], %gather3A_108 {add = true} : memref<10240xf32, #tpu.memory_space<vmem>>[vector<16xi32>], vector<16xf32>,
      %dma_wait3A = arith.constant 0 : i32
      %dma_wait3A_109 = tpu.memref_slice %arg10[%add3A_61, %dma_wait3A] : memref<180x112xi32, #tpu.memory_space<vmem>> -> memref<1x112xi32, #tpu.memory_space<vmem>>
      %dma_wait3A_110 = tpu.memref_squeeze %dma_wait3A_109 : memref<1x112xi32, #tpu.memory_space<vmem>> -> memref<112xi32, #tpu.memory_space<vmem>>
      %dma_wait3A_111 = arith.constant 0 : i32
      %dma_wait3A_112 = arith.constant 0 : i32
      %dma_wait3A_113 = tpu.memref_slice %arg2[%arg0, %dma_wait3A_111, %dma_wait3A_112] : memref<2x10240x64xf32, #tpu.memory_space<hbm>> -> memref<1x10240x64xf32, #tpu.memory_space<hbm>>
      %dma_wait3A_114 = tpu.memref_squeeze %dma_wait3A_113 : memref<1x10240x64xf32, #tpu.memory_space<hbm>> -> memref<10240x64xf32, #tpu.memory_space<hbm>>
      %dma_wait3A_115 = arith.constant 0 : i32
      %dma_wait3A_116 = arith.constant 0 : i32
      %dma_wait3A_117 = tpu.memref_slice %dma_wait3A_114[%dma_wait3A_115, %dma_wait3A_116] : memref<10240x64xf32, #tpu.memory_space<hbm>> -> memref<10240x64xf32, #tpu.memory_space<hbm>>
      tpu.wait_indirect_dma semaphore(%arg19 : memref<!tpu.dma_semaphore, #tpu.memory_space<semaphore_mem>>) src(%dma_wait3A_117 : memref<10240x64xf32, #tpu.memory_space<hbm>>) dst(%arg12 : memref<112x64xf32, #tpu.memory_space<vmem>>)
      "tpu.region"() ({
        %run_scoped3A = tpu.sem_alloc : memref<!tpu.dma_semaphore, #tpu.memory_space<semaphore_mem>>
        %dma_start3A_262 = arith.constant 0 : i32
        %dma_start3A_263 = tpu.memref_slice %arg11[%add3A_61, %dma_start3A_262] : memref<180x112xi32, #tpu.memory_space<vmem>> -> memref<1x112xi32, #tpu.memory_space<vmem>>
        %dma_start3A_264 = tpu.memref_squeeze %dma_start3A_263 : memref<1x112xi32, #tpu.memory_space<vmem>> -> memref<112xi32, #tpu.memory_space<vmem>>
        %dma_start3A_265 = arith.constant 0 : i32
        %dma_start3A_266 = arith.constant 0 : i32
        %dma_start3A_267 = tpu.memref_slice %arg18[%dma_start3A_265, %dma_start3A_266] : memref<10240x64xf32, #tpu.memory_space<vmem_shared>> -> memref<10240x64xf32, #tpu.memory_space<vmem_shared>>
        tpu.enqueue_indirect_dma source(%arg12 : memref<112x64xf32, #tpu.memory_space<vmem>>) target(%dma_start3A_267 : memref<10240x64xf32, #tpu.memory_space<vmem_shared>>) offsets(%dma_start3A_264 : memref<112xi32, #tpu.memory_space<vmem>>) semaphore(%run_scoped3A : memref<!tpu.dma_semaphore, #tpu.memory_space<semaphore_mem>>) {add = true}
        %dma_wait3A_268 = arith.constant 0 : i32
        %dma_wait3A_269 = tpu.memref_slice %arg11[%add3A_61, %dma_wait3A_268] : memref<180x112xi32, #tpu.memory_space<vmem>> -> memref<1x112xi32, #tpu.memory_space<vmem>>
        %dma_wait3A_270 = tpu.memref_squeeze %dma_wait3A_269 : memref<1x112xi32, #tpu.memory_space<vmem>> -> memref<112xi32, #tpu.memory_space<vmem>>
        %dma_wait3A_271 = arith.constant 0 : i32
        %dma_wait3A_272 = arith.constant 0 : i32
        %dma_wait3A_273 = tpu.memref_slice %arg18[%dma_wait3A_271, %dma_wait3A_272] : memref<10240x64xf32, #tpu.memory_space<vmem_shared>> -> memref<10240x64xf32, #tpu.memory_space<vmem_shared>>
        tpu.wait_indirect_dma semaphore(%run_scoped3A : memref<!tpu.dma_semaphore, #tpu.memory_space<semaphore_mem>>) src(%arg12 : memref<112x64xf32, #tpu.memory_space<vmem>>) dst(%dma_wait3A_273 : memref<10240x64xf32, #tpu.memory_space<vmem_shared>>)
        tpu.yield
      }) : () -> ()
      %add3A_118 = arith.constant 3 : i32
      %add3A_119 = arith.addi %add3A_61, %add3A_118 : i32
      %lt3A = arith.constant 180 : i32
      %lt3A_120 = arith.cmpi slt, %add3A_119, %lt3A : i32
      %convert_element_type3A = arith.extui %lt3A_120 : i1 to i32
      %cond3A = arith.constant 0 : i32
      %cond3A_121 = arith.cmpi ne, %convert_element_type3A, %cond3A : i32
      scf.if %cond3A_121 {
        %add3A_262 = arith.constant 3 : i32
        %add3A_263 = arith.addi %add3A_61, %add3A_262 : i32
        %dma_start3A_264 = arith.constant 0 : i32
        %dma_start3A_265 = tpu.memref_slice %arg10[%add3A_263, %dma_start3A_264] : memref<180x112xi32, #tpu.memory_space<vmem>> -> memref<1x112xi32, #tpu.memory_space<vmem>>
        %dma_start3A_266 = tpu.memref_squeeze %dma_start3A_265 : memref<1x112xi32, #tpu.memory_space<vmem>> -> memref<112xi32, #tpu.memory_space<vmem>>
        %dma_start3A_267 = arith.constant 0 : i32
        %dma_start3A_268 = arith.constant 0 : i32
        %dma_start3A_269 = tpu.memref_slice %arg2[%arg0, %dma_start3A_267, %dma_start3A_268] : memref<2x10240x64xf32, #tpu.memory_space<hbm>> -> memref<1x10240x64xf32, #tpu.memory_space<hbm>>
        %dma_start3A_270 = tpu.memref_squeeze %dma_start3A_269 : memref<1x10240x64xf32, #tpu.memory_space<hbm>> -> memref<10240x64xf32, #tpu.memory_space<hbm>>
        %dma_start3A_271 = arith.constant 0 : i32
        %dma_start3A_272 = arith.constant 0 : i32
        %dma_start3A_273 = tpu.memref_slice %dma_start3A_270[%dma_start3A_271, %dma_start3A_272] : memref<10240x64xf32, #tpu.memory_space<hbm>> -> memref<10240x64xf32, #tpu.memory_space<hbm>>
        tpu.enqueue_indirect_dma source(%dma_start3A_273 : memref<10240x64xf32, #tpu.memory_space<hbm>>) target(%arg12 : memref<112x64xf32, #tpu.memory_space<vmem>>) offsets(%dma_start3A_266 : memref<112xi32, #tpu.memory_space<vmem>>) semaphore(%arg19 : memref<!tpu.dma_semaphore, #tpu.memory_space<semaphore_mem>>)
      } else {
      }
      %mul3A_122 = arith.constant 3 : i32
      %mul3A_123 = arith.muli %mul3A_122, %scan3A_57 : i32
      %add3A_124 = arith.constant 1 : i32
      %add3A_125 = arith.addi %mul3A_123, %add3A_124 : i32
      %get3A_126 = arith.index_cast %add3A_125 : i32 to index
      %get3A_127 = arith.constant 0 : index
      %get3A_128 = tpu.vector_load %arg11[%get3A_126, %get3A_127] {strides = array<i32>} : memref<180x112xi32, #tpu.memory_space<vmem>>, vector<16xi32>,
      %get3A_129 = arith.index_cast %add3A_125 : i32 to index
      %get3A_130 = arith.constant 0 : index
      %get3A_131 = tpu.vector_load %arg10[%get3A_129, %get3A_130] {strides = array<i32>} : memref<180x112xi32, #tpu.memory_space<vmem>>, vector<16xi32>,
      %gather3A_132 = tpu.vector_load_idx %arg16[%get3A_128] : memref<10240xf32, #tpu.memory_space<vmem>>[vector<16xi32>], vector<16xf32>,
      tpu.vector_store_idx %arg17[%get3A_131], %gather3A_132 {add = true} : memref<10240xf32, #tpu.memory_space<vmem>>[vector<16xi32>], vector<16xf32>,
      %get3A_133 = arith.index_cast %add3A_125 : i32 to index
      %get3A_134 = arith.constant 16 : index
      %get3A_135 = tpu.vector_load %arg11[%get3A_133, %get3A_134] {strides = array<i32>} : memref<180x112xi32, #tpu.memory_space<vmem>>, vector<16xi32>,
      %get3A_136 = arith.index_cast %add3A_125 : i32 to index
      %get3A_137 = arith.constant 16 : index
      %get3A_138 = tpu.vector_load %arg10[%get3A_136, %get3A_137] {strides = array<i32>} : memref<180x112xi32, #tpu.memory_space<vmem>>, vector<16xi32>,
      %gather3A_139 = tpu.vector_load_idx %arg16[%get3A_135] : memref<10240xf32, #tpu.memory_space<vmem>>[vector<16xi32>], vector<16xf32>,
      tpu.vector_store_idx %arg17[%get3A_138], %gather3A_139 {add = true} : memref<10240xf32, #tpu.memory_space<vmem>>[vector<16xi32>], vector<16xf32>,
      %get3A_140 = arith.index_cast %add3A_125 : i32 to index
      %get3A_141 = arith.constant 32 : index
      %get3A_142 = tpu.vector_load %arg11[%get3A_140, %get3A_141] {strides = array<i32>} : memref<180x112xi32, #tpu.memory_space<vmem>>, vector<16xi32>,
      %get3A_143 = arith.index_cast %add3A_125 : i32 to index
      %get3A_144 = arith.constant 32 : index
      %get3A_145 = tpu.vector_load %arg10[%get3A_143, %get3A_144] {strides = array<i32>} : memref<180x112xi32, #tpu.memory_space<vmem>>, vector<16xi32>,
      %gather3A_146 = tpu.vector_load_idx %arg16[%get3A_142] : memref<10240xf32, #tpu.memory_space<vmem>>[vector<16xi32>], vector<16xf32>,
      tpu.vector_store_idx %arg17[%get3A_145], %gather3A_146 {add = true} : memref<10240xf32, #tpu.memory_space<vmem>>[vector<16xi32>], vector<16xf32>,
      %get3A_147 = arith.index_cast %add3A_125 : i32 to index
      %get3A_148 = arith.constant 48 : index
      %get3A_149 = tpu.vector_load %arg11[%get3A_147, %get3A_148] {strides = array<i32>} : memref<180x112xi32, #tpu.memory_space<vmem>>, vector<16xi32>,
      %get3A_150 = arith.index_cast %add3A_125 : i32 to index
      %get3A_151 = arith.constant 48 : index
      %get3A_152 = tpu.vector_load %arg10[%get3A_150, %get3A_151] {strides = array<i32>} : memref<180x112xi32, #tpu.memory_space<vmem>>, vector<16xi32>,
      %gather3A_153 = tpu.vector_load_idx %arg16[%get3A_149] : memref<10240xf32, #tpu.memory_space<vmem>>[vector<16xi32>], vector<16xf32>,
      tpu.vector_store_idx %arg17[%get3A_152], %gather3A_153 {add = true} : memref<10240xf32, #tpu.memory_space<vmem>>[vector<16xi32>], vector<16xf32>,
      %get3A_154 = arith.index_cast %add3A_125 : i32 to index
      %get3A_155 = arith.constant 64 : index
      %get3A_156 = tpu.vector_load %arg11[%get3A_154, %get3A_155] {strides = array<i32>} : memref<180x112xi32, #tpu.memory_space<vmem>>, vector<16xi32>,
      %get3A_157 = arith.index_cast %add3A_125 : i32 to index
      %get3A_158 = arith.constant 64 : index
      %get3A_159 = tpu.vector_load %arg10[%get3A_157, %get3A_158] {strides = array<i32>} : memref<180x112xi32, #tpu.memory_space<vmem>>, vector<16xi32>,
      %gather3A_160 = tpu.vector_load_idx %arg16[%get3A_156] : memref<10240xf32, #tpu.memory_space<vmem>>[vector<16xi32>], vector<16xf32>,
      tpu.vector_store_idx %arg17[%get3A_159], %gather3A_160 {add = true} : memref<10240xf32, #tpu.memory_space<vmem>>[vector<16xi32>], vector<16xf32>,
      %get3A_161 = arith.index_cast %add3A_125 : i32 to index
      %get3A_162 = arith.constant 80 : index
      %get3A_163 = tpu.vector_load %arg11[%get3A_161, %get3A_162] {strides = array<i32>} : memref<180x112xi32, #tpu.memory_space<vmem>>, vector<16xi32>,
      %get3A_164 = arith.index_cast %add3A_125 : i32 to index
      %get3A_165 = arith.constant 80 : index
      %get3A_166 = tpu.vector_load %arg10[%get3A_164, %get3A_165] {strides = array<i32>} : memref<180x112xi32, #tpu.memory_space<vmem>>, vector<16xi32>,
      %gather3A_167 = tpu.vector_load_idx %arg16[%get3A_163] : memref<10240xf32, #tpu.memory_space<vmem>>[vector<16xi32>], vector<16xf32>,
      tpu.vector_store_idx %arg17[%get3A_166], %gather3A_167 {add = true} : memref<10240xf32, #tpu.memory_space<vmem>>[vector<16xi32>], vector<16xf32>,
      %get3A_168 = arith.index_cast %add3A_125 : i32 to index
      %get3A_169 = arith.constant 96 : index
      %get3A_170 = tpu.vector_load %arg11[%get3A_168, %get3A_169] {strides = array<i32>} : memref<180x112xi32, #tpu.memory_space<vmem>>, vector<16xi32>,
      %get3A_171 = arith.index_cast %add3A_125 : i32 to index
      %get3A_172 = arith.constant 96 : index
      %get3A_173 = tpu.vector_load %arg10[%get3A_171, %get3A_172] {strides = array<i32>} : memref<180x112xi32, #tpu.memory_space<vmem>>, vector<16xi32>,
      %gather3A_174 = tpu.vector_load_idx %arg16[%get3A_170] : memref<10240xf32, #tpu.memory_space<vmem>>[vector<16xi32>], vector<16xf32>,
      tpu.vector_store_idx %arg17[%get3A_173], %gather3A_174 {add = true} : memref<10240xf32, #tpu.memory_space<vmem>>[vector<16xi32>], vector<16xf32>,
      %dma_wait3A_175 = arith.constant 0 : i32
      %dma_wait3A_176 = tpu.memref_slice %arg10[%add3A_125, %dma_wait3A_175] : memref<180x112xi32, #tpu.memory_space<vmem>> -> memref<1x112xi32, #tpu.memory_space<vmem>>
      %dma_wait3A_177 = tpu.memref_squeeze %dma_wait3A_176 : memref<1x112xi32, #tpu.memory_space<vmem>> -> memref<112xi32, #tpu.memory_space<vmem>>
      %dma_wait3A_178 = arith.constant 0 : i32
      %dma_wait3A_179 = arith.constant 0 : i32
      %dma_wait3A_180 = tpu.memref_slice %arg2[%arg0, %dma_wait3A_178, %dma_wait3A_179] : memref<2x10240x64xf32, #tpu.memory_space<hbm>> -> memref<1x10240x64xf32, #tpu.memory_space<hbm>>
      %dma_wait3A_181 = tpu.memref_squeeze %dma_wait3A_180 : memref<1x10240x64xf32, #tpu.memory_space<hbm>> -> memref<10240x64xf32, #tpu.memory_space<hbm>>
      %dma_wait3A_182 = arith.constant 0 : i32
      %dma_wait3A_183 = arith.constant 0 : i32
      %dma_wait3A_184 = tpu.memref_slice %dma_wait3A_181[%dma_wait3A_182, %dma_wait3A_183] : memref<10240x64xf32, #tpu.memory_space<hbm>> -> memref<10240x64xf32, #tpu.memory_space<hbm>>
      tpu.wait_indirect_dma semaphore(%arg20 : memref<!tpu.dma_semaphore, #tpu.memory_space<semaphore_mem>>) src(%dma_wait3A_184 : memref<10240x64xf32, #tpu.memory_space<hbm>>) dst(%arg13 : memref<112x64xf32, #tpu.memory_space<vmem>>)
      "tpu.region"() ({
        %run_scoped3A = tpu.sem_alloc : memref<!tpu.dma_semaphore, #tpu.memory_space<semaphore_mem>>
        %dma_start3A_262 = arith.constant 0 : i32
        %dma_start3A_263 = tpu.memref_slice %arg11[%add3A_125, %dma_start3A_262] : memref<180x112xi32, #tpu.memory_space<vmem>> -> memref<1x112xi32, #tpu.memory_space<vmem>>
        %dma_start3A_264 = tpu.memref_squeeze %dma_start3A_263 : memref<1x112xi32, #tpu.memory_space<vmem>> -> memref<112xi32, #tpu.memory_space<vmem>>
        %dma_start3A_265 = arith.constant 0 : i32
        %dma_start3A_266 = arith.constant 0 : i32
        %dma_start3A_267 = tpu.memref_slice %arg18[%dma_start3A_265, %dma_start3A_266] : memref<10240x64xf32, #tpu.memory_space<vmem_shared>> -> memref<10240x64xf32, #tpu.memory_space<vmem_shared>>
        tpu.enqueue_indirect_dma source(%arg13 : memref<112x64xf32, #tpu.memory_space<vmem>>) target(%dma_start3A_267 : memref<10240x64xf32, #tpu.memory_space<vmem_shared>>) offsets(%dma_start3A_264 : memref<112xi32, #tpu.memory_space<vmem>>) semaphore(%run_scoped3A : memref<!tpu.dma_semaphore, #tpu.memory_space<semaphore_mem>>) {add = true}
        %dma_wait3A_268 = arith.constant 0 : i32
        %dma_wait3A_269 = tpu.memref_slice %arg11[%add3A_125, %dma_wait3A_268] : memref<180x112xi32, #tpu.memory_space<vmem>> -> memref<1x112xi32, #tpu.memory_space<vmem>>
        %dma_wait3A_270 = tpu.memref_squeeze %dma_wait3A_269 : memref<1x112xi32, #tpu.memory_space<vmem>> -> memref<112xi32, #tpu.memory_space<vmem>>
        %dma_wait3A_271 = arith.constant 0 : i32
        %dma_wait3A_272 = arith.constant 0 : i32
        %dma_wait3A_273 = tpu.memref_slice %arg18[%dma_wait3A_271, %dma_wait3A_272] : memref<10240x64xf32, #tpu.memory_space<vmem_shared>> -> memref<10240x64xf32, #tpu.memory_space<vmem_shared>>
        tpu.wait_indirect_dma semaphore(%run_scoped3A : memref<!tpu.dma_semaphore, #tpu.memory_space<semaphore_mem>>) src(%arg13 : memref<112x64xf32, #tpu.memory_space<vmem>>) dst(%dma_wait3A_273 : memref<10240x64xf32, #tpu.memory_space<vmem_shared>>)
        tpu.yield
      }) : () -> ()
      %add3A_185 = arith.constant 3 : i32
      %add3A_186 = arith.addi %add3A_125, %add3A_185 : i32
      %lt3A_187 = arith.constant 180 : i32
      %lt3A_188 = arith.cmpi slt, %add3A_186, %lt3A_187 : i32
      %convert_element_type3A_189 = arith.extui %lt3A_188 : i1 to i32
      %cond3A_190 = arith.constant 0 : i32
      %cond3A_191 = arith.cmpi ne, %convert_element_type3A_189, %cond3A_190 : i32
      scf.if %cond3A_191 {
        %add3A_262 = arith.constant 3 : i32
        %add3A_263 = arith.addi %add3A_125, %add3A_262 : i32
        %dma_start3A_264 = arith.constant 0 : i32
        %dma_start3A_265 = tpu.memref_slice %arg10[%add3A_263, %dma_start3A_264] : memref<180x112xi32, #tpu.memory_space<vmem>> -> memref<1x112xi32, #tpu.memory_space<vmem>>
        %dma_start3A_266 = tpu.memref_squeeze %dma_start3A_265 : memref<1x112xi32, #tpu.memory_space<vmem>> -> memref<112xi32, #tpu.memory_space<vmem>>
        %dma_start3A_267 = arith.constant 0 : i32
        %dma_start3A_268 = arith.constant 0 : i32
        %dma_start3A_269 = tpu.memref_slice %arg2[%arg0, %dma_start3A_267, %dma_start3A_268] : memref<2x10240x64xf32, #tpu.memory_space<hbm>> -> memref<1x10240x64xf32, #tpu.memory_space<hbm>>
        %dma_start3A_270 = tpu.memref_squeeze %dma_start3A_269 : memref<1x10240x64xf32, #tpu.memory_space<hbm>> -> memref<10240x64xf32, #tpu.memory_space<hbm>>
        %dma_start3A_271 = arith.constant 0 : i32
        %dma_start3A_272 = arith.constant 0 : i32
        %dma_start3A_273 = tpu.memref_slice %dma_start3A_270[%dma_start3A_271, %dma_start3A_272] : memref<10240x64xf32, #tpu.memory_space<hbm>> -> memref<10240x64xf32, #tpu.memory_space<hbm>>
        tpu.enqueue_indirect_dma source(%dma_start3A_273 : memref<10240x64xf32, #tpu.memory_space<hbm>>) target(%arg13 : memref<112x64xf32, #tpu.memory_space<vmem>>) offsets(%dma_start3A_266 : memref<112xi32, #tpu.memory_space<vmem>>) semaphore(%arg20 : memref<!tpu.dma_semaphore, #tpu.memory_space<semaphore_mem>>)
      } else {
      }
      %mul3A_192 = arith.constant 3 : i32
      %mul3A_193 = arith.muli %mul3A_192, %scan3A_57 : i32
      %add3A_194 = arith.constant 2 : i32
      %add3A_195 = arith.addi %mul3A_193, %add3A_194 : i32
      %get3A_196 = arith.index_cast %add3A_195 : i32 to index
      %get3A_197 = arith.constant 0 : index
      %get3A_198 = tpu.vector_load %arg11[%get3A_196, %get3A_197] {strides = array<i32>} : memref<180x112xi32, #tpu.memory_space<vmem>>, vector<16xi32>,
      %get3A_199 = arith.index_cast %add3A_195 : i32 to index
      %get3A_200 = arith.constant 0 : index
      %get3A_201 = tpu.vector_load %arg10[%get3A_199, %get3A_200] {strides = array<i32>} : memref<180x112xi32, #tpu.memory_space<vmem>>, vector<16xi32>,
      %gather3A_202 = tpu.vector_load_idx %arg16[%get3A_198] : memref<10240xf32, #tpu.memory_space<vmem>>[vector<16xi32>], vector<16xf32>,
      tpu.vector_store_idx %arg17[%get3A_201], %gather3A_202 {add = true} : memref<10240xf32, #tpu.memory_space<vmem>>[vector<16xi32>], vector<16xf32>,
      %get3A_203 = arith.index_cast %add3A_195 : i32 to index
      %get3A_204 = arith.constant 16 : index
      %get3A_205 = tpu.vector_load %arg11[%get3A_203, %get3A_204] {strides = array<i32>} : memref<180x112xi32, #tpu.memory_space<vmem>>, vector<16xi32>,
      %get3A_206 = arith.index_cast %add3A_195 : i32 to index
      %get3A_207 = arith.constant 16 : index
      %get3A_208 = tpu.vector_load %arg10[%get3A_206, %get3A_207] {strides = array<i32>} : memref<180x112xi32, #tpu.memory_space<vmem>>, vector<16xi32>,
      %gather3A_209 = tpu.vector_load_idx %arg16[%get3A_205] : memref<10240xf32, #tpu.memory_space<vmem>>[vector<16xi32>], vector<16xf32>,
      tpu.vector_store_idx %arg17[%get3A_208], %gather3A_209 {add = true} : memref<10240xf32, #tpu.memory_space<vmem>>[vector<16xi32>], vector<16xf32>,
      %get3A_210 = arith.index_cast %add3A_195 : i32 to index
      %get3A_211 = arith.constant 32 : index
      %get3A_212 = tpu.vector_load %arg11[%get3A_210, %get3A_211] {strides = array<i32>} : memref<180x112xi32, #tpu.memory_space<vmem>>, vector<16xi32>,
      %get3A_213 = arith.index_cast %add3A_195 : i32 to index
      %get3A_214 = arith.constant 32 : index
      %get3A_215 = tpu.vector_load %arg10[%get3A_213, %get3A_214] {strides = array<i32>} : memref<180x112xi32, #tpu.memory_space<vmem>>, vector<16xi32>,
      %gather3A_216 = tpu.vector_load_idx %arg16[%get3A_212] : memref<10240xf32, #tpu.memory_space<vmem>>[vector<16xi32>], vector<16xf32>,
      tpu.vector_store_idx %arg17[%get3A_215], %gather3A_216 {add = true} : memref<10240xf32, #tpu.memory_space<vmem>>[vector<16xi32>], vector<16xf32>,
      %get3A_217 = arith.index_cast %add3A_195 : i32 to index
      %get3A_218 = arith.constant 48 : index
      %get3A_219 = tpu.vector_load %arg11[%get3A_217, %get3A_218] {strides = array<i32>} : memref<180x112xi32, #tpu.memory_space<vmem>>, vector<16xi32>,
      %get3A_220 = arith.index_cast %add3A_195 : i32 to index
      %get3A_221 = arith.constant 48 : index
      %get3A_222 = tpu.vector_load %arg10[%get3A_220, %get3A_221] {strides = array<i32>} : memref<180x112xi32, #tpu.memory_space<vmem>>, vector<16xi32>,
      %gather3A_223 = tpu.vector_load_idx %arg16[%get3A_219] : memref<10240xf32, #tpu.memory_space<vmem>>[vector<16xi32>], vector<16xf32>,
      tpu.vector_store_idx %arg17[%get3A_222], %gather3A_223 {add = true} : memref<10240xf32, #tpu.memory_space<vmem>>[vector<16xi32>], vector<16xf32>,
      %get3A_224 = arith.index_cast %add3A_195 : i32 to index
      %get3A_225 = arith.constant 64 : index
      %get3A_226 = tpu.vector_load %arg11[%get3A_224, %get3A_225] {strides = array<i32>} : memref<180x112xi32, #tpu.memory_space<vmem>>, vector<16xi32>,
      %get3A_227 = arith.index_cast %add3A_195 : i32 to index
      %get3A_228 = arith.constant 64 : index
      %get3A_229 = tpu.vector_load %arg10[%get3A_227, %get3A_228] {strides = array<i32>} : memref<180x112xi32, #tpu.memory_space<vmem>>, vector<16xi32>,
      %gather3A_230 = tpu.vector_load_idx %arg16[%get3A_226] : memref<10240xf32, #tpu.memory_space<vmem>>[vector<16xi32>], vector<16xf32>,
      tpu.vector_store_idx %arg17[%get3A_229], %gather3A_230 {add = true} : memref<10240xf32, #tpu.memory_space<vmem>>[vector<16xi32>], vector<16xf32>,
      %get3A_231 = arith.index_cast %add3A_195 : i32 to index
      %get3A_232 = arith.constant 80 : index
      %get3A_233 = tpu.vector_load %arg11[%get3A_231, %get3A_232] {strides = array<i32>} : memref<180x112xi32, #tpu.memory_space<vmem>>, vector<16xi32>,
      %get3A_234 = arith.index_cast %add3A_195 : i32 to index
      %get3A_235 = arith.constant 80 : index
      %get3A_236 = tpu.vector_load %arg10[%get3A_234, %get3A_235] {strides = array<i32>} : memref<180x112xi32, #tpu.memory_space<vmem>>, vector<16xi32>,
      %gather3A_237 = tpu.vector_load_idx %arg16[%get3A_233] : memref<10240xf32, #tpu.memory_space<vmem>>[vector<16xi32>], vector<16xf32>,
      tpu.vector_store_idx %arg17[%get3A_236], %gather3A_237 {add = true} : memref<10240xf32, #tpu.memory_space<vmem>>[vector<16xi32>], vector<16xf32>,
      %get3A_238 = arith.index_cast %add3A_195 : i32 to index
      %get3A_239 = arith.constant 96 : index
      %get3A_240 = tpu.vector_load %arg11[%get3A_238, %get3A_239] {strides = array<i32>} : memref<180x112xi32, #tpu.memory_space<vmem>>, vector<16xi32>,
      %get3A_241 = arith.index_cast %add3A_195 : i32 to index
      %get3A_242 = arith.constant 96 : index
      %get3A_243 = tpu.vector_load %arg10[%get3A_241, %get3A_242] {strides = array<i32>} : memref<180x112xi32, #tpu.memory_space<vmem>>, vector<16xi32>,
      %gather3A_244 = tpu.vector_load_idx %arg16[%get3A_240] : memref<10240xf32, #tpu.memory_space<vmem>>[vector<16xi32>], vector<16xf32>,
      tpu.vector_store_idx %arg17[%get3A_243], %gather3A_244 {add = true} : memref<10240xf32, #tpu.memory_space<vmem>>[vector<16xi32>], vector<16xf32>,
      %dma_wait3A_245 = arith.constant 0 : i32
      %dma_wait3A_246 = tpu.memref_slice %arg10[%add3A_195, %dma_wait3A_245] : memref<180x112xi32, #tpu.memory_space<vmem>> -> memref<1x112xi32, #tpu.memory_space<vmem>>
      %dma_wait3A_247 = tpu.memref_squeeze %dma_wait3A_246 : memref<1x112xi32, #tpu.memory_space<vmem>> -> memref<112xi32, #tpu.memory_space<vmem>>
      %dma_wait3A_248 = arith.constant 0 : i32
      %dma_wait3A_249 = arith.constant 0 : i32
      %dma_wait3A_250 = tpu.memref_slice %arg2[%arg0, %dma_wait3A_248, %dma_wait3A_249] : memref<2x10240x64xf32, #tpu.memory_space<hbm>> -> memref<1x10240x64xf32, #tpu.memory_space<hbm>>
      %dma_wait3A_251 = tpu.memref_squeeze %dma_wait3A_250 : memref<1x10240x64xf32, #tpu.memory_space<hbm>> -> memref<10240x64xf32, #tpu.memory_space<hbm>>
      %dma_wait3A_252 = arith.constant 0 : i32
      %dma_wait3A_253 = arith.constant 0 : i32
      %dma_wait3A_254 = tpu.memref_slice %dma_wait3A_251[%dma_wait3A_252, %dma_wait3A_253] : memref<10240x64xf32, #tpu.memory_space<hbm>> -> memref<10240x64xf32, #tpu.memory_space<hbm>>
      tpu.wait_indirect_dma semaphore(%arg21 : memref<!tpu.dma_semaphore, #tpu.memory_space<semaphore_mem>>) src(%dma_wait3A_254 : memref<10240x64xf32, #tpu.memory_space<hbm>>) dst(%arg14 : memref<112x64xf32, #tpu.memory_space<vmem>>)
      "tpu.region"() ({
        %run_scoped3A = tpu.sem_alloc : memref<!tpu.dma_semaphore, #tpu.memory_space<semaphore_mem>>
        %dma_start3A_262 = arith.constant 0 : i32
        %dma_start3A_263 = tpu.memref_slice %arg11[%add3A_195, %dma_start3A_262] : memref<180x112xi32, #tpu.memory_space<vmem>> -> memref<1x112xi32, #tpu.memory_space<vmem>>
        %dma_start3A_264 = tpu.memref_squeeze %dma_start3A_263 : memref<1x112xi32, #tpu.memory_space<vmem>> -> memref<112xi32, #tpu.memory_space<vmem>>
        %dma_start3A_265 = arith.constant 0 : i32
        %dma_start3A_266 = arith.constant 0 : i32
        %dma_start3A_267 = tpu.memref_slice %arg18[%dma_start3A_265, %dma_start3A_266] : memref<10240x64xf32, #tpu.memory_space<vmem_shared>> -> memref<10240x64xf32, #tpu.memory_space<vmem_shared>>
        tpu.enqueue_indirect_dma source(%arg14 : memref<112x64xf32, #tpu.memory_space<vmem>>) target(%dma_start3A_267 : memref<10240x64xf32, #tpu.memory_space<vmem_shared>>) offsets(%dma_start3A_264 : memref<112xi32, #tpu.memory_space<vmem>>) semaphore(%run_scoped3A : memref<!tpu.dma_semaphore, #tpu.memory_space<semaphore_mem>>) {add = true}
        %dma_wait3A_268 = arith.constant 0 : i32
        %dma_wait3A_269 = tpu.memref_slice %arg11[%add3A_195, %dma_wait3A_268] : memref<180x112xi32, #tpu.memory_space<vmem>> -> memref<1x112xi32, #tpu.memory_space<vmem>>
        %dma_wait3A_270 = tpu.memref_squeeze %dma_wait3A_269 : memref<1x112xi32, #tpu.memory_space<vmem>> -> memref<112xi32, #tpu.memory_space<vmem>>
        %dma_wait3A_271 = arith.constant 0 : i32
        %dma_wait3A_272 = arith.constant 0 : i32
        %dma_wait3A_273 = tpu.memref_slice %arg18[%dma_wait3A_271, %dma_wait3A_272] : memref<10240x64xf32, #tpu.memory_space<vmem_shared>> -> memref<10240x64xf32, #tpu.memory_space<vmem_shared>>
        tpu.wait_indirect_dma semaphore(%run_scoped3A : memref<!tpu.dma_semaphore, #tpu.memory_space<semaphore_mem>>) src(%arg14 : memref<112x64xf32, #tpu.memory_space<vmem>>) dst(%dma_wait3A_273 : memref<10240x64xf32, #tpu.memory_space<vmem_shared>>)
        tpu.yield
      }) : () -> ()
      %add3A_255 = arith.constant 3 : i32
      %add3A_256 = arith.addi %add3A_195, %add3A_255 : i32
      %lt3A_257 = arith.constant 180 : i32
      %lt3A_258 = arith.cmpi slt, %add3A_256, %lt3A_257 : i32
      %convert_element_type3A_259 = arith.extui %lt3A_258 : i1 to i32
      %cond3A_260 = arith.constant 0 : i32
      %cond3A_261 = arith.cmpi ne, %convert_element_type3A_259, %cond3A_260 : i32
      scf.if %cond3A_261 {
        %add3A_262 = arith.constant 3 : i32
        %add3A_263 = arith.addi %add3A_195, %add3A_262 : i32
        %dma_start3A_264 = arith.constant 0 : i32
        %dma_start3A_265 = tpu.memref_slice %arg10[%add3A_263, %dma_start3A_264] : memref<180x112xi32, #tpu.memory_space<vmem>> -> memref<1x112xi32, #tpu.memory_space<vmem>>
        %dma_start3A_266 = tpu.memref_squeeze %dma_start3A_265 : memref<1x112xi32, #tpu.memory_space<vmem>> -> memref<112xi32, #tpu.memory_space<vmem>>
        %dma_start3A_267 = arith.constant 0 : i32
        %dma_start3A_268 = arith.constant 0 : i32
        %dma_start3A_269 = tpu.memref_slice %arg2[%arg0, %dma_start3A_267, %dma_start3A_268] : memref<2x10240x64xf32, #tpu.memory_space<hbm>> -> memref<1x10240x64xf32, #tpu.memory_space<hbm>>
        %dma_start3A_270 = tpu.memref_squeeze %dma_start3A_269 : memref<1x10240x64xf32, #tpu.memory_space<hbm>> -> memref<10240x64xf32, #tpu.memory_space<hbm>>
        %dma_start3A_271 = arith.constant 0 : i32
        %dma_start3A_272 = arith.constant 0 : i32
        %dma_start3A_273 = tpu.memref_slice %dma_start3A_270[%dma_start3A_271, %dma_start3A_272] : memref<10240x64xf32, #tpu.memory_space<hbm>> -> memref<10240x64xf32, #tpu.memory_space<hbm>>
        tpu.enqueue_indirect_dma source(%dma_start3A_273 : memref<10240x64xf32, #tpu.memory_space<hbm>>) target(%arg14 : memref<112x64xf32, #tpu.memory_space<vmem>>) offsets(%dma_start3A_266 : memref<112xi32, #tpu.memory_space<vmem>>) semaphore(%arg21 : memref<!tpu.dma_semaphore, #tpu.memory_space<semaphore_mem>>)
      } else {
      }
    }
    %scan3A_55 = arith.constant 60 : i32
    %barrier3A_56 = arith.constant 0 : index
    tpu.barrier barrier_id(%barrier3A_56)
    "tpu.region"() ({
      %run_scoped3A = tpu.sem_alloc : memref<!tpu.dma_semaphore, #tpu.memory_space<semaphore_mem>>
      %dma_start3A_57 = arith.constant 0 : i32
      %dma_start3A_58 = tpu.memref_slice %arg9[%add3A, %dma_start3A_57] : memref<32x10240xf32, #tpu.memory_space<hbm>> -> memref<1x10240xf32, #tpu.memory_space<hbm>>
      %dma_start3A_59 = tpu.memref_squeeze %dma_start3A_58 : memref<1x10240xf32, #tpu.memory_space<hbm>> -> memref<10240xf32, #tpu.memory_space<hbm>>
      %dma_start3A_60 = arith.constant 0 : i32
      %dma_start3A_61 = tpu.memref_slice %arg9[%add3A, %dma_start3A_60] : memref<32x10240xf32, #tpu.memory_space<hbm>> -> memref<1x10240xf32, #tpu.memory_space<hbm>>
      %dma_start3A_62 = tpu.memref_squeeze %dma_start3A_61 : memref<1x10240xf32, #tpu.memory_space<hbm>> -> memref<10240xf32, #tpu.memory_space<hbm>>
      tpu.enqueue_dma source(%arg17 : memref<10240xf32, #tpu.memory_space<vmem>>) target(%dma_start3A_62 : memref<10240xf32, #tpu.memory_space<hbm>>) target_semaphore(%run_scoped3A : memref<!tpu.dma_semaphore, #tpu.memory_space<semaphore_mem>>)
      %dma_wait3A = arith.constant 0 : i32
      %dma_wait3A_63 = tpu.memref_slice %arg9[%add3A, %dma_wait3A] : memref<32x10240xf32, #tpu.memory_space<hbm>> -> memref<1x10240xf32, #tpu.memory_space<hbm>>
      %dma_wait3A_64 = tpu.memref_squeeze %dma_wait3A_63 : memref<1x10240xf32, #tpu.memory_space<hbm>> -> memref<10240xf32, #tpu.memory_space<hbm>>
      %dma_wait3A_65 = arith.constant 0 : i32
      %dma_wait3A_66 = tpu.memref_slice %arg9[%add3A, %dma_wait3A_65] : memref<32x10240xf32, #tpu.memory_space<hbm>> -> memref<1x10240xf32, #tpu.memory_space<hbm>>
      %dma_wait3A_67 = tpu.memref_squeeze %dma_wait3A_66 : memref<1x10240xf32, #tpu.memory_space<hbm>> -> memref<10240xf32, #tpu.memory_space<hbm>>
      tpu.wait_dma2 semaphore(%run_scoped3A : memref<!tpu.dma_semaphore, #tpu.memory_space<semaphore_mem>>) src(%arg17 : memref<10240xf32, #tpu.memory_space<vmem>>) dst(%dma_wait3A_67 : memref<10240xf32, #tpu.memory_space<hbm>>)
      tpu.yield
    }) : () -> ()
    "tpu.region"() ({
      %run_scoped3A = tpu.sem_alloc : memref<!tpu.dma_semaphore, #tpu.memory_space<semaphore_mem>>
      %dma_start3A_57 = arith.constant 0 : i32
      %dma_start3A_58 = tpu.memref_slice %arg8[%arg0, %mul3A_2, %dma_start3A_57] : memref<2x10240x64xf32, #tpu.memory_space<hbm>> -> memref<1x640x64xf32, #tpu.memory_space<hbm>>
      %dma_start3A_59 = tpu.memref_squeeze %dma_start3A_58 : memref<1x640x64xf32, #tpu.memory_space<hbm>> -> memref<640x64xf32, #tpu.memory_space<hbm>>
      %dma_start3A_60 = arith.constant 0 : i32
      %dma_start3A_61 = tpu.memref_slice %arg18[%mul3A_2, %dma_start3A_60] : memref<10240x64xf32, #tpu.memory_space<vmem_shared>> -> memref<640x64xf32, #tpu.memory_space<vmem_shared>>
      tpu.enqueue_dma source(%dma_start3A_61 : memref<640x64xf32, #tpu.memory_space<vmem_shared>>) target(%dma_start3A_59 : memref<640x64xf32, #tpu.memory_space<hbm>>) target_semaphore(%run_scoped3A : memref<!tpu.dma_semaphore, #tpu.memory_space<semaphore_mem>>)
      %dma_wait3A = arith.constant 0 : i32
      %dma_wait3A_62 = tpu.memref_slice %arg8[%arg0, %mul3A_2, %dma_wait3A] : memref<2x10240x64xf32, #tpu.memory_space<hbm>> -> memref<1x640x64xf32, #tpu.memory_space<hbm>>
      %dma_wait3A_63 = tpu.memref_squeeze %dma_wait3A_62 : memref<1x640x64xf32, #tpu.memory_space<hbm>> -> memref<640x64xf32, #tpu.memory_space<hbm>>
      %dma_wait3A_64 = arith.constant 0 : i32
      %dma_wait3A_65 = tpu.memref_slice %arg18[%mul3A_2, %dma_wait3A_64] : memref<10240x64xf32, #tpu.memory_space<vmem_shared>> -> memref<640x64xf32, #tpu.memory_space<vmem_shared>>
      tpu.wait_dma2 semaphore(%run_scoped3A : memref<!tpu.dma_semaphore, #tpu.memory_space<semaphore_mem>>) src(%dma_wait3A_65 : memref<640x64xf32, #tpu.memory_space<vmem_shared>>) dst(%dma_wait3A_63 : memref<640x64xf32, #tpu.memory_space<hbm>>)
      tpu.yield
    }) : () -> ()
    return
  }
}

#map = affine_map<(d0, d1) -> (0, 0, 0)>
#map1 = affine_map<(d0, d1) -> (0)>
#map2 = affine_map<(d0, d1) -> (0, 0)>
module attributes {stable_mosaic.version = 14 : i64} {
  func.func @_sc_hist(%arg0: i32, %arg1: i32, %arg2: memref<32x126x80xi32, #tpu.memory_space<hbm>>, %arg3: memref<80xf32, #tpu.memory_space<hbm>>, %arg4: memref<640xf32, #tpu.memory_space<hbm>>, %arg5: memref<2x10240xf32, #tpu.memory_space<hbm>>, %arg6: memref<126x80xi32, #tpu.memory_space<vmem>>, %arg7: memref<80xf32, #tpu.memory_space<vmem>>, %arg8: memref<640xf32, #tpu.memory_space<vmem>>, %arg9: memref<10240xf32, #tpu.memory_space<vmem_shared>>, %arg10: memref<!tpu.dma_semaphore, #tpu.memory_space<semaphore_mem>>) attributes {dimension_semantics = [#tpu.dimension_semantics<core_parallel>, #tpu.dimension_semantics<subcore_parallel>], iteration_bounds = array<i64: 2, 16>, scalar_prefetch = 0 : i64, scratch_operands = 5 : i64, tpu.core_type = #tpu.core_type<sc_vector_subcore>, window_params = [{transform_indices = #map}, {transform_indices = #map1}, {transform_indices = #map1}, {transform_indices = #map2}]} {
    %mul3A = arith.constant 16 : i32
    %mul3A_0 = arith.muli %arg0, %mul3A : i32
    %add3A = arith.addi %mul3A_0, %arg1 : i32
    "tpu.region"() ({
      %run_scoped3A = tpu.sem_alloc : memref<!tpu.dma_semaphore, #tpu.memory_space<semaphore_mem>>
      tpu.enqueue_dma source(%arg4 : memref<640xf32, #tpu.memory_space<hbm>>) target(%arg8 : memref<640xf32, #tpu.memory_space<vmem>>) target_semaphore(%run_scoped3A : memref<!tpu.dma_semaphore, #tpu.memory_space<semaphore_mem>>)
      tpu.wait_dma2 semaphore(%run_scoped3A : memref<!tpu.dma_semaphore, #tpu.memory_space<semaphore_mem>>) src(%arg4 : memref<640xf32, #tpu.memory_space<hbm>>) dst(%arg8 : memref<640xf32, #tpu.memory_space<vmem>>)
      tpu.yield
    }) : () -> ()
    "tpu.region"() ({
      %run_scoped3A = tpu.sem_alloc : memref<!tpu.dma_semaphore, #tpu.memory_space<semaphore_mem>>
      tpu.enqueue_dma source(%arg3 : memref<80xf32, #tpu.memory_space<hbm>>) target(%arg7 : memref<80xf32, #tpu.memory_space<vmem>>) target_semaphore(%run_scoped3A : memref<!tpu.dma_semaphore, #tpu.memory_space<semaphore_mem>>)
      tpu.wait_dma2 semaphore(%run_scoped3A : memref<!tpu.dma_semaphore, #tpu.memory_space<semaphore_mem>>) src(%arg3 : memref<80xf32, #tpu.memory_space<hbm>>) dst(%arg7 : memref<80xf32, #tpu.memory_space<vmem>>)
      tpu.yield
    }) : () -> ()
    "tpu.region"() ({
      %run_scoped3A = tpu.sem_alloc : memref<!tpu.dma_semaphore, #tpu.memory_space<semaphore_mem>>
      %dma_start3A = arith.constant 0 : i32
      %dma_start3A_13 = arith.constant 0 : i32
      %dma_start3A_14 = tpu.memref_slice %arg2[%add3A, %dma_start3A, %dma_start3A_13] : memref<32x126x80xi32, #tpu.memory_space<hbm>> -> memref<1x126x80xi32, #tpu.memory_space<hbm>>
      %dma_start3A_15 = tpu.memref_squeeze %dma_start3A_14 : memref<1x126x80xi32, #tpu.memory_space<hbm>> -> memref<126x80xi32, #tpu.memory_space<hbm>>
      %dma_start3A_16 = arith.constant 0 : i32
      %dma_start3A_17 = arith.constant 0 : i32
      %dma_start3A_18 = tpu.memref_slice %arg2[%add3A, %dma_start3A_16, %dma_start3A_17] : memref<32x126x80xi32, #tpu.memory_space<hbm>> -> memref<1x126x80xi32, #tpu.memory_space<hbm>>
      %dma_start3A_19 = tpu.memref_squeeze %dma_start3A_18 : memref<1x126x80xi32, #tpu.memory_space<hbm>> -> memref<126x80xi32, #tpu.memory_space<hbm>>
      tpu.enqueue_dma source(%dma_start3A_19 : memref<126x80xi32, #tpu.memory_space<hbm>>) target(%arg6 : memref<126x80xi32, #tpu.memory_space<vmem>>) target_semaphore(%run_scoped3A : memref<!tpu.dma_semaphore, #tpu.memory_space<semaphore_mem>>)
      %dma_wait3A = arith.constant 0 : i32
      %dma_wait3A_20 = arith.constant 0 : i32
      %dma_wait3A_21 = tpu.memref_slice %arg2[%add3A, %dma_wait3A, %dma_wait3A_20] : memref<32x126x80xi32, #tpu.memory_space<hbm>> -> memref<1x126x80xi32, #tpu.memory_space<hbm>>
      %dma_wait3A_22 = tpu.memref_squeeze %dma_wait3A_21 : memref<1x126x80xi32, #tpu.memory_space<hbm>> -> memref<126x80xi32, #tpu.memory_space<hbm>>
      %dma_wait3A_23 = arith.constant 0 : i32
      %dma_wait3A_24 = arith.constant 0 : i32
      %dma_wait3A_25 = tpu.memref_slice %arg2[%add3A, %dma_wait3A_23, %dma_wait3A_24] : memref<32x126x80xi32, #tpu.memory_space<hbm>> -> memref<1x126x80xi32, #tpu.memory_space<hbm>>
      %dma_wait3A_26 = tpu.memref_squeeze %dma_wait3A_25 : memref<1x126x80xi32, #tpu.memory_space<hbm>> -> memref<126x80xi32, #tpu.memory_space<hbm>>
      tpu.wait_dma2 semaphore(%run_scoped3A : memref<!tpu.dma_semaphore, #tpu.memory_space<semaphore_mem>>) src(%dma_wait3A_26 : memref<126x80xi32, #tpu.memory_space<hbm>>) dst(%arg6 : memref<126x80xi32, #tpu.memory_space<vmem>>)
      tpu.yield
    }) : () -> ()
    %mul3A_1 = arith.constant 640 : i32
    %mul3A_2 = arith.muli %arg1, %mul3A_1 : i32
    "tpu.region"() ({
      %run_scoped3A = tpu.sem_alloc : memref<!tpu.dma_semaphore, #tpu.memory_space<semaphore_mem>>
      %dma_start3A = tpu.memref_slice %arg9[%mul3A_2] : memref<10240xf32, #tpu.memory_space<vmem_shared>> -> memref<640xf32, #tpu.memory_space<vmem_shared>>
      %dma_start3A_13 = tpu.memref_slice %arg9[%mul3A_2] : memref<10240xf32, #tpu.memory_space<vmem_shared>> -> memref<640xf32, #tpu.memory_space<vmem_shared>>
      tpu.enqueue_dma source(%arg8 : memref<640xf32, #tpu.memory_space<vmem>>) target(%dma_start3A_13 : memref<640xf32, #tpu.memory_space<vmem_shared>>) target_semaphore(%run_scoped3A : memref<!tpu.dma_semaphore, #tpu.memory_space<semaphore_mem>>)
      %dma_wait3A = tpu.memref_slice %arg9[%mul3A_2] : memref<10240xf32, #tpu.memory_space<vmem_shared>> -> memref<640xf32, #tpu.memory_space<vmem_shared>>
      %dma_wait3A_14 = tpu.memref_slice %arg9[%mul3A_2] : memref<10240xf32, #tpu.memory_space<vmem_shared>> -> memref<640xf32, #tpu.memory_space<vmem_shared>>
      tpu.wait_dma2 semaphore(%run_scoped3A : memref<!tpu.dma_semaphore, #tpu.memory_space<semaphore_mem>>) src(%arg8 : memref<640xf32, #tpu.memory_space<vmem>>) dst(%dma_wait3A_14 : memref<640xf32, #tpu.memory_space<vmem_shared>>)
      tpu.yield
    }) : () -> ()
    %barrier3A = arith.constant 0 : index
    tpu.barrier barrier_id(%barrier3A)
    %scan3A = arith.constant 0 : i32
    %scan3A_3 = arith.constant 0 : i32
    %scan3A_4 = arith.constant 6 : i32
    %scan3A_5 = arith.addi %scan3A_3, %scan3A_4 : i32
    %scan3A_6 = arith.constant 1 : i32
    scf.for %scan3A_13 = %scan3A_3 to %scan3A_5 step %scan3A_6  : i32 {
      %mul3A_14 = arith.constant 21 : i32
      %mul3A_15 = arith.muli %scan3A_13, %mul3A_14 : i32
      %add3A_16 = arith.constant 0 : i32
      %add3A_17 = arith.addi %mul3A_15, %add3A_16 : i32
      %dma_start3A = arith.constant 0 : i32
      %dma_start3A_18 = tpu.memref_slice %arg6[%add3A_17, %dma_start3A] : memref<126x80xi32, #tpu.memory_space<vmem>> -> memref<1x80xi32, #tpu.memory_space<vmem>>
      %dma_start3A_19 = tpu.memref_squeeze %dma_start3A_18 : memref<1x80xi32, #tpu.memory_space<vmem>> -> memref<80xi32, #tpu.memory_space<vmem>>
      %dma_start3A_20 = arith.constant 0 : i32
      %dma_start3A_21 = tpu.memref_slice %arg9[%dma_start3A_20] : memref<10240xf32, #tpu.memory_space<vmem_shared>> -> memref<10240xf32, #tpu.memory_space<vmem_shared>>
      tpu.enqueue_indirect_dma source(%arg7 : memref<80xf32, #tpu.memory_space<vmem>>) target(%dma_start3A_21 : memref<10240xf32, #tpu.memory_space<vmem_shared>>) offsets(%dma_start3A_19 : memref<80xi32, #tpu.memory_space<vmem>>) semaphore(%arg10 : memref<!tpu.dma_semaphore, #tpu.memory_space<semaphore_mem>>) {add = true}
      %mul3A_22 = arith.constant 21 : i32
      %mul3A_23 = arith.muli %scan3A_13, %mul3A_22 : i32
      %add3A_24 = arith.constant 1 : i32
      %add3A_25 = arith.addi %mul3A_23, %add3A_24 : i32
      %dma_start3A_26 = arith.constant 0 : i32
      %dma_start3A_27 = tpu.memref_slice %arg6[%add3A_25, %dma_start3A_26] : memref<126x80xi32, #tpu.memory_space<vmem>> -> memref<1x80xi32, #tpu.memory_space<vmem>>
      %dma_start3A_28 = tpu.memref_squeeze %dma_start3A_27 : memref<1x80xi32, #tpu.memory_space<vmem>> -> memref<80xi32, #tpu.memory_space<vmem>>
      %dma_start3A_29 = arith.constant 0 : i32
      %dma_start3A_30 = tpu.memref_slice %arg9[%dma_start3A_29] : memref<10240xf32, #tpu.memory_space<vmem_shared>> -> memref<10240xf32, #tpu.memory_space<vmem_shared>>
      tpu.enqueue_indirect_dma source(%arg7 : memref<80xf32, #tpu.memory_space<vmem>>) target(%dma_start3A_30 : memref<10240xf32, #tpu.memory_space<vmem_shared>>) offsets(%dma_start3A_28 : memref<80xi32, #tpu.memory_space<vmem>>) semaphore(%arg10 : memref<!tpu.dma_semaphore, #tpu.memory_space<semaphore_mem>>) {add = true}
      %mul3A_31 = arith.constant 21 : i32
      %mul3A_32 = arith.muli %scan3A_13, %mul3A_31 : i32
      %add3A_33 = arith.constant 2 : i32
      %add3A_34 = arith.addi %mul3A_32, %add3A_33 : i32
      %dma_start3A_35 = arith.constant 0 : i32
      %dma_start3A_36 = tpu.memref_slice %arg6[%add3A_34, %dma_start3A_35] : memref<126x80xi32, #tpu.memory_space<vmem>> -> memref<1x80xi32, #tpu.memory_space<vmem>>
      %dma_start3A_37 = tpu.memref_squeeze %dma_start3A_36 : memref<1x80xi32, #tpu.memory_space<vmem>> -> memref<80xi32, #tpu.memory_space<vmem>>
      %dma_start3A_38 = arith.constant 0 : i32
      %dma_start3A_39 = tpu.memref_slice %arg9[%dma_start3A_38] : memref<10240xf32, #tpu.memory_space<vmem_shared>> -> memref<10240xf32, #tpu.memory_space<vmem_shared>>
      tpu.enqueue_indirect_dma source(%arg7 : memref<80xf32, #tpu.memory_space<vmem>>) target(%dma_start3A_39 : memref<10240xf32, #tpu.memory_space<vmem_shared>>) offsets(%dma_start3A_37 : memref<80xi32, #tpu.memory_space<vmem>>) semaphore(%arg10 : memref<!tpu.dma_semaphore, #tpu.memory_space<semaphore_mem>>) {add = true}
      %mul3A_40 = arith.constant 21 : i32
      %mul3A_41 = arith.muli %scan3A_13, %mul3A_40 : i32
      %add3A_42 = arith.constant 3 : i32
      %add3A_43 = arith.addi %mul3A_41, %add3A_42 : i32
      %dma_start3A_44 = arith.constant 0 : i32
      %dma_start3A_45 = tpu.memref_slice %arg6[%add3A_43, %dma_start3A_44] : memref<126x80xi32, #tpu.memory_space<vmem>> -> memref<1x80xi32, #tpu.memory_space<vmem>>
      %dma_start3A_46 = tpu.memref_squeeze %dma_start3A_45 : memref<1x80xi32, #tpu.memory_space<vmem>> -> memref<80xi32, #tpu.memory_space<vmem>>
      %dma_start3A_47 = arith.constant 0 : i32
      %dma_start3A_48 = tpu.memref_slice %arg9[%dma_start3A_47] : memref<10240xf32, #tpu.memory_space<vmem_shared>> -> memref<10240xf32, #tpu.memory_space<vmem_shared>>
      tpu.enqueue_indirect_dma source(%arg7 : memref<80xf32, #tpu.memory_space<vmem>>) target(%dma_start3A_48 : memref<10240xf32, #tpu.memory_space<vmem_shared>>) offsets(%dma_start3A_46 : memref<80xi32, #tpu.memory_space<vmem>>) semaphore(%arg10 : memref<!tpu.dma_semaphore, #tpu.memory_space<semaphore_mem>>) {add = true}
      %mul3A_49 = arith.constant 21 : i32
      %mul3A_50 = arith.muli %scan3A_13, %mul3A_49 : i32
      %add3A_51 = arith.constant 4 : i32
      %add3A_52 = arith.addi %mul3A_50, %add3A_51 : i32
      %dma_start3A_53 = arith.constant 0 : i32
      %dma_start3A_54 = tpu.memref_slice %arg6[%add3A_52, %dma_start3A_53] : memref<126x80xi32, #tpu.memory_space<vmem>> -> memref<1x80xi32, #tpu.memory_space<vmem>>
      %dma_start3A_55 = tpu.memref_squeeze %dma_start3A_54 : memref<1x80xi32, #tpu.memory_space<vmem>> -> memref<80xi32, #tpu.memory_space<vmem>>
      %dma_start3A_56 = arith.constant 0 : i32
      %dma_start3A_57 = tpu.memref_slice %arg9[%dma_start3A_56] : memref<10240xf32, #tpu.memory_space<vmem_shared>> -> memref<10240xf32, #tpu.memory_space<vmem_shared>>
      tpu.enqueue_indirect_dma source(%arg7 : memref<80xf32, #tpu.memory_space<vmem>>) target(%dma_start3A_57 : memref<10240xf32, #tpu.memory_space<vmem_shared>>) offsets(%dma_start3A_55 : memref<80xi32, #tpu.memory_space<vmem>>) semaphore(%arg10 : memref<!tpu.dma_semaphore, #tpu.memory_space<semaphore_mem>>) {add = true}
      %mul3A_58 = arith.constant 21 : i32
      %mul3A_59 = arith.muli %scan3A_13, %mul3A_58 : i32
      %add3A_60 = arith.constant 5 : i32
      %add3A_61 = arith.addi %mul3A_59, %add3A_60 : i32
      %dma_start3A_62 = arith.constant 0 : i32
      %dma_start3A_63 = tpu.memref_slice %arg6[%add3A_61, %dma_start3A_62] : memref<126x80xi32, #tpu.memory_space<vmem>> -> memref<1x80xi32, #tpu.memory_space<vmem>>
      %dma_start3A_64 = tpu.memref_squeeze %dma_start3A_63 : memref<1x80xi32, #tpu.memory_space<vmem>> -> memref<80xi32, #tpu.memory_space<vmem>>
      %dma_start3A_65 = arith.constant 0 : i32
      %dma_start3A_66 = tpu.memref_slice %arg9[%dma_start3A_65] : memref<10240xf32, #tpu.memory_space<vmem_shared>> -> memref<10240xf32, #tpu.memory_space<vmem_shared>>
      tpu.enqueue_indirect_dma source(%arg7 : memref<80xf32, #tpu.memory_space<vmem>>) target(%dma_start3A_66 : memref<10240xf32, #tpu.memory_space<vmem_shared>>) offsets(%dma_start3A_64 : memref<80xi32, #tpu.memory_space<vmem>>) semaphore(%arg10 : memref<!tpu.dma_semaphore, #tpu.memory_space<semaphore_mem>>) {add = true}
      %mul3A_67 = arith.constant 21 : i32
      %mul3A_68 = arith.muli %scan3A_13, %mul3A_67 : i32
      %add3A_69 = arith.constant 6 : i32
      %add3A_70 = arith.addi %mul3A_68, %add3A_69 : i32
      %dma_start3A_71 = arith.constant 0 : i32
      %dma_start3A_72 = tpu.memref_slice %arg6[%add3A_70, %dma_start3A_71] : memref<126x80xi32, #tpu.memory_space<vmem>> -> memref<1x80xi32, #tpu.memory_space<vmem>>
      %dma_start3A_73 = tpu.memref_squeeze %dma_start3A_72 : memref<1x80xi32, #tpu.memory_space<vmem>> -> memref<80xi32, #tpu.memory_space<vmem>>
      %dma_start3A_74 = arith.constant 0 : i32
      %dma_start3A_75 = tpu.memref_slice %arg9[%dma_start3A_74] : memref<10240xf32, #tpu.memory_space<vmem_shared>> -> memref<10240xf32, #tpu.memory_space<vmem_shared>>
      tpu.enqueue_indirect_dma source(%arg7 : memref<80xf32, #tpu.memory_space<vmem>>) target(%dma_start3A_75 : memref<10240xf32, #tpu.memory_space<vmem_shared>>) offsets(%dma_start3A_73 : memref<80xi32, #tpu.memory_space<vmem>>) semaphore(%arg10 : memref<!tpu.dma_semaphore, #tpu.memory_space<semaphore_mem>>) {add = true}
      %mul3A_76 = arith.constant 21 : i32
      %mul3A_77 = arith.muli %scan3A_13, %mul3A_76 : i32
      %add3A_78 = arith.constant 7 : i32
      %add3A_79 = arith.addi %mul3A_77, %add3A_78 : i32
      %dma_start3A_80 = arith.constant 0 : i32
      %dma_start3A_81 = tpu.memref_slice %arg6[%add3A_79, %dma_start3A_80] : memref<126x80xi32, #tpu.memory_space<vmem>> -> memref<1x80xi32, #tpu.memory_space<vmem>>
      %dma_start3A_82 = tpu.memref_squeeze %dma_start3A_81 : memref<1x80xi32, #tpu.memory_space<vmem>> -> memref<80xi32, #tpu.memory_space<vmem>>
      %dma_start3A_83 = arith.constant 0 : i32
      %dma_start3A_84 = tpu.memref_slice %arg9[%dma_start3A_83] : memref<10240xf32, #tpu.memory_space<vmem_shared>> -> memref<10240xf32, #tpu.memory_space<vmem_shared>>
      tpu.enqueue_indirect_dma source(%arg7 : memref<80xf32, #tpu.memory_space<vmem>>) target(%dma_start3A_84 : memref<10240xf32, #tpu.memory_space<vmem_shared>>) offsets(%dma_start3A_82 : memref<80xi32, #tpu.memory_space<vmem>>) semaphore(%arg10 : memref<!tpu.dma_semaphore, #tpu.memory_space<semaphore_mem>>) {add = true}
      %mul3A_85 = arith.constant 21 : i32
      %mul3A_86 = arith.muli %scan3A_13, %mul3A_85 : i32
      %add3A_87 = arith.constant 8 : i32
      %add3A_88 = arith.addi %mul3A_86, %add3A_87 : i32
      %dma_start3A_89 = arith.constant 0 : i32
      %dma_start3A_90 = tpu.memref_slice %arg6[%add3A_88, %dma_start3A_89] : memref<126x80xi32, #tpu.memory_space<vmem>> -> memref<1x80xi32, #tpu.memory_space<vmem>>
      %dma_start3A_91 = tpu.memref_squeeze %dma_start3A_90 : memref<1x80xi32, #tpu.memory_space<vmem>> -> memref<80xi32, #tpu.memory_space<vmem>>
      %dma_start3A_92 = arith.constant 0 : i32
      %dma_start3A_93 = tpu.memref_slice %arg9[%dma_start3A_92] : memref<10240xf32, #tpu.memory_space<vmem_shared>> -> memref<10240xf32, #tpu.memory_space<vmem_shared>>
      tpu.enqueue_indirect_dma source(%arg7 : memref<80xf32, #tpu.memory_space<vmem>>) target(%dma_start3A_93 : memref<10240xf32, #tpu.memory_space<vmem_shared>>) offsets(%dma_start3A_91 : memref<80xi32, #tpu.memory_space<vmem>>) semaphore(%arg10 : memref<!tpu.dma_semaphore, #tpu.memory_space<semaphore_mem>>) {add = true}
      %mul3A_94 = arith.constant 21 : i32
      %mul3A_95 = arith.muli %scan3A_13, %mul3A_94 : i32
      %add3A_96 = arith.constant 9 : i32
      %add3A_97 = arith.addi %mul3A_95, %add3A_96 : i32
      %dma_start3A_98 = arith.constant 0 : i32
      %dma_start3A_99 = tpu.memref_slice %arg6[%add3A_97, %dma_start3A_98] : memref<126x80xi32, #tpu.memory_space<vmem>> -> memref<1x80xi32, #tpu.memory_space<vmem>>
      %dma_start3A_100 = tpu.memref_squeeze %dma_start3A_99 : memref<1x80xi32, #tpu.memory_space<vmem>> -> memref<80xi32, #tpu.memory_space<vmem>>
      %dma_start3A_101 = arith.constant 0 : i32
      %dma_start3A_102 = tpu.memref_slice %arg9[%dma_start3A_101] : memref<10240xf32, #tpu.memory_space<vmem_shared>> -> memref<10240xf32, #tpu.memory_space<vmem_shared>>
      tpu.enqueue_indirect_dma source(%arg7 : memref<80xf32, #tpu.memory_space<vmem>>) target(%dma_start3A_102 : memref<10240xf32, #tpu.memory_space<vmem_shared>>) offsets(%dma_start3A_100 : memref<80xi32, #tpu.memory_space<vmem>>) semaphore(%arg10 : memref<!tpu.dma_semaphore, #tpu.memory_space<semaphore_mem>>) {add = true}
      %mul3A_103 = arith.constant 21 : i32
      %mul3A_104 = arith.muli %scan3A_13, %mul3A_103 : i32
      %add3A_105 = arith.constant 10 : i32
      %add3A_106 = arith.addi %mul3A_104, %add3A_105 : i32
      %dma_start3A_107 = arith.constant 0 : i32
      %dma_start3A_108 = tpu.memref_slice %arg6[%add3A_106, %dma_start3A_107] : memref<126x80xi32, #tpu.memory_space<vmem>> -> memref<1x80xi32, #tpu.memory_space<vmem>>
      %dma_start3A_109 = tpu.memref_squeeze %dma_start3A_108 : memref<1x80xi32, #tpu.memory_space<vmem>> -> memref<80xi32, #tpu.memory_space<vmem>>
      %dma_start3A_110 = arith.constant 0 : i32
      %dma_start3A_111 = tpu.memref_slice %arg9[%dma_start3A_110] : memref<10240xf32, #tpu.memory_space<vmem_shared>> -> memref<10240xf32, #tpu.memory_space<vmem_shared>>
      tpu.enqueue_indirect_dma source(%arg7 : memref<80xf32, #tpu.memory_space<vmem>>) target(%dma_start3A_111 : memref<10240xf32, #tpu.memory_space<vmem_shared>>) offsets(%dma_start3A_109 : memref<80xi32, #tpu.memory_space<vmem>>) semaphore(%arg10 : memref<!tpu.dma_semaphore, #tpu.memory_space<semaphore_mem>>) {add = true}
      %mul3A_112 = arith.constant 21 : i32
      %mul3A_113 = arith.muli %scan3A_13, %mul3A_112 : i32
      %add3A_114 = arith.constant 11 : i32
      %add3A_115 = arith.addi %mul3A_113, %add3A_114 : i32
      %dma_start3A_116 = arith.constant 0 : i32
      %dma_start3A_117 = tpu.memref_slice %arg6[%add3A_115, %dma_start3A_116] : memref<126x80xi32, #tpu.memory_space<vmem>> -> memref<1x80xi32, #tpu.memory_space<vmem>>
      %dma_start3A_118 = tpu.memref_squeeze %dma_start3A_117 : memref<1x80xi32, #tpu.memory_space<vmem>> -> memref<80xi32, #tpu.memory_space<vmem>>
      %dma_start3A_119 = arith.constant 0 : i32
      %dma_start3A_120 = tpu.memref_slice %arg9[%dma_start3A_119] : memref<10240xf32, #tpu.memory_space<vmem_shared>> -> memref<10240xf32, #tpu.memory_space<vmem_shared>>
      tpu.enqueue_indirect_dma source(%arg7 : memref<80xf32, #tpu.memory_space<vmem>>) target(%dma_start3A_120 : memref<10240xf32, #tpu.memory_space<vmem_shared>>) offsets(%dma_start3A_118 : memref<80xi32, #tpu.memory_space<vmem>>) semaphore(%arg10 : memref<!tpu.dma_semaphore, #tpu.memory_space<semaphore_mem>>) {add = true}
      %mul3A_121 = arith.constant 21 : i32
      %mul3A_122 = arith.muli %scan3A_13, %mul3A_121 : i32
      %add3A_123 = arith.constant 12 : i32
      %add3A_124 = arith.addi %mul3A_122, %add3A_123 : i32
      %dma_start3A_125 = arith.constant 0 : i32
      %dma_start3A_126 = tpu.memref_slice %arg6[%add3A_124, %dma_start3A_125] : memref<126x80xi32, #tpu.memory_space<vmem>> -> memref<1x80xi32, #tpu.memory_space<vmem>>
      %dma_start3A_127 = tpu.memref_squeeze %dma_start3A_126 : memref<1x80xi32, #tpu.memory_space<vmem>> -> memref<80xi32, #tpu.memory_space<vmem>>
      %dma_start3A_128 = arith.constant 0 : i32
      %dma_start3A_129 = tpu.memref_slice %arg9[%dma_start3A_128] : memref<10240xf32, #tpu.memory_space<vmem_shared>> -> memref<10240xf32, #tpu.memory_space<vmem_shared>>
      tpu.enqueue_indirect_dma source(%arg7 : memref<80xf32, #tpu.memory_space<vmem>>) target(%dma_start3A_129 : memref<10240xf32, #tpu.memory_space<vmem_shared>>) offsets(%dma_start3A_127 : memref<80xi32, #tpu.memory_space<vmem>>) semaphore(%arg10 : memref<!tpu.dma_semaphore, #tpu.memory_space<semaphore_mem>>) {add = true}
      %mul3A_130 = arith.constant 21 : i32
      %mul3A_131 = arith.muli %scan3A_13, %mul3A_130 : i32
      %add3A_132 = arith.constant 13 : i32
      %add3A_133 = arith.addi %mul3A_131, %add3A_132 : i32
      %dma_start3A_134 = arith.constant 0 : i32
      %dma_start3A_135 = tpu.memref_slice %arg6[%add3A_133, %dma_start3A_134] : memref<126x80xi32, #tpu.memory_space<vmem>> -> memref<1x80xi32, #tpu.memory_space<vmem>>
      %dma_start3A_136 = tpu.memref_squeeze %dma_start3A_135 : memref<1x80xi32, #tpu.memory_space<vmem>> -> memref<80xi32, #tpu.memory_space<vmem>>
      %dma_start3A_137 = arith.constant 0 : i32
      %dma_start3A_138 = tpu.memref_slice %arg9[%dma_start3A_137] : memref<10240xf32, #tpu.memory_space<vmem_shared>> -> memref<10240xf32, #tpu.memory_space<vmem_shared>>
      tpu.enqueue_indirect_dma source(%arg7 : memref<80xf32, #tpu.memory_space<vmem>>) target(%dma_start3A_138 : memref<10240xf32, #tpu.memory_space<vmem_shared>>) offsets(%dma_start3A_136 : memref<80xi32, #tpu.memory_space<vmem>>) semaphore(%arg10 : memref<!tpu.dma_semaphore, #tpu.memory_space<semaphore_mem>>) {add = true}
      %mul3A_139 = arith.constant 21 : i32
      %mul3A_140 = arith.muli %scan3A_13, %mul3A_139 : i32
      %add3A_141 = arith.constant 14 : i32
      %add3A_142 = arith.addi %mul3A_140, %add3A_141 : i32
      %dma_start3A_143 = arith.constant 0 : i32
      %dma_start3A_144 = tpu.memref_slice %arg6[%add3A_142, %dma_start3A_143] : memref<126x80xi32, #tpu.memory_space<vmem>> -> memref<1x80xi32, #tpu.memory_space<vmem>>
      %dma_start3A_145 = tpu.memref_squeeze %dma_start3A_144 : memref<1x80xi32, #tpu.memory_space<vmem>> -> memref<80xi32, #tpu.memory_space<vmem>>
      %dma_start3A_146 = arith.constant 0 : i32
      %dma_start3A_147 = tpu.memref_slice %arg9[%dma_start3A_146] : memref<10240xf32, #tpu.memory_space<vmem_shared>> -> memref<10240xf32, #tpu.memory_space<vmem_shared>>
      tpu.enqueue_indirect_dma source(%arg7 : memref<80xf32, #tpu.memory_space<vmem>>) target(%dma_start3A_147 : memref<10240xf32, #tpu.memory_space<vmem_shared>>) offsets(%dma_start3A_145 : memref<80xi32, #tpu.memory_space<vmem>>) semaphore(%arg10 : memref<!tpu.dma_semaphore, #tpu.memory_space<semaphore_mem>>) {add = true}
      %mul3A_148 = arith.constant 21 : i32
      %mul3A_149 = arith.muli %scan3A_13, %mul3A_148 : i32
      %add3A_150 = arith.constant 15 : i32
      %add3A_151 = arith.addi %mul3A_149, %add3A_150 : i32
      %dma_start3A_152 = arith.constant 0 : i32
      %dma_start3A_153 = tpu.memref_slice %arg6[%add3A_151, %dma_start3A_152] : memref<126x80xi32, #tpu.memory_space<vmem>> -> memref<1x80xi32, #tpu.memory_space<vmem>>
      %dma_start3A_154 = tpu.memref_squeeze %dma_start3A_153 : memref<1x80xi32, #tpu.memory_space<vmem>> -> memref<80xi32, #tpu.memory_space<vmem>>
      %dma_start3A_155 = arith.constant 0 : i32
      %dma_start3A_156 = tpu.memref_slice %arg9[%dma_start3A_155] : memref<10240xf32, #tpu.memory_space<vmem_shared>> -> memref<10240xf32, #tpu.memory_space<vmem_shared>>
      tpu.enqueue_indirect_dma source(%arg7 : memref<80xf32, #tpu.memory_space<vmem>>) target(%dma_start3A_156 : memref<10240xf32, #tpu.memory_space<vmem_shared>>) offsets(%dma_start3A_154 : memref<80xi32, #tpu.memory_space<vmem>>) semaphore(%arg10 : memref<!tpu.dma_semaphore, #tpu.memory_space<semaphore_mem>>) {add = true}
      %mul3A_157 = arith.constant 21 : i32
      %mul3A_158 = arith.muli %scan3A_13, %mul3A_157 : i32
      %add3A_159 = arith.constant 16 : i32
      %add3A_160 = arith.addi %mul3A_158, %add3A_159 : i32
      %dma_start3A_161 = arith.constant 0 : i32
      %dma_start3A_162 = tpu.memref_slice %arg6[%add3A_160, %dma_start3A_161] : memref<126x80xi32, #tpu.memory_space<vmem>> -> memref<1x80xi32, #tpu.memory_space<vmem>>
      %dma_start3A_163 = tpu.memref_squeeze %dma_start3A_162 : memref<1x80xi32, #tpu.memory_space<vmem>> -> memref<80xi32, #tpu.memory_space<vmem>>
      %dma_start3A_164 = arith.constant 0 : i32
      %dma_start3A_165 = tpu.memref_slice %arg9[%dma_start3A_164] : memref<10240xf32, #tpu.memory_space<vmem_shared>> -> memref<10240xf32, #tpu.memory_space<vmem_shared>>
      tpu.enqueue_indirect_dma source(%arg7 : memref<80xf32, #tpu.memory_space<vmem>>) target(%dma_start3A_165 : memref<10240xf32, #tpu.memory_space<vmem_shared>>) offsets(%dma_start3A_163 : memref<80xi32, #tpu.memory_space<vmem>>) semaphore(%arg10 : memref<!tpu.dma_semaphore, #tpu.memory_space<semaphore_mem>>) {add = true}
      %mul3A_166 = arith.constant 21 : i32
      %mul3A_167 = arith.muli %scan3A_13, %mul3A_166 : i32
      %add3A_168 = arith.constant 17 : i32
      %add3A_169 = arith.addi %mul3A_167, %add3A_168 : i32
      %dma_start3A_170 = arith.constant 0 : i32
      %dma_start3A_171 = tpu.memref_slice %arg6[%add3A_169, %dma_start3A_170] : memref<126x80xi32, #tpu.memory_space<vmem>> -> memref<1x80xi32, #tpu.memory_space<vmem>>
      %dma_start3A_172 = tpu.memref_squeeze %dma_start3A_171 : memref<1x80xi32, #tpu.memory_space<vmem>> -> memref<80xi32, #tpu.memory_space<vmem>>
      %dma_start3A_173 = arith.constant 0 : i32
      %dma_start3A_174 = tpu.memref_slice %arg9[%dma_start3A_173] : memref<10240xf32, #tpu.memory_space<vmem_shared>> -> memref<10240xf32, #tpu.memory_space<vmem_shared>>
      tpu.enqueue_indirect_dma source(%arg7 : memref<80xf32, #tpu.memory_space<vmem>>) target(%dma_start3A_174 : memref<10240xf32, #tpu.memory_space<vmem_shared>>) offsets(%dma_start3A_172 : memref<80xi32, #tpu.memory_space<vmem>>) semaphore(%arg10 : memref<!tpu.dma_semaphore, #tpu.memory_space<semaphore_mem>>) {add = true}
      %mul3A_175 = arith.constant 21 : i32
      %mul3A_176 = arith.muli %scan3A_13, %mul3A_175 : i32
      %add3A_177 = arith.constant 18 : i32
      %add3A_178 = arith.addi %mul3A_176, %add3A_177 : i32
      %dma_start3A_179 = arith.constant 0 : i32
      %dma_start3A_180 = tpu.memref_slice %arg6[%add3A_178, %dma_start3A_179] : memref<126x80xi32, #tpu.memory_space<vmem>> -> memref<1x80xi32, #tpu.memory_space<vmem>>
      %dma_start3A_181 = tpu.memref_squeeze %dma_start3A_180 : memref<1x80xi32, #tpu.memory_space<vmem>> -> memref<80xi32, #tpu.memory_space<vmem>>
      %dma_start3A_182 = arith.constant 0 : i32
      %dma_start3A_183 = tpu.memref_slice %arg9[%dma_start3A_182] : memref<10240xf32, #tpu.memory_space<vmem_shared>> -> memref<10240xf32, #tpu.memory_space<vmem_shared>>
      tpu.enqueue_indirect_dma source(%arg7 : memref<80xf32, #tpu.memory_space<vmem>>) target(%dma_start3A_183 : memref<10240xf32, #tpu.memory_space<vmem_shared>>) offsets(%dma_start3A_181 : memref<80xi32, #tpu.memory_space<vmem>>) semaphore(%arg10 : memref<!tpu.dma_semaphore, #tpu.memory_space<semaphore_mem>>) {add = true}
      %mul3A_184 = arith.constant 21 : i32
      %mul3A_185 = arith.muli %scan3A_13, %mul3A_184 : i32
      %add3A_186 = arith.constant 19 : i32
      %add3A_187 = arith.addi %mul3A_185, %add3A_186 : i32
      %dma_start3A_188 = arith.constant 0 : i32
      %dma_start3A_189 = tpu.memref_slice %arg6[%add3A_187, %dma_start3A_188] : memref<126x80xi32, #tpu.memory_space<vmem>> -> memref<1x80xi32, #tpu.memory_space<vmem>>
      %dma_start3A_190 = tpu.memref_squeeze %dma_start3A_189 : memref<1x80xi32, #tpu.memory_space<vmem>> -> memref<80xi32, #tpu.memory_space<vmem>>
      %dma_start3A_191 = arith.constant 0 : i32
      %dma_start3A_192 = tpu.memref_slice %arg9[%dma_start3A_191] : memref<10240xf32, #tpu.memory_space<vmem_shared>> -> memref<10240xf32, #tpu.memory_space<vmem_shared>>
      tpu.enqueue_indirect_dma source(%arg7 : memref<80xf32, #tpu.memory_space<vmem>>) target(%dma_start3A_192 : memref<10240xf32, #tpu.memory_space<vmem_shared>>) offsets(%dma_start3A_190 : memref<80xi32, #tpu.memory_space<vmem>>) semaphore(%arg10 : memref<!tpu.dma_semaphore, #tpu.memory_space<semaphore_mem>>) {add = true}
      %mul3A_193 = arith.constant 21 : i32
      %mul3A_194 = arith.muli %scan3A_13, %mul3A_193 : i32
      %add3A_195 = arith.constant 20 : i32
      %add3A_196 = arith.addi %mul3A_194, %add3A_195 : i32
      %dma_start3A_197 = arith.constant 0 : i32
      %dma_start3A_198 = tpu.memref_slice %arg6[%add3A_196, %dma_start3A_197] : memref<126x80xi32, #tpu.memory_space<vmem>> -> memref<1x80xi32, #tpu.memory_space<vmem>>
      %dma_start3A_199 = tpu.memref_squeeze %dma_start3A_198 : memref<1x80xi32, #tpu.memory_space<vmem>> -> memref<80xi32, #tpu.memory_space<vmem>>
      %dma_start3A_200 = arith.constant 0 : i32
      %dma_start3A_201 = tpu.memref_slice %arg9[%dma_start3A_200] : memref<10240xf32, #tpu.memory_space<vmem_shared>> -> memref<10240xf32, #tpu.memory_space<vmem_shared>>
      tpu.enqueue_indirect_dma source(%arg7 : memref<80xf32, #tpu.memory_space<vmem>>) target(%dma_start3A_201 : memref<10240xf32, #tpu.memory_space<vmem_shared>>) offsets(%dma_start3A_199 : memref<80xi32, #tpu.memory_space<vmem>>) semaphore(%arg10 : memref<!tpu.dma_semaphore, #tpu.memory_space<semaphore_mem>>) {add = true}
      %mul3A_202 = arith.constant 21 : i32
      %mul3A_203 = arith.muli %scan3A_13, %mul3A_202 : i32
      %add3A_204 = arith.constant 0 : i32
      %add3A_205 = arith.addi %mul3A_203, %add3A_204 : i32
      %dma_wait3A = arith.constant 0 : i32
      %dma_wait3A_206 = tpu.memref_slice %arg6[%add3A_205, %dma_wait3A] : memref<126x80xi32, #tpu.memory_space<vmem>> -> memref<1x80xi32, #tpu.memory_space<vmem>>
      %dma_wait3A_207 = tpu.memref_squeeze %dma_wait3A_206 : memref<1x80xi32, #tpu.memory_space<vmem>> -> memref<80xi32, #tpu.memory_space<vmem>>
      %dma_wait3A_208 = arith.constant 0 : i32
      %dma_wait3A_209 = tpu.memref_slice %arg9[%dma_wait3A_208] : memref<10240xf32, #tpu.memory_space<vmem_shared>> -> memref<10240xf32, #tpu.memory_space<vmem_shared>>
      tpu.wait_indirect_dma semaphore(%arg10 : memref<!tpu.dma_semaphore, #tpu.memory_space<semaphore_mem>>) src(%arg7 : memref<80xf32, #tpu.memory_space<vmem>>) dst(%dma_wait3A_209 : memref<10240xf32, #tpu.memory_space<vmem_shared>>)
      %mul3A_210 = arith.constant 21 : i32
      %mul3A_211 = arith.muli %scan3A_13, %mul3A_210 : i32
      %add3A_212 = arith.constant 1 : i32
      %add3A_213 = arith.addi %mul3A_211, %add3A_212 : i32
      %dma_wait3A_214 = arith.constant 0 : i32
      %dma_wait3A_215 = tpu.memref_slice %arg6[%add3A_213, %dma_wait3A_214] : memref<126x80xi32, #tpu.memory_space<vmem>> -> memref<1x80xi32, #tpu.memory_space<vmem>>
      %dma_wait3A_216 = tpu.memref_squeeze %dma_wait3A_215 : memref<1x80xi32, #tpu.memory_space<vmem>> -> memref<80xi32, #tpu.memory_space<vmem>>
      %dma_wait3A_217 = arith.constant 0 : i32
      %dma_wait3A_218 = tpu.memref_slice %arg9[%dma_wait3A_217] : memref<10240xf32, #tpu.memory_space<vmem_shared>> -> memref<10240xf32, #tpu.memory_space<vmem_shared>>
      tpu.wait_indirect_dma semaphore(%arg10 : memref<!tpu.dma_semaphore, #tpu.memory_space<semaphore_mem>>) src(%arg7 : memref<80xf32, #tpu.memory_space<vmem>>) dst(%dma_wait3A_218 : memref<10240xf32, #tpu.memory_space<vmem_shared>>)
      %mul3A_219 = arith.constant 21 : i32
      %mul3A_220 = arith.muli %scan3A_13, %mul3A_219 : i32
      %add3A_221 = arith.constant 2 : i32
      %add3A_222 = arith.addi %mul3A_220, %add3A_221 : i32
      %dma_wait3A_223 = arith.constant 0 : i32
      %dma_wait3A_224 = tpu.memref_slice %arg6[%add3A_222, %dma_wait3A_223] : memref<126x80xi32, #tpu.memory_space<vmem>> -> memref<1x80xi32, #tpu.memory_space<vmem>>
      %dma_wait3A_225 = tpu.memref_squeeze %dma_wait3A_224 : memref<1x80xi32, #tpu.memory_space<vmem>> -> memref<80xi32, #tpu.memory_space<vmem>>
      %dma_wait3A_226 = arith.constant 0 : i32
      %dma_wait3A_227 = tpu.memref_slice %arg9[%dma_wait3A_226] : memref<10240xf32, #tpu.memory_space<vmem_shared>> -> memref<10240xf32, #tpu.memory_space<vmem_shared>>
      tpu.wait_indirect_dma semaphore(%arg10 : memref<!tpu.dma_semaphore, #tpu.memory_space<semaphore_mem>>) src(%arg7 : memref<80xf32, #tpu.memory_space<vmem>>) dst(%dma_wait3A_227 : memref<10240xf32, #tpu.memory_space<vmem_shared>>)
      %mul3A_228 = arith.constant 21 : i32
      %mul3A_229 = arith.muli %scan3A_13, %mul3A_228 : i32
      %add3A_230 = arith.constant 3 : i32
      %add3A_231 = arith.addi %mul3A_229, %add3A_230 : i32
      %dma_wait3A_232 = arith.constant 0 : i32
      %dma_wait3A_233 = tpu.memref_slice %arg6[%add3A_231, %dma_wait3A_232] : memref<126x80xi32, #tpu.memory_space<vmem>> -> memref<1x80xi32, #tpu.memory_space<vmem>>
      %dma_wait3A_234 = tpu.memref_squeeze %dma_wait3A_233 : memref<1x80xi32, #tpu.memory_space<vmem>> -> memref<80xi32, #tpu.memory_space<vmem>>
      %dma_wait3A_235 = arith.constant 0 : i32
      %dma_wait3A_236 = tpu.memref_slice %arg9[%dma_wait3A_235] : memref<10240xf32, #tpu.memory_space<vmem_shared>> -> memref<10240xf32, #tpu.memory_space<vmem_shared>>
      tpu.wait_indirect_dma semaphore(%arg10 : memref<!tpu.dma_semaphore, #tpu.memory_space<semaphore_mem>>) src(%arg7 : memref<80xf32, #tpu.memory_space<vmem>>) dst(%dma_wait3A_236 : memref<10240xf32, #tpu.memory_space<vmem_shared>>)
      %mul3A_237 = arith.constant 21 : i32
      %mul3A_238 = arith.muli %scan3A_13, %mul3A_237 : i32
      %add3A_239 = arith.constant 4 : i32
      %add3A_240 = arith.addi %mul3A_238, %add3A_239 : i32
      %dma_wait3A_241 = arith.constant 0 : i32
      %dma_wait3A_242 = tpu.memref_slice %arg6[%add3A_240, %dma_wait3A_241] : memref<126x80xi32, #tpu.memory_space<vmem>> -> memref<1x80xi32, #tpu.memory_space<vmem>>
      %dma_wait3A_243 = tpu.memref_squeeze %dma_wait3A_242 : memref<1x80xi32, #tpu.memory_space<vmem>> -> memref<80xi32, #tpu.memory_space<vmem>>
      %dma_wait3A_244 = arith.constant 0 : i32
      %dma_wait3A_245 = tpu.memref_slice %arg9[%dma_wait3A_244] : memref<10240xf32, #tpu.memory_space<vmem_shared>> -> memref<10240xf32, #tpu.memory_space<vmem_shared>>
      tpu.wait_indirect_dma semaphore(%arg10 : memref<!tpu.dma_semaphore, #tpu.memory_space<semaphore_mem>>) src(%arg7 : memref<80xf32, #tpu.memory_space<vmem>>) dst(%dma_wait3A_245 : memref<10240xf32, #tpu.memory_space<vmem_shared>>)
      %mul3A_246 = arith.constant 21 : i32
      %mul3A_247 = arith.muli %scan3A_13, %mul3A_246 : i32
      %add3A_248 = arith.constant 5 : i32
      %add3A_249 = arith.addi %mul3A_247, %add3A_248 : i32
      %dma_wait3A_250 = arith.constant 0 : i32
      %dma_wait3A_251 = tpu.memref_slice %arg6[%add3A_249, %dma_wait3A_250] : memref<126x80xi32, #tpu.memory_space<vmem>> -> memref<1x80xi32, #tpu.memory_space<vmem>>
      %dma_wait3A_252 = tpu.memref_squeeze %dma_wait3A_251 : memref<1x80xi32, #tpu.memory_space<vmem>> -> memref<80xi32, #tpu.memory_space<vmem>>
      %dma_wait3A_253 = arith.constant 0 : i32
      %dma_wait3A_254 = tpu.memref_slice %arg9[%dma_wait3A_253] : memref<10240xf32, #tpu.memory_space<vmem_shared>> -> memref<10240xf32, #tpu.memory_space<vmem_shared>>
      tpu.wait_indirect_dma semaphore(%arg10 : memref<!tpu.dma_semaphore, #tpu.memory_space<semaphore_mem>>) src(%arg7 : memref<80xf32, #tpu.memory_space<vmem>>) dst(%dma_wait3A_254 : memref<10240xf32, #tpu.memory_space<vmem_shared>>)
      %mul3A_255 = arith.constant 21 : i32
      %mul3A_256 = arith.muli %scan3A_13, %mul3A_255 : i32
      %add3A_257 = arith.constant 6 : i32
      %add3A_258 = arith.addi %mul3A_256, %add3A_257 : i32
      %dma_wait3A_259 = arith.constant 0 : i32
      %dma_wait3A_260 = tpu.memref_slice %arg6[%add3A_258, %dma_wait3A_259] : memref<126x80xi32, #tpu.memory_space<vmem>> -> memref<1x80xi32, #tpu.memory_space<vmem>>
      %dma_wait3A_261 = tpu.memref_squeeze %dma_wait3A_260 : memref<1x80xi32, #tpu.memory_space<vmem>> -> memref<80xi32, #tpu.memory_space<vmem>>
      %dma_wait3A_262 = arith.constant 0 : i32
      %dma_wait3A_263 = tpu.memref_slice %arg9[%dma_wait3A_262] : memref<10240xf32, #tpu.memory_space<vmem_shared>> -> memref<10240xf32, #tpu.memory_space<vmem_shared>>
      tpu.wait_indirect_dma semaphore(%arg10 : memref<!tpu.dma_semaphore, #tpu.memory_space<semaphore_mem>>) src(%arg7 : memref<80xf32, #tpu.memory_space<vmem>>) dst(%dma_wait3A_263 : memref<10240xf32, #tpu.memory_space<vmem_shared>>)
      %mul3A_264 = arith.constant 21 : i32
      %mul3A_265 = arith.muli %scan3A_13, %mul3A_264 : i32
      %add3A_266 = arith.constant 7 : i32
      %add3A_267 = arith.addi %mul3A_265, %add3A_266 : i32
      %dma_wait3A_268 = arith.constant 0 : i32
      %dma_wait3A_269 = tpu.memref_slice %arg6[%add3A_267, %dma_wait3A_268] : memref<126x80xi32, #tpu.memory_space<vmem>> -> memref<1x80xi32, #tpu.memory_space<vmem>>
      %dma_wait3A_270 = tpu.memref_squeeze %dma_wait3A_269 : memref<1x80xi32, #tpu.memory_space<vmem>> -> memref<80xi32, #tpu.memory_space<vmem>>
      %dma_wait3A_271 = arith.constant 0 : i32
      %dma_wait3A_272 = tpu.memref_slice %arg9[%dma_wait3A_271] : memref<10240xf32, #tpu.memory_space<vmem_shared>> -> memref<10240xf32, #tpu.memory_space<vmem_shared>>
      tpu.wait_indirect_dma semaphore(%arg10 : memref<!tpu.dma_semaphore, #tpu.memory_space<semaphore_mem>>) src(%arg7 : memref<80xf32, #tpu.memory_space<vmem>>) dst(%dma_wait3A_272 : memref<10240xf32, #tpu.memory_space<vmem_shared>>)
      %mul3A_273 = arith.constant 21 : i32
      %mul3A_274 = arith.muli %scan3A_13, %mul3A_273 : i32
      %add3A_275 = arith.constant 8 : i32
      %add3A_276 = arith.addi %mul3A_274, %add3A_275 : i32
      %dma_wait3A_277 = arith.constant 0 : i32
      %dma_wait3A_278 = tpu.memref_slice %arg6[%add3A_276, %dma_wait3A_277] : memref<126x80xi32, #tpu.memory_space<vmem>> -> memref<1x80xi32, #tpu.memory_space<vmem>>
      %dma_wait3A_279 = tpu.memref_squeeze %dma_wait3A_278 : memref<1x80xi32, #tpu.memory_space<vmem>> -> memref<80xi32, #tpu.memory_space<vmem>>
      %dma_wait3A_280 = arith.constant 0 : i32
      %dma_wait3A_281 = tpu.memref_slice %arg9[%dma_wait3A_280] : memref<10240xf32, #tpu.memory_space<vmem_shared>> -> memref<10240xf32, #tpu.memory_space<vmem_shared>>
      tpu.wait_indirect_dma semaphore(%arg10 : memref<!tpu.dma_semaphore, #tpu.memory_space<semaphore_mem>>) src(%arg7 : memref<80xf32, #tpu.memory_space<vmem>>) dst(%dma_wait3A_281 : memref<10240xf32, #tpu.memory_space<vmem_shared>>)
      %mul3A_282 = arith.constant 21 : i32
      %mul3A_283 = arith.muli %scan3A_13, %mul3A_282 : i32
      %add3A_284 = arith.constant 9 : i32
      %add3A_285 = arith.addi %mul3A_283, %add3A_284 : i32
      %dma_wait3A_286 = arith.constant 0 : i32
      %dma_wait3A_287 = tpu.memref_slice %arg6[%add3A_285, %dma_wait3A_286] : memref<126x80xi32, #tpu.memory_space<vmem>> -> memref<1x80xi32, #tpu.memory_space<vmem>>
      %dma_wait3A_288 = tpu.memref_squeeze %dma_wait3A_287 : memref<1x80xi32, #tpu.memory_space<vmem>> -> memref<80xi32, #tpu.memory_space<vmem>>
      %dma_wait3A_289 = arith.constant 0 : i32
      %dma_wait3A_290 = tpu.memref_slice %arg9[%dma_wait3A_289] : memref<10240xf32, #tpu.memory_space<vmem_shared>> -> memref<10240xf32, #tpu.memory_space<vmem_shared>>
      tpu.wait_indirect_dma semaphore(%arg10 : memref<!tpu.dma_semaphore, #tpu.memory_space<semaphore_mem>>) src(%arg7 : memref<80xf32, #tpu.memory_space<vmem>>) dst(%dma_wait3A_290 : memref<10240xf32, #tpu.memory_space<vmem_shared>>)
      %mul3A_291 = arith.constant 21 : i32
      %mul3A_292 = arith.muli %scan3A_13, %mul3A_291 : i32
      %add3A_293 = arith.constant 10 : i32
      %add3A_294 = arith.addi %mul3A_292, %add3A_293 : i32
      %dma_wait3A_295 = arith.constant 0 : i32
      %dma_wait3A_296 = tpu.memref_slice %arg6[%add3A_294, %dma_wait3A_295] : memref<126x80xi32, #tpu.memory_space<vmem>> -> memref<1x80xi32, #tpu.memory_space<vmem>>
      %dma_wait3A_297 = tpu.memref_squeeze %dma_wait3A_296 : memref<1x80xi32, #tpu.memory_space<vmem>> -> memref<80xi32, #tpu.memory_space<vmem>>
      %dma_wait3A_298 = arith.constant 0 : i32
      %dma_wait3A_299 = tpu.memref_slice %arg9[%dma_wait3A_298] : memref<10240xf32, #tpu.memory_space<vmem_shared>> -> memref<10240xf32, #tpu.memory_space<vmem_shared>>
      tpu.wait_indirect_dma semaphore(%arg10 : memref<!tpu.dma_semaphore, #tpu.memory_space<semaphore_mem>>) src(%arg7 : memref<80xf32, #tpu.memory_space<vmem>>) dst(%dma_wait3A_299 : memref<10240xf32, #tpu.memory_space<vmem_shared>>)
      %mul3A_300 = arith.constant 21 : i32
      %mul3A_301 = arith.muli %scan3A_13, %mul3A_300 : i32
      %add3A_302 = arith.constant 11 : i32
      %add3A_303 = arith.addi %mul3A_301, %add3A_302 : i32
      %dma_wait3A_304 = arith.constant 0 : i32
      %dma_wait3A_305 = tpu.memref_slice %arg6[%add3A_303, %dma_wait3A_304] : memref<126x80xi32, #tpu.memory_space<vmem>> -> memref<1x80xi32, #tpu.memory_space<vmem>>
      %dma_wait3A_306 = tpu.memref_squeeze %dma_wait3A_305 : memref<1x80xi32, #tpu.memory_space<vmem>> -> memref<80xi32, #tpu.memory_space<vmem>>
      %dma_wait3A_307 = arith.constant 0 : i32
      %dma_wait3A_308 = tpu.memref_slice %arg9[%dma_wait3A_307] : memref<10240xf32, #tpu.memory_space<vmem_shared>> -> memref<10240xf32, #tpu.memory_space<vmem_shared>>
      tpu.wait_indirect_dma semaphore(%arg10 : memref<!tpu.dma_semaphore, #tpu.memory_space<semaphore_mem>>) src(%arg7 : memref<80xf32, #tpu.memory_space<vmem>>) dst(%dma_wait3A_308 : memref<10240xf32, #tpu.memory_space<vmem_shared>>)
      %mul3A_309 = arith.constant 21 : i32
      %mul3A_310 = arith.muli %scan3A_13, %mul3A_309 : i32
      %add3A_311 = arith.constant 12 : i32
      %add3A_312 = arith.addi %mul3A_310, %add3A_311 : i32
      %dma_wait3A_313 = arith.constant 0 : i32
      %dma_wait3A_314 = tpu.memref_slice %arg6[%add3A_312, %dma_wait3A_313] : memref<126x80xi32, #tpu.memory_space<vmem>> -> memref<1x80xi32, #tpu.memory_space<vmem>>
      %dma_wait3A_315 = tpu.memref_squeeze %dma_wait3A_314 : memref<1x80xi32, #tpu.memory_space<vmem>> -> memref<80xi32, #tpu.memory_space<vmem>>
      %dma_wait3A_316 = arith.constant 0 : i32
      %dma_wait3A_317 = tpu.memref_slice %arg9[%dma_wait3A_316] : memref<10240xf32, #tpu.memory_space<vmem_shared>> -> memref<10240xf32, #tpu.memory_space<vmem_shared>>
      tpu.wait_indirect_dma semaphore(%arg10 : memref<!tpu.dma_semaphore, #tpu.memory_space<semaphore_mem>>) src(%arg7 : memref<80xf32, #tpu.memory_space<vmem>>) dst(%dma_wait3A_317 : memref<10240xf32, #tpu.memory_space<vmem_shared>>)
      %mul3A_318 = arith.constant 21 : i32
      %mul3A_319 = arith.muli %scan3A_13, %mul3A_318 : i32
      %add3A_320 = arith.constant 13 : i32
      %add3A_321 = arith.addi %mul3A_319, %add3A_320 : i32
      %dma_wait3A_322 = arith.constant 0 : i32
      %dma_wait3A_323 = tpu.memref_slice %arg6[%add3A_321, %dma_wait3A_322] : memref<126x80xi32, #tpu.memory_space<vmem>> -> memref<1x80xi32, #tpu.memory_space<vmem>>
      %dma_wait3A_324 = tpu.memref_squeeze %dma_wait3A_323 : memref<1x80xi32, #tpu.memory_space<vmem>> -> memref<80xi32, #tpu.memory_space<vmem>>
      %dma_wait3A_325 = arith.constant 0 : i32
      %dma_wait3A_326 = tpu.memref_slice %arg9[%dma_wait3A_325] : memref<10240xf32, #tpu.memory_space<vmem_shared>> -> memref<10240xf32, #tpu.memory_space<vmem_shared>>
      tpu.wait_indirect_dma semaphore(%arg10 : memref<!tpu.dma_semaphore, #tpu.memory_space<semaphore_mem>>) src(%arg7 : memref<80xf32, #tpu.memory_space<vmem>>) dst(%dma_wait3A_326 : memref<10240xf32, #tpu.memory_space<vmem_shared>>)
      %mul3A_327 = arith.constant 21 : i32
      %mul3A_328 = arith.muli %scan3A_13, %mul3A_327 : i32
      %add3A_329 = arith.constant 14 : i32
      %add3A_330 = arith.addi %mul3A_328, %add3A_329 : i32
      %dma_wait3A_331 = arith.constant 0 : i32
      %dma_wait3A_332 = tpu.memref_slice %arg6[%add3A_330, %dma_wait3A_331] : memref<126x80xi32, #tpu.memory_space<vmem>> -> memref<1x80xi32, #tpu.memory_space<vmem>>
      %dma_wait3A_333 = tpu.memref_squeeze %dma_wait3A_332 : memref<1x80xi32, #tpu.memory_space<vmem>> -> memref<80xi32, #tpu.memory_space<vmem>>
      %dma_wait3A_334 = arith.constant 0 : i32
      %dma_wait3A_335 = tpu.memref_slice %arg9[%dma_wait3A_334] : memref<10240xf32, #tpu.memory_space<vmem_shared>> -> memref<10240xf32, #tpu.memory_space<vmem_shared>>
      tpu.wait_indirect_dma semaphore(%arg10 : memref<!tpu.dma_semaphore, #tpu.memory_space<semaphore_mem>>) src(%arg7 : memref<80xf32, #tpu.memory_space<vmem>>) dst(%dma_wait3A_335 : memref<10240xf32, #tpu.memory_space<vmem_shared>>)
      %mul3A_336 = arith.constant 21 : i32
      %mul3A_337 = arith.muli %scan3A_13, %mul3A_336 : i32
      %add3A_338 = arith.constant 15 : i32
      %add3A_339 = arith.addi %mul3A_337, %add3A_338 : i32
      %dma_wait3A_340 = arith.constant 0 : i32
      %dma_wait3A_341 = tpu.memref_slice %arg6[%add3A_339, %dma_wait3A_340] : memref<126x80xi32, #tpu.memory_space<vmem>> -> memref<1x80xi32, #tpu.memory_space<vmem>>
      %dma_wait3A_342 = tpu.memref_squeeze %dma_wait3A_341 : memref<1x80xi32, #tpu.memory_space<vmem>> -> memref<80xi32, #tpu.memory_space<vmem>>
      %dma_wait3A_343 = arith.constant 0 : i32
      %dma_wait3A_344 = tpu.memref_slice %arg9[%dma_wait3A_343] : memref<10240xf32, #tpu.memory_space<vmem_shared>> -> memref<10240xf32, #tpu.memory_space<vmem_shared>>
      tpu.wait_indirect_dma semaphore(%arg10 : memref<!tpu.dma_semaphore, #tpu.memory_space<semaphore_mem>>) src(%arg7 : memref<80xf32, #tpu.memory_space<vmem>>) dst(%dma_wait3A_344 : memref<10240xf32, #tpu.memory_space<vmem_shared>>)
      %mul3A_345 = arith.constant 21 : i32
      %mul3A_346 = arith.muli %scan3A_13, %mul3A_345 : i32
      %add3A_347 = arith.constant 16 : i32
      %add3A_348 = arith.addi %mul3A_346, %add3A_347 : i32
      %dma_wait3A_349 = arith.constant 0 : i32
      %dma_wait3A_350 = tpu.memref_slice %arg6[%add3A_348, %dma_wait3A_349] : memref<126x80xi32, #tpu.memory_space<vmem>> -> memref<1x80xi32, #tpu.memory_space<vmem>>
      %dma_wait3A_351 = tpu.memref_squeeze %dma_wait3A_350 : memref<1x80xi32, #tpu.memory_space<vmem>> -> memref<80xi32, #tpu.memory_space<vmem>>
      %dma_wait3A_352 = arith.constant 0 : i32
      %dma_wait3A_353 = tpu.memref_slice %arg9[%dma_wait3A_352] : memref<10240xf32, #tpu.memory_space<vmem_shared>> -> memref<10240xf32, #tpu.memory_space<vmem_shared>>
      tpu.wait_indirect_dma semaphore(%arg10 : memref<!tpu.dma_semaphore, #tpu.memory_space<semaphore_mem>>) src(%arg7 : memref<80xf32, #tpu.memory_space<vmem>>) dst(%dma_wait3A_353 : memref<10240xf32, #tpu.memory_space<vmem_shared>>)
      %mul3A_354 = arith.constant 21 : i32
      %mul3A_355 = arith.muli %scan3A_13, %mul3A_354 : i32
      %add3A_356 = arith.constant 17 : i32
      %add3A_357 = arith.addi %mul3A_355, %add3A_356 : i32
      %dma_wait3A_358 = arith.constant 0 : i32
      %dma_wait3A_359 = tpu.memref_slice %arg6[%add3A_357, %dma_wait3A_358] : memref<126x80xi32, #tpu.memory_space<vmem>> -> memref<1x80xi32, #tpu.memory_space<vmem>>
      %dma_wait3A_360 = tpu.memref_squeeze %dma_wait3A_359 : memref<1x80xi32, #tpu.memory_space<vmem>> -> memref<80xi32, #tpu.memory_space<vmem>>
      %dma_wait3A_361 = arith.constant 0 : i32
      %dma_wait3A_362 = tpu.memref_slice %arg9[%dma_wait3A_361] : memref<10240xf32, #tpu.memory_space<vmem_shared>> -> memref<10240xf32, #tpu.memory_space<vmem_shared>>
      tpu.wait_indirect_dma semaphore(%arg10 : memref<!tpu.dma_semaphore, #tpu.memory_space<semaphore_mem>>) src(%arg7 : memref<80xf32, #tpu.memory_space<vmem>>) dst(%dma_wait3A_362 : memref<10240xf32, #tpu.memory_space<vmem_shared>>)
      %mul3A_363 = arith.constant 21 : i32
      %mul3A_364 = arith.muli %scan3A_13, %mul3A_363 : i32
      %add3A_365 = arith.constant 18 : i32
      %add3A_366 = arith.addi %mul3A_364, %add3A_365 : i32
      %dma_wait3A_367 = arith.constant 0 : i32
      %dma_wait3A_368 = tpu.memref_slice %arg6[%add3A_366, %dma_wait3A_367] : memref<126x80xi32, #tpu.memory_space<vmem>> -> memref<1x80xi32, #tpu.memory_space<vmem>>
      %dma_wait3A_369 = tpu.memref_squeeze %dma_wait3A_368 : memref<1x80xi32, #tpu.memory_space<vmem>> -> memref<80xi32, #tpu.memory_space<vmem>>
      %dma_wait3A_370 = arith.constant 0 : i32
      %dma_wait3A_371 = tpu.memref_slice %arg9[%dma_wait3A_370] : memref<10240xf32, #tpu.memory_space<vmem_shared>> -> memref<10240xf32, #tpu.memory_space<vmem_shared>>
      tpu.wait_indirect_dma semaphore(%arg10 : memref<!tpu.dma_semaphore, #tpu.memory_space<semaphore_mem>>) src(%arg7 : memref<80xf32, #tpu.memory_space<vmem>>) dst(%dma_wait3A_371 : memref<10240xf32, #tpu.memory_space<vmem_shared>>)
      %mul3A_372 = arith.constant 21 : i32
      %mul3A_373 = arith.muli %scan3A_13, %mul3A_372 : i32
      %add3A_374 = arith.constant 19 : i32
      %add3A_375 = arith.addi %mul3A_373, %add3A_374 : i32
      %dma_wait3A_376 = arith.constant 0 : i32
      %dma_wait3A_377 = tpu.memref_slice %arg6[%add3A_375, %dma_wait3A_376] : memref<126x80xi32, #tpu.memory_space<vmem>> -> memref<1x80xi32, #tpu.memory_space<vmem>>
      %dma_wait3A_378 = tpu.memref_squeeze %dma_wait3A_377 : memref<1x80xi32, #tpu.memory_space<vmem>> -> memref<80xi32, #tpu.memory_space<vmem>>
      %dma_wait3A_379 = arith.constant 0 : i32
      %dma_wait3A_380 = tpu.memref_slice %arg9[%dma_wait3A_379] : memref<10240xf32, #tpu.memory_space<vmem_shared>> -> memref<10240xf32, #tpu.memory_space<vmem_shared>>
      tpu.wait_indirect_dma semaphore(%arg10 : memref<!tpu.dma_semaphore, #tpu.memory_space<semaphore_mem>>) src(%arg7 : memref<80xf32, #tpu.memory_space<vmem>>) dst(%dma_wait3A_380 : memref<10240xf32, #tpu.memory_space<vmem_shared>>)
      %mul3A_381 = arith.constant 21 : i32
      %mul3A_382 = arith.muli %scan3A_13, %mul3A_381 : i32
      %add3A_383 = arith.constant 20 : i32
      %add3A_384 = arith.addi %mul3A_382, %add3A_383 : i32
      %dma_wait3A_385 = arith.constant 0 : i32
      %dma_wait3A_386 = tpu.memref_slice %arg6[%add3A_384, %dma_wait3A_385] : memref<126x80xi32, #tpu.memory_space<vmem>> -> memref<1x80xi32, #tpu.memory_space<vmem>>
      %dma_wait3A_387 = tpu.memref_squeeze %dma_wait3A_386 : memref<1x80xi32, #tpu.memory_space<vmem>> -> memref<80xi32, #tpu.memory_space<vmem>>
      %dma_wait3A_388 = arith.constant 0 : i32
      %dma_wait3A_389 = tpu.memref_slice %arg9[%dma_wait3A_388] : memref<10240xf32, #tpu.memory_space<vmem_shared>> -> memref<10240xf32, #tpu.memory_space<vmem_shared>>
      tpu.wait_indirect_dma semaphore(%arg10 : memref<!tpu.dma_semaphore, #tpu.memory_space<semaphore_mem>>) src(%arg7 : memref<80xf32, #tpu.memory_space<vmem>>) dst(%dma_wait3A_389 : memref<10240xf32, #tpu.memory_space<vmem_shared>>)
    }
    %scan3A_7 = arith.constant 6 : i32
    %barrier3A_8 = arith.constant 0 : index
    tpu.barrier barrier_id(%barrier3A_8)
    %mul3A_9 = arith.constant 640 : i32
    %mul3A_10 = arith.muli %arg1, %mul3A_9 : i32
    "tpu.region"() ({
      %run_scoped3A = tpu.sem_alloc : memref<!tpu.dma_semaphore, #tpu.memory_space<semaphore_mem>>
      %dma_start3A = tpu.memref_slice %arg9[%mul3A_10] : memref<10240xf32, #tpu.memory_space<vmem_shared>> -> memref<640xf32, #tpu.memory_space<vmem_shared>>
      %dma_start3A_13 = tpu.memref_slice %arg9[%mul3A_10] : memref<10240xf32, #tpu.memory_space<vmem_shared>> -> memref<640xf32, #tpu.memory_space<vmem_shared>>
      tpu.enqueue_dma source(%dma_start3A_13 : memref<640xf32, #tpu.memory_space<vmem_shared>>) target(%arg8 : memref<640xf32, #tpu.memory_space<vmem>>) target_semaphore(%run_scoped3A : memref<!tpu.dma_semaphore, #tpu.memory_space<semaphore_mem>>)
      %dma_wait3A = tpu.memref_slice %arg9[%mul3A_10] : memref<10240xf32, #tpu.memory_space<vmem_shared>> -> memref<640xf32, #tpu.memory_space<vmem_shared>>
      %dma_wait3A_14 = tpu.memref_slice %arg9[%mul3A_10] : memref<10240xf32, #tpu.memory_space<vmem_shared>> -> memref<640xf32, #tpu.memory_space<vmem_shared>>
      tpu.wait_dma2 semaphore(%run_scoped3A : memref<!tpu.dma_semaphore, #tpu.memory_space<semaphore_mem>>) src(%dma_wait3A_14 : memref<640xf32, #tpu.memory_space<vmem_shared>>) dst(%arg8 : memref<640xf32, #tpu.memory_space<vmem>>)
      tpu.yield
    }) : () -> ()
    %mul3A_11 = arith.constant 640 : i32
    %mul3A_12 = arith.muli %arg1, %mul3A_11 : i32
    "tpu.region"() ({
      %run_scoped3A = tpu.sem_alloc : memref<!tpu.dma_semaphore, #tpu.memory_space<semaphore_mem>>
      %dma_start3A = tpu.memref_slice %arg5[%arg0, %mul3A_12] : memref<2x10240xf32, #tpu.memory_space<hbm>> -> memref<1x640xf32, #tpu.memory_space<hbm>>
      %dma_start3A_13 = tpu.memref_squeeze %dma_start3A : memref<1x640xf32, #tpu.memory_space<hbm>> -> memref<640xf32, #tpu.memory_space<hbm>>
      %dma_start3A_14 = tpu.memref_slice %arg5[%arg0, %mul3A_12] : memref<2x10240xf32, #tpu.memory_space<hbm>> -> memref<1x640xf32, #tpu.memory_space<hbm>>
      %dma_start3A_15 = tpu.memref_squeeze %dma_start3A_14 : memref<1x640xf32, #tpu.memory_space<hbm>> -> memref<640xf32, #tpu.memory_space<hbm>>
      tpu.enqueue_dma source(%arg8 : memref<640xf32, #tpu.memory_space<vmem>>) target(%dma_start3A_15 : memref<640xf32, #tpu.memory_space<hbm>>) target_semaphore(%run_scoped3A : memref<!tpu.dma_semaphore, #tpu.memory_space<semaphore_mem>>)
      %dma_wait3A = tpu.memref_slice %arg5[%arg0, %mul3A_12] : memref<2x10240xf32, #tpu.memory_space<hbm>> -> memref<1x640xf32, #tpu.memory_space<hbm>>
      %dma_wait3A_16 = tpu.memref_squeeze %dma_wait3A : memref<1x640xf32, #tpu.memory_space<hbm>> -> memref<640xf32, #tpu.memory_space<hbm>>
      %dma_wait3A_17 = tpu.memref_slice %arg5[%arg0, %mul3A_12] : memref<2x10240xf32, #tpu.memory_space<hbm>> -> memref<1x640xf32, #tpu.memory_space<hbm>>
      %dma_wait3A_18 = tpu.memref_squeeze %dma_wait3A_17 : memref<1x640xf32, #tpu.memory_space<hbm>> -> memref<640xf32, #tpu.memory_space<hbm>>
      tpu.wait_dma2 semaphore(%run_scoped3A : memref<!tpu.dma_semaphore, #tpu.memory_space<semaphore_mem>>) src(%arg8 : memref<640xf32, #tpu.memory_space<vmem>>) dst(%dma_wait3A_18 : memref<640xf32, #tpu.memory_space<hbm>>)
      tpu.yield
    }) : () -> ()
    return
  }
}

module attributes {stable_mosaic.version = 14 : i64} {
  func.func @_tc_dinvg_body(%arg0: i32, %arg1: memref<2x256x1xf32, #tpu.memory_space<vmem>>, %arg2: memref<256x128xf32, #tpu.memory_space<vmem>>, %arg3: memref<128x128xf32, #tpu.memory_space<vmem>>, %arg4: memref<256x1xf32, #tpu.memory_space<vmem>>, %arg5: memref<2x256x64xf32, #tpu.memory_space<vmem>>) attributes {dimension_semantics = [#tpu.dimension_semantics<arbitrary>], iteration_bounds = array<i64: 40>, scalar_prefetch = 0 : i64, scratch_operands = 0 : i64, tpu.core_type = #tpu.core_type<tc>, window_params = [{transform_indices = @transform_0, window_bounds = array<i64: 2, 256, 1>}, {transform_indices = @transform_1, window_bounds = array<i64: 256, 128>}, {pipeline_mode = #tpu.pipeline_mode<synchronous>, transform_indices = @transform_2, window_bounds = array<i64: 128, 128>}, {transform_indices = @transform_3, window_bounds = array<i64: 256, 1>}, {transform_indices = @transform_4, window_bounds = array<i64: 2, 256, 64>}]} {
    %get3A = arith.constant 0 : index
    %get3A_0 = arith.constant 0 : index
    %get3A_1 = arith.constant 0 : index
    %get3A_2 = vector.load %arg1[%get3A, %get3A_0, %get3A_1] : memref<2x256x1xf32, #tpu.memory_space<vmem>>, vector<2x256x1xf32>
    %slice3A = vector.extract_strided_slice %get3A_2 {offsets = [0, 0, 0], sizes = [1, 256, 1], strides = [1, 1, 1]} : vector<2x256x1xf32> to vector<1x256x1xf32>
    %squeeze3A = vector.shape_cast %slice3A : vector<1x256x1xf32> to vector<256x1xf32>
    %slice3A_3 = vector.extract_strided_slice %get3A_2 {offsets = [1, 0, 0], sizes = [1, 256, 1], strides = [1, 1, 1]} : vector<2x256x1xf32> to vector<1x256x1xf32>
    %squeeze3A_4 = vector.shape_cast %slice3A_3 : vector<1x256x1xf32> to vector<256x1xf32>
    %add3A = arith.addf %squeeze3A, %squeeze3A_4 : vector<256x1xf32>
    %add3A_5 = arith.constant 1.000000e+00 : f32
    %add3A_6 = vector.broadcast %add3A_5 : f32 to vector<256x1xf32>
    %add3A_7 = arith.addf %add3A, %add3A_6 : vector<256x1xf32>
    %mul3A = arith.constant 256 : i32
    %mul3A_8 = arith.muli %arg0, %mul3A : i32
    %iota3A = tpu.iota {dimensions = array<i32: 0>} : vector<256x1xi32>
    %add3A_9 = vector.broadcast %mul3A_8 : i32 to vector<256x1xi32>
    %add3A_10 = arith.addi %add3A_9, %iota3A : vector<256x1xi32>
    %lt3A = arith.constant 10000 : i32
    %lt3A_11 = vector.broadcast %lt3A : i32 to vector<256x1xi32>
    %lt3A_12 = arith.cmpi slt, %add3A_10, %lt3A_11 : vector<256x1xi32>
    %pow3A = arith.constant -5.000000e-01 : f32
    %pow3A_13 = vector.broadcast %pow3A : f32 to vector<256x1xf32>
    %pow3A_14 = math.powf %add3A_7, %pow3A_13 : vector<256x1xf32>
    %jit3A = arith.constant 0.000000e+00 : f32
    %broadcast_in_dim3A = vector.broadcast %jit3A : f32 to vector<256x1xf32>
    %select_n3A = arith.select %lt3A_12, %pow3A_14, %broadcast_in_dim3A : vector<256x1xi1>, vector<256x1xf32>
    %swap3A = arith.constant 0 : index
    %swap3A_15 = arith.constant 0 : index
    %swap3A_16 = vector.load %arg4[%swap3A, %swap3A_15] : memref<256x1xf32, #tpu.memory_space<vmem>>, vector<256x1xf32>
    tpu.vector_store %arg4[%swap3A, %swap3A_15], %select_n3A {strides = array<i32>} : memref<256x1xf32, #tpu.memory_space<vmem>>, vector<256x1xf32>,
    %get3A_17 = arith.constant 0 : index
    %get3A_18 = arith.constant 0 : index
    %get3A_19 = vector.load %arg2[%get3A_17, %get3A_18] : memref<256x128xf32, #tpu.memory_space<vmem>>, vector<256x128xf32>
    %get3A_20 = arith.constant 0 : index
    %get3A_21 = arith.constant 0 : index
    %get3A_22 = vector.load %arg3[%get3A_20, %get3A_21] : memref<128x128xf32, #tpu.memory_space<vmem>>, vector<128x128xf32>
    %dot_general3A = arith.constant dense<0.000000e+00> : vector<256x128xf32>
    %dot_general3A_23 = tpu.matmul %get3A_19, %get3A_22, %dot_general3A {dimension_numbers = #tpu.dot_dimension_numbers<[1], [0], [0], [1], [0, 0, 1, 1], [], []>, transpose_lhs_hint = false} : vector<256x128xf32>, vector<128x128xf32>, vector<256x128xf32> -> vector<256x128xf32>
    %mul3A_24 = vector.broadcast %select_n3A : vector<256x1xf32> to vector<256x128xf32>
    %mul3A_25 = arith.mulf %mul3A_24, %dot_general3A_23 : vector<256x128xf32>
    %slice3A_26 = vector.extract_strided_slice %mul3A_25 {offsets = [0, 0], sizes = [256, 64], strides = [1, 1]} : vector<256x128xf32> to vector<256x64xf32>
    %swap3A_27 = arith.constant 0 : index
    %swap3A_28 = arith.constant 0 : index
    %swap3A_29 = arith.constant 0 : index
    %swap3A_30 = vector.load %arg5[%swap3A_27, %swap3A_28, %swap3A_29] : memref<2x256x64xf32, #tpu.memory_space<vmem>>, vector<1x256x64xf32>
    %swap3A_31 = vector.shape_cast %swap3A_30 : vector<1x256x64xf32> to vector<256x64xf32>
    %swap3A_32 = vector.shape_cast %slice3A_26 : vector<256x64xf32> to vector<1x256x64xf32>
    tpu.vector_store %arg5[%swap3A_27, %swap3A_28, %swap3A_29], %swap3A_32 {strides = array<i32>} : memref<2x256x64xf32, #tpu.memory_space<vmem>>, vector<1x256x64xf32>,
    %slice3A_33 = vector.extract_strided_slice %mul3A_25 {offsets = [0, 64], sizes = [256, 64], strides = [1, 1]} : vector<256x128xf32> to vector<256x64xf32>
    %swap3A_34 = arith.constant 1 : index
    %swap3A_35 = arith.constant 0 : index
    %swap3A_36 = arith.constant 0 : index
    %swap3A_37 = vector.load %arg5[%swap3A_34, %swap3A_35, %swap3A_36] : memref<2x256x64xf32, #tpu.memory_space<vmem>>, vector<1x256x64xf32>
    %swap3A_38 = vector.shape_cast %swap3A_37 : vector<1x256x64xf32> to vector<256x64xf32>
    %swap3A_39 = vector.shape_cast %slice3A_33 : vector<256x64xf32> to vector<1x256x64xf32>
    tpu.vector_store %arg5[%swap3A_34, %swap3A_35, %swap3A_36], %swap3A_39 {strides = array<i32>} : memref<2x256x64xf32, #tpu.memory_space<vmem>>, vector<1x256x64xf32>,
    return
  }
  func.func @transform_0(%arg0: i32) -> (i32, i32, i32) {
    %c0_i32 = arith.constant 0 : i32
    %c0_i32_0 = arith.constant 0 : i32
    %c0_i32_1 = arith.constant 0 : i32
    return %c0_i32, %arg0, %c0_i32_0 : i32, i32, i32
  }
  func.func @transform_1(%arg0: i32) -> (i32, i32) {
    %c0_i32 = arith.constant 0 : i32
    %c0_i32_0 = arith.constant 0 : i32
    return %arg0, %c0_i32 : i32, i32
  }
  func.func @transform_2(%arg0: i32) -> (i32, i32) {
    %c0_i32 = arith.constant 0 : i32
    %c0_i32_0 = arith.constant 0 : i32
    %c0_i32_1 = arith.constant 0 : i32
    return %c0_i32, %c0_i32_0 : i32, i32
  }
  func.func @transform_3(%arg0: i32) -> (i32, i32) {
    %c0_i32 = arith.constant 0 : i32
    %c0_i32_0 = arith.constant 0 : i32
    return %arg0, %c0_i32 : i32, i32
  }
  func.func @transform_4(%arg0: i32) -> (i32, i32, i32) {
    %c0_i32 = arith.constant 0 : i32
    %c0_i32_0 = arith.constant 0 : i32
    %c0_i32_1 = arith.constant 0 : i32
    return %c0_i32, %arg0, %c0_i32_0 : i32, i32, i32
  }
}

module attributes {stable_mosaic.version = 14 : i64} {
  func.func @_tc_fin_body(%arg0: i32, %arg1: memref<2x256x64xf32, #tpu.memory_space<vmem>>, %arg2: memref<2x256x64xf32, #tpu.memory_space<vmem>>, %arg3: memref<256x1xf32, #tpu.memory_space<vmem>>, %arg4: memref<32x256xf32, #tpu.memory_space<vmem>>, %arg5: memref<1x256xf32, #tpu.memory_space<vmem>>, %arg6: memref<1x128xf32, #tpu.memory_space<vmem>>, %arg7: memref<128x16xf32, #tpu.memory_space<vmem>>, %arg8: memref<1x16xf32, #tpu.memory_space<vmem>>, %arg9: memref<1x16xf32, #tpu.memory_space<vmem>>, %arg10: memref<1x128xf32, #tpu.memory_space<vmem>>) attributes {dimension_semantics = [#tpu.dimension_semantics<arbitrary>], iteration_bounds = array<i64: 40>, scalar_prefetch = 0 : i64, scratch_operands = 1 : i64, tpu.core_type = #tpu.core_type<tc>, window_params = [{transform_indices = @transform_0, window_bounds = array<i64: 2, 256, 64>}, {transform_indices = @transform_1, window_bounds = array<i64: 2, 256, 64>}, {transform_indices = @transform_2, window_bounds = array<i64: 256, 1>}, {transform_indices = @transform_3, window_bounds = array<i64: 32, 256>}, {transform_indices = @transform_4, window_bounds = array<i64: 1, 256>}, {pipeline_mode = #tpu.pipeline_mode<synchronous>, transform_indices = @transform_5, window_bounds = array<i64: 1, 128>}, {pipeline_mode = #tpu.pipeline_mode<synchronous>, transform_indices = @transform_6, window_bounds = array<i64: 128, 16>}, {pipeline_mode = #tpu.pipeline_mode<synchronous>, transform_indices = @transform_7, window_bounds = array<i64: 1, 16>}, {pipeline_mode = #tpu.pipeline_mode<synchronous>, transform_indices = @transform_8, window_bounds = array<i64: 1, 16>}]} {
    %get3A = arith.constant 0 : index
    %get3A_0 = arith.constant 0 : index
    %get3A_1 = arith.constant 0 : index
    %get3A_2 = vector.load %arg1[%get3A, %get3A_0, %get3A_1] : memref<2x256x64xf32, #tpu.memory_space<vmem>>, vector<1x256x64xf32>
    %get3A_3 = vector.shape_cast %get3A_2 : vector<1x256x64xf32> to vector<256x64xf32>
    %get3A_4 = arith.constant 1 : index
    %get3A_5 = arith.constant 0 : index
    %get3A_6 = arith.constant 0 : index
    %get3A_7 = vector.load %arg1[%get3A_4, %get3A_5, %get3A_6] : memref<2x256x64xf32, #tpu.memory_space<vmem>>, vector<1x256x64xf32>
    %get3A_8 = vector.shape_cast %get3A_7 : vector<1x256x64xf32> to vector<256x64xf32>
    %concatenate3A = tpu.concatenate %get3A_3, %get3A_8 in 1 : vector<256x64xf32>, vector<256x64xf32> -> vector<256x128xf32>
    %get3A_9 = arith.constant 0 : index
    %get3A_10 = arith.constant 0 : index
    %get3A_11 = arith.constant 0 : index
    %get3A_12 = vector.load %arg2[%get3A_9, %get3A_10, %get3A_11] : memref<2x256x64xf32, #tpu.memory_space<vmem>>, vector<1x256x64xf32>
    %get3A_13 = vector.shape_cast %get3A_12 : vector<1x256x64xf32> to vector<256x64xf32>
    %get3A_14 = arith.constant 1 : index
    %get3A_15 = arith.constant 0 : index
    %get3A_16 = arith.constant 0 : index
    %get3A_17 = vector.load %arg2[%get3A_14, %get3A_15, %get3A_16] : memref<2x256x64xf32, #tpu.memory_space<vmem>>, vector<1x256x64xf32>
    %get3A_18 = vector.shape_cast %get3A_17 : vector<1x256x64xf32> to vector<256x64xf32>
    %concatenate3A_19 = tpu.concatenate %get3A_13, %get3A_18 in 1 : vector<256x64xf32>, vector<256x64xf32> -> vector<256x128xf32>
    %get3A_20 = arith.constant 0 : index
    %get3A_21 = arith.constant 0 : index
    %get3A_22 = vector.load %arg3[%get3A_20, %get3A_21] : memref<256x1xf32, #tpu.memory_space<vmem>>, vector<256x1xf32>
    %add3A = arith.addf %concatenate3A, %concatenate3A_19 : vector<256x128xf32>
    %mul3A = vector.broadcast %get3A_22 : vector<256x1xf32> to vector<256x128xf32>
    %mul3A_23 = arith.mulf %mul3A, %add3A : vector<256x128xf32>
    %get3A_24 = arith.constant 0 : index
    %get3A_25 = arith.constant 0 : index
    %get3A_26 = vector.load %arg6[%get3A_24, %get3A_25] : memref<1x128xf32, #tpu.memory_space<vmem>>, vector<1x128xf32>
    %add3A_27 = vector.broadcast %get3A_26 : vector<1x128xf32> to vector<256x128xf32>
    %add3A_28 = arith.addf %mul3A_23, %add3A_27 : vector<256x128xf32>
    %max3A = arith.constant 0.000000e+00 : f32
    %max3A_29 = vector.broadcast %max3A : f32 to vector<256x128xf32>
    %max3A_30 = arith.maximumf %add3A_28, %max3A_29 : vector<256x128xf32>
    %get3A_31 = arith.constant 0 : index
    %get3A_32 = arith.constant 0 : index
    %get3A_33 = vector.load %arg5[%get3A_31, %get3A_32] : memref<1x256xf32, #tpu.memory_space<vmem>>, vector<1x256xf32>
    %get3A_34 = arith.constant 0 : index
    %get3A_35 = arith.constant 0 : index
    %get3A_36 = vector.load %arg4[%get3A_34, %get3A_35] : memref<32x256xf32, #tpu.memory_space<vmem>>, vector<32x256xf32>
    %reduce_sum3A = arith.constant dense<0.000000e+00> : vector<256xf32>
    %reduce_sum3A_37 = vector.multi_reduction <add>, %get3A_36, %reduce_sum3A [0] : vector<32x256xf32> to vector<256xf32>
    %broadcast_in_dim3A = vector.shape_cast %reduce_sum3A_37 : vector<256xf32> to vector<1x256xf32>
    %mul3A_38 = arith.constant 5.000000e-01 : f32
    %mul3A_39 = vector.broadcast %mul3A_38 : f32 to vector<1x256xf32>
    %mul3A_40 = arith.mulf %mul3A_39, %broadcast_in_dim3A : vector<1x256xf32>
    %add3A_41 = arith.addf %mul3A_40, %get3A_33 : vector<1x256xf32>
    %mul3A_42 = arith.mulf %get3A_33, %add3A_41 : vector<1x256xf32>
    %dot_general3A = arith.constant dense<0.000000e+00> : vector<1x128xf32>
    %dot_general3A_43 = tpu.matmul %mul3A_42, %max3A_30, %dot_general3A {dimension_numbers = #tpu.dot_dimension_numbers<[1], [0], [0], [1], [0, 0, 1, 1], [], []>, transpose_lhs_hint = false} : vector<1x256xf32>, vector<256x128xf32>, vector<1x128xf32> -> vector<1x128xf32>
    %eq3A = arith.constant 0 : i32
    %eq3A_44 = arith.cmpi eq, %arg0, %eq3A : i32
    %convert_element_type3A = arith.extui %eq3A_44 : i1 to i32
    %cond3A = arith.constant 0 : i32
    %cond3A_45 = arith.cmpi ne, %convert_element_type3A, %cond3A : i32
    scf.if %cond3A_45 {
      %broadcast_in_dim3A_70 = arith.constant 0.000000e+00 : f32
      %broadcast_in_dim3A_71 = vector.broadcast %broadcast_in_dim3A_70 : f32 to vector<1x128xf32>
      %swap3A_72 = arith.constant 0 : index
      %swap3A_73 = arith.constant 0 : index
      %swap3A_74 = vector.load %arg10[%swap3A_72, %swap3A_73] : memref<1x128xf32, #tpu.memory_space<vmem>>, vector<1x128xf32>
      tpu.vector_store %arg10[%swap3A_72, %swap3A_73], %broadcast_in_dim3A_71 {strides = array<i32>} : memref<1x128xf32, #tpu.memory_space<vmem>>, vector<1x128xf32>,
    } else {
    }
    %get3A_46 = arith.constant 0 : index
    %get3A_47 = arith.constant 0 : index
    %get3A_48 = vector.load %arg10[%get3A_46, %get3A_47] : memref<1x128xf32, #tpu.memory_space<vmem>>, vector<1x128xf32>
    %add3A_49 = arith.addf %get3A_48, %dot_general3A_43 : vector<1x128xf32>
    %swap3A = arith.constant 0 : index
    %swap3A_50 = arith.constant 0 : index
    %swap3A_51 = vector.load %arg10[%swap3A, %swap3A_50] : memref<1x128xf32, #tpu.memory_space<vmem>>, vector<1x128xf32>
    tpu.vector_store %arg10[%swap3A, %swap3A_50], %add3A_49 {strides = array<i32>} : memref<1x128xf32, #tpu.memory_space<vmem>>, vector<1x128xf32>,
    %get3A_52 = arith.constant 0 : index
    %get3A_53 = arith.constant 0 : index
    %get3A_54 = vector.load %arg10[%get3A_52, %get3A_53] : memref<1x128xf32, #tpu.memory_space<vmem>>, vector<1x128xf32>
    %get3A_55 = arith.constant 0 : index
    %get3A_56 = arith.constant 0 : index
    %get3A_57 = vector.load %arg7[%get3A_55, %get3A_56] : memref<128x16xf32, #tpu.memory_space<vmem>>, vector<128x16xf32>
    %dot_general3A_58 = arith.constant dense<0.000000e+00> : vector<1x16xf32>
    %dot_general3A_59 = tpu.matmul %get3A_54, %get3A_57, %dot_general3A_58 {dimension_numbers = #tpu.dot_dimension_numbers<[1], [0], [0], [1], [0, 0, 1, 1], [], []>, transpose_lhs_hint = false} : vector<1x128xf32>, vector<128x16xf32>, vector<1x16xf32> -> vector<1x16xf32>
    %mul3A_60 = arith.constant 9.99999974E-5 : f32
    %mul3A_61 = vector.broadcast %mul3A_60 : f32 to vector<1x16xf32>
    %mul3A_62 = arith.mulf %dot_general3A_59, %mul3A_61 : vector<1x16xf32>
    %get3A_63 = arith.constant 0 : index
    %get3A_64 = arith.constant 0 : index
    %get3A_65 = vector.load %arg8[%get3A_63, %get3A_64] : memref<1x16xf32, #tpu.memory_space<vmem>>, vector<1x16xf32>
    %add3A_66 = arith.addf %mul3A_62, %get3A_65 : vector<1x16xf32>
    %swap3A_67 = arith.constant 0 : index
    %swap3A_68 = arith.constant 0 : index
    %swap3A_69 = vector.load %arg9[%swap3A_67, %swap3A_68] : memref<1x16xf32, #tpu.memory_space<vmem>>, vector<1x16xf32>
    tpu.vector_store %arg9[%swap3A_67, %swap3A_68], %add3A_66 {strides = array<i32>} : memref<1x16xf32, #tpu.memory_space<vmem>>, vector<1x16xf32>,
    return
  }
  func.func @transform_0(%arg0: i32) -> (i32, i32, i32) {
    %c0_i32 = arith.constant 0 : i32
    %c0_i32_0 = arith.constant 0 : i32
    %c0_i32_1 = arith.constant 0 : i32
    return %c0_i32, %arg0, %c0_i32_0 : i32, i32, i32
  }
  func.func @transform_1(%arg0: i32) -> (i32, i32, i32) {
    %c0_i32 = arith.constant 0 : i32
    %c0_i32_0 = arith.constant 0 : i32
    %c0_i32_1 = arith.constant 0 : i32
    return %c0_i32, %arg0, %c0_i32_0 : i32, i32, i32
  }
  func.func @transform_2(%arg0: i32) -> (i32, i32) {
    %c0_i32 = arith.constant 0 : i32
    %c0_i32_0 = arith.constant 0 : i32
    return %arg0, %c0_i32 : i32, i32
  }
  func.func @transform_3(%arg0: i32) -> (i32, i32) {
    %c0_i32 = arith.constant 0 : i32
    %c0_i32_0 = arith.constant 0 : i32
    return %c0_i32, %arg0 : i32, i32
  }
  func.func @transform_4(%arg0: i32) -> (i32, i32) {
    %c0_i32 = arith.constant 0 : i32
    %c0_i32_0 = arith.constant 0 : i32
    return %c0_i32, %arg0 : i32, i32
  }
  func.func @transform_5(%arg0: i32) -> (i32, i32) {
    %c0_i32 = arith.constant 0 : i32
    %c0_i32_0 = arith.constant 0 : i32
    %c0_i32_1 = arith.constant 0 : i32
    return %c0_i32, %c0_i32_0 : i32, i32
  }
  func.func @transform_6(%arg0: i32) -> (i32, i32) {
    %c0_i32 = arith.constant 0 : i32
    %c0_i32_0 = arith.constant 0 : i32
    %c0_i32_1 = arith.constant 0 : i32
    return %c0_i32, %c0_i32_0 : i32, i32
  }
  func.func @transform_7(%arg0: i32) -> (i32, i32) {
    %c0_i32 = arith.constant 0 : i32
    %c0_i32_0 = arith.constant 0 : i32
    %c0_i32_1 = arith.constant 0 : i32
    return %c0_i32, %c0_i32_0 : i32, i32
  }
  func.func @transform_8(%arg0: i32) -> (i32, i32) {
    %c0_i32 = arith.constant 0 : i32
    %c0_i32_0 = arith.constant 0 : i32
    %c0_i32_1 = arith.constant 0 : i32
    return %c0_i32, %c0_i32_0 : i32, i32
  }
}

</mosaic_0001>

<sc_bundles>
// kernel: kernel.6.cloned.1.call-start
scs
__scs_entry_jumppad:
0x0: {  	(pc) =	sbr.rel $0x88, $3  }
0x1: {  	(tag) =	ssettag $0x0;
	lr =	simm.s32 $0x1  }
0x2: {  	[smem:$0x3F9B] =	sst lr;
	_ =	strace $0xD0000000  }
0x3: {  	_ = 	snop  }
0x4: {  	_ = 	snop  }
0x5: {  	_ = 	snop  }
0x6: {  	_ = 	snop  }
0x7: {  	_ = 	snop  }
__scs_overlays_trampoline_lowered:
0x8: {  	[smem:$0x3FAA] =	sst s0  }
0x9: {  	[smem:$0x3FAB] =	sst s1  }
0xa: {  	[smem:$0x3FAC] =	sst s2  }
0xb: {  	[smem:$0x3FAD] =	sst s3  }
0xc: {  	[smem:$0x3FAE] =	sst s4  }
0xd: {  	[smem:$0x3FAF] =	sst s5  }
0xe: {  	[smem:$0x3FB0] =	sst s6  }
0xf: {  	[smem:$0x3FB1] =	sst s7  }
0x10: {  	[smem:$0x3FB2] =	sst s8  }
0x11: {  	[smem:$0x3FB3] =	sst s9;
	s0 =	simm.s32 @!p0 $0x0  }
0x12: {  	s1 =	sld [smem:$0x3F99];
	s0 =	simm.s32 @p0 $0x1  }
0x13: {  	[smem:$0x3FB4] =	sst s0;
	s0 =	simm.s32 @!p1 $0x0  }
0x14: {  	s2 =	sld [smem:$0x3F98];
	s0 =	simm.s32 @p1 $0x1  }
0x15: {  	[smem:$0x3FB5] =	sst s0;
	s0 =	simm.s32 @!p2 $0x0  }
0x16: {  	s3 =	sld [smem:$0x3FDB];
	s0 =	simm.s32 @p2 $0x1  }
0x17: {  	s4 =	simm.s32 $0x1BF5;
	[smem:$0x3FB7] =	sst s0  }
0x18: {  	s0 =	sld [smem:$0x3F9A];
	_ =	swait.ge [sflag:s4], $0x0  }
0x19: {  	s7 =	sld [smem:$0x3F9B]  }
0x1a: {  	s8 =	sadd.s32 $0xFFFFE003, lr  }
0x1b: {  	s9 =	sadd.s32 $0xFFFFFEF7, lr;
	s5 =	simm.s32 $0xFFFFFFFF;
	p2 =	slt.u32 s8, $0xFFFFF086  }
0x1c: {  	p1 =	slt.u32 s9, $0xF7A;
	s5 =	simm.s32 @!p2 $0x0  }
0x1d: {  	s5 =	simm.s32 @p1 $0x1;
	p0 =	seq.s32 s7, s2  }
0x1e: {  	s7 =	smul.u32 @!p0 $0xF7A, s2;
	p2 =	seq.s32 @!p0 s5, $0x0  }
0x1f: {  	s9 =	smul.u32 $0xF7A, s1;
	s8 =	simm.s32 @!p0 $0x1BF5;
	p2 =	por !p2, p0  }
0x20: {  	[sflag:s8] =	ssyncset.s32 @!p0 $0xFFFFF086;
	s6 =	sadd.s32 @!p0 s3, s7;
	s7 =	simm.s32 @!p0 $0x108  }
0x21: {  	s3 =	sadd.s32 s3, s9;
	s6 =	sadd.s32 @!p0 $0x88, s6;
	s7 =	simm.s32 @p2 $0x1082  }
0x22: {  	[simem:s7], [sflag:s8] =	dma.local @!p0 [hbm:s6], $0xF7A  }
0x23: {  	s9 =	sor.u32 $0xD0000000, s2;
	s6 =	simm.s32 $0x108;
	_ =	swait.ge @!p0 [sflag:s8], $0x0  }
0x24: {  	s3 =	sadd.s32 $0x88, s3;
	s6 =	simm.s32 @!p1 $0x1082;
	[sflag:s4] =	ssyncset.s32 $0xFFFFF086  }
0x25: {  	[simem:s6], [sflag:s4] =	dma.local [hbm:s3], $0xF7A  }
0x26: {  	[smem:$0x3F9B] =	sst s1;
	(tag) =	ssettag s2;
	_ =	strace s9  }
0x27: {  	s1 =	sld [smem:$0x3FAB]  }
0x28: {  	s2 =	sld [smem:$0x3FAC]  }
0x29: {  	s4 =	sld [smem:$0x3FAE]  }
0x2a: {  	p0 =	seq.s32 s5, $0x0;
	s5 =	sld [smem:$0x3FAF]  }
0x2b: {  	s6 =	sld [smem:$0x3FB0]  }
0x2c: {  	s7 =	sld [smem:$0x3FB1]  }
0x2d: {  	s3 =	simm.s32 $0x108;
	s8 =	sld [smem:$0x3FB2]  }
0x2e: {  	s3 =	simm.s32 @!p0 $0x1082;
	s9 =	sld [smem:$0x3FB3]  }
0x2f: {  	lr =	sadd.s32 s0, s3;
	s0 =	sld [smem:$0x3FAA]  }
0x30: {  	s3 =	sld [smem:$0x3FAD]  }
0x31: {  	[smem:$0x3FB6] =	sst s10  }
0x32: {  	s10 =	sld [smem:$0x3FB4];
	_ =	sdelay $0x3  }
0x33: {  	p0 =	seq.s32 s10, $0x1;
	s10 =	sld [smem:$0x3FB6];
	_ =	sdelay $0x3  }
0x34: {  	[smem:$0x3FB6] =	sst s10  }
0x35: {  	s10 =	sld [smem:$0x3FB5];
	_ =	sdelay $0x3  }
0x36: {  	p1 =	seq.s32 s10, $0x1;
	s10 =	sld [smem:$0x3FB6];
	_ =	sdelay $0x3  }
0x37: {  	[smem:$0x3FB6] =	sst s10  }
0x38: {  	s10 =	sld [smem:$0x3FB7]  }
0x39: {  	_ = 	snop;
	(pc) =	sbr.ind lr, $3  }
0x3a: {  	_ = 	snop  }
0x3b: {  	_ = 	snop  }
0x3c: {  	p2 =	seq.s32 s10, $0x1;
	s10 =	sld [smem:$0x3FB6]  }
0x3d: {  	_ =	shalt  }
0x3e: {  	_ =	shalt  }
0x3f: {  	_ =	shalt  }
0x40: {  	_ =	shalt  }
0x41: {  	_ =	shalt  }
0x42: {  	_ =	shalt  }
0x43: {  	_ =	shalt  }
0x44: {  	_ =	shalt  }
0x45: {  	_ =	shalt  }
0x46: {  	_ =	shalt  }
0x47: {  	_ =	shalt  }
0x48: {  	_ =	shalt  }
0x49: {  	_ =	shalt  }
0x4a: {  	_ =	shalt  }
0x4b: {  	_ =	shalt  }
0x4c: {  	_ =	shalt  }
0x4d: {  	_ =	shalt  }
0x4e: {  	_ =	shalt  }
0x4f: {  	_ =	shalt  }
0x50: {  	_ =	shalt  }
0x51: {  	_ =	shalt  }
0x52: {  	_ =	shalt  }
0x53: {  	_ =	shalt  }
0x54: {  	_ =	shalt  }
0x55: {  	_ =	shalt  }
0x56: {  	_ =	shalt  }
0x57: {  	_ =	shalt  }
0x58: {  	_ =	shalt  }
0x59: {  	_ =	shalt  }
0x5a: {  	_ =	shalt  }
0x5b: {  	_ =	shalt  }
0x5c: {  	_ =	shalt  }
0x5d: {  	_ =	shalt  }
0x5e: {  	_ =	shalt  }
0x5f: {  	_ =	shalt  }
0x60: {  	_ =	shalt  }
0x61: {  	_ =	shalt  }
0x62: {  	_ =	shalt  }
0x63: {  	_ =	shalt  }
0x64: {  	_ =	shalt  }
0x65: {  	_ =	shalt  }
0x66: {  	_ =	shalt  }
0x67: {  	_ =	shalt  }
0x68: {  	_ =	shalt  }
0x69: {  	_ =	shalt  }
0x6a: {  	_ =	shalt  }
0x6b: {  	_ =	shalt  }
0x6c: {  	_ =	shalt  }
0x6d: {  	_ =	shalt  }
0x6e: {  	_ =	shalt  }
0x6f: {  	_ =	shalt  }
0x70: {  	_ =	shalt  }
0x71: {  	_ =	shalt  }
0x72: {  	_ =	shalt  }
0x73: {  	_ =	shalt  }
0x74: {  	_ =	shalt  }
0x75: {  	_ =	shalt  }
0x76: {  	_ =	shalt  }
0x77: {  	_ =	shalt  }
0x78: {  	_ =	shalt  }
0x79: {  	_ =	shalt  }
0x7a: {  	_ =	shalt  }
0x7b: {  	_ =	shalt  }
0x7c: {  	_ =	shalt  }
0x7d: {  	_ =	shalt  }
0x7e: {  	_ =	shalt  }
0x7f: {  	_ =	shalt  }
0x80: {  	_ =	shalt  }
0x81: {  	_ =	shalt  }
0x82: {  	_ =	shalt  }
0x83: {  	_ =	shalt  }
0x84: {  	_ =	shalt  }
0x85: {  	_ =	shalt  }
0x86: {  	_ =	shalt  }
0x87: {  	_ =	shalt  }
.Lfunc_end0:
.L_simem_size_0:
called_computation_lowered:
.L_overlay_start_0:
0x88: {  	s2 =	sld [smem:$0x3FD9]  }
0x89: {  	s3 =	sld [smem:$0x3FFE];
	_ =	sdelay $0x1  }
0x8a: {  	s1 =	srdreg.scid  }
0x8b: {  	s0 =	sand.u32 $0x1, s1  }
0x8c: {  	s17 =	sshll.u32 s0, $0xA;
	s2 =	sadd.s32 s3, s2  }
0x8d: {  	s2 =	sadd.s32 s2, s17  }
0x8e: {  	[smem:$0x3FC2] =	sst s2  }
0x8f: {  	_ = 	snop  }
0x90: {  	s2 =	sld [smem:$0x3FD0];
	(tm) =	ssettm $0x1  }
0x91: {  	s18 =	sld [smem:$0x3FFB];
	_ =	sdelay $0x3  }
0x92: {  	_ =	strace s18  }
0x93: {  	s3 =	sld [smem:$0x3FFC];
	_ =	sdelay $0x3  }
0x94: {  	_ =	strace s3  }
0x95: {  	s3 =	sld [smem:$0x3FFD];
	_ =	sdelay $0x3  }
0x96: {  	_ =	strace s3  }
0x97: {  	_ =	strace $0x8FFFFFFF  }
0x98: {  	s19 =	sld [smem:$0x3FDB];
	_ =	sdelay $0x1  }
0x99: {  	s4 =	simm.s32 $_scs_section_size  }
0x9a: {  	s5 =	simm.s32 $_size__tile_overlayer_lowered;
	s6 =	simm.s32 $_tile_overlayer_lowered  }
0x9b: {  	s22 =	simm.s32 $0x1BFF;
	s21 =	sshll.u32 s6, $0x1;
	s3 =	sadd.s32 s4, s19  }
0x9c: {  	s7 =	simm.s32 $0x0;
	s20 =	sshll.u32 s5, $0x1;
	s5 =	sadd.s32 s21, s3  }
0x9d: {  	[timem:s7], [sflag:s22] =	dma.local [hbm:s5], s20  }
0x9e: {  	_ =	swait.ge [sflag:s22], s20  }
0x9f: {  	s4 =	ssub.s32 $0x0, s20;
	[sflag:s22] =	ssyncset.done $0x0  }
0xa0: {  	[sflag:s22] =	ssyncadd.s32 s4;
	_ =	sdelay $0x1  }
0xa1: {  	s23 =	simm.s32 $0x1B8B  }
0xa2: {  	_ =	swait.ge [sflag:s23], $0x1  }
0xa3: {  	[sflag:s23] =	ssyncset.done $0x0  }
0xa4: {  	s25 =	simm.s32 $0x1B8E;
	s24 =	sld [smem:$0x3FFE];
	[sflag:s23] =	ssyncadd.s32 $0xFFFFFFFF  }
0xa5: {  	s26 =	simm.s32 $execute0_lowered;
	[smem:$0x3FD2] =	sst s25  }
0xa6: {  	s5 =	sshll.u32 s26, $0x1;
	_ =	strace $0x80000046;
	[dreg:$0x1] =	wrdreg $0xFFFFFFFF  }
0xa7: {  	s28 =	simm.s32 $_size_execute0_lowered;
	s3 =	sadd.s32 s3, s5;
	[dreg:$0x0] =	wrdreg $0x0  }
0xa8: {  	s5 =	sshll.u32 s28, $0x1;
	[dreg:$0x2] =	wrdreg s3  }
0xa9: {  	[dreg:$0x3] =	wrdreg s5  }
0xaa: {  	[dreg:$0x4] =	wrdreg $0xC0  }
0xab: {  	_ =	task [dreg:s7], $0x5FFFF  }
0xac: {  	[dreg:$0x1] =	wrdreg $0xFFFFFFFF  }
0xad: {  	[dreg:$0x0] =	wrdreg $0x60  }
0xae: {  	[dreg:$0x2] =	wrdreg s24  }
0xaf: {  	[dreg:$0x3] =	wrdreg s2  }
0xb0: {  	[dreg:$0x4] =	wrdreg $0x43000  }
0xb1: {  	[dreg:$0x5] =	wrdreg $0x9  }
0xb2: {  	_ =	task.clear_ibuf [dreg:s7], $0x6FFFF;
	_ =	strace $0x90000046  }
0xb3: {  	s29 =	simm.s32 $0x9;
	_ =	strace $0x80000048  }
0xb4: {  	_ =	swait.ge [sflag:s29], $0x1  }
0xb5: {  	[sflag:s29] =	ssyncadd.s32 $0xFFFFFFFF  }
0xb6: {  	_ =	strace $0x90000048  }
0xb7: {  	_ =	sfence  }
0xb8: {  	s30 =	sld [smem:$0x0];
	_ =	sdelay $0x2  }
0xb9: {  	s31 =	sshll.u32 s1, $0xD;
	s1 =	sshrl.u32 s1, $0x2  }
0xba: {  	s3 =	sand.u32 $0x4000, s31;
	s1 =	sadd.s32 s1, s30  }
0xbb: {  	s0 =	sor.u32 s3, s0;
	s1 =	sshll.u32 s1, $0x11  }
0xbc: {  	s0 =	sor.u32 s1, s0  }
0xbd: {  	s0 =	sadd.s32 $0x8F2B, s0  }
0xbe: {  	[sflag:s0] =	ssyncadd.remote.s32 $0x1  }
0xbf: {  	_ =	sfence.sel $0xFFFF  }
0xc0: {  	[dreg:$0x0] =	wrdreg $0xFFFFFFFF;
	(pc) =	sbr.abs _section_cstart, $3  }
0xc1: {  	[dreg:$0x1] =	wrdreg $0xFFFFFFFF  }
0xc2: {  	_ =	task.clear_ibuf [dreg:s7], $0x2FFFF;
	_ =	strace $0x9FFFFFFF  }
0xc3: {  	(tm) =	ssettm $0x7FFFFFFF  }
tec
execute0_lowered:
.L_overlay_start_1:
0x0: {  	(tag) =	ssettag $0x1  }
0x1: {  	s6 =	rddreg [dreg:$0x0]  }
0x2: {  	s2 =	rddreg [dreg:$0x1]  }
0x3: {  	s3 =	rddreg [dreg:$0x2]  }
0x4: {  	s0 =	rddreg [dreg:$0x3]  }
0x5: {  	s4 =	simm.s32 $0x0;
	s1 =	stileid.u32;
	s5 =	srdreg.scid  }
0x6: {  	s12 =	simm.s32 $0x4000;
	s13 =	simm.s32 $0x50;
	s14 =	simm.s32 $0x1  }
0x7: {  	s15 =	simm.s32 $0x80;
	s16 =	simm.s32 $0x100;
	s17 =	simm.s32 $0x0  }
0x8: {  	[smem:$0x7FF] =	sst s4;
	s7 =	sand.u32 $0x1, s5;
	s8 =	smul.u32 $0x500, s1  }
0x9: {  	s26 =	sshll.u32 s1, $0xB;
	s5 =	sadd.s32 $0x1B600, s6;
	s11 =	smul.u32 $0xA00, s1  }
0xa: {  	_ =	strace $0x80000047;
	s9 =	sshll.u32 s7, $0x7;
	s10 =	sadd.s32 s26, s6  }
0xb: {  	s28 =	ssub.s32 $0x2, s7;
	s7 =	sshll.u32 s7, $0xF;
	s8 =	sor.u32 s9, s8  }
0xc: {  	s29 =	sshrl.u32 s28, $0x1;
	s30 =	sadd.s32 s7, s10;
	s31 =	sshrl.u32 s11, $0x2  }
0xd: {  	s10 =	simm.s32 $0x4080;
	s11 =	simm.s32 $0x2;
	s8 =	sshrl.u32 s8, $0x3  }
0xe: {  	s9 =	ssub.s32 s28, s29;
	s7 =	sadd.s32 s31, s3;
	s8 =	sadd.s32 s8, s6  }
0xf: {  	s6 =	sadd.s32 $0xB600, s30;
	s9 =	smax.u32 s9, $0x1;
	s8 =	sadd.s32 $0x1B800, s8  }
.LBB2_1:
0x10: {  	[tilespmem:s10], [sflag:$0x2] =	stream.linear.gather [hbm4b:s5+s4], $0x280, $0x38;
	[tilespmem:$0x4580] =	vst v63  }
0x11: {  	_ =	swait.ge [sflag:s11], $0x280  }
0x12: {  	[sflag:s11] =	ssyncset.done $0x0  }
0x13: {  	[sflag:s11] =	ssyncadd.s32 $0xFFFFFD80  }
0x14: {  	[tilespmem:s12], [sflag:$0x2] =	stream.linear.gather [hbm4b:s2+s4], $0x80, $0x38;
	[tilespmem:$0x4580] =	vst v63  }
0x15: {  	_ =	swait.ge [sflag:s11], $0x80  }
0x16: {  	[sflag:s11] =	ssyncset.done $0x0  }
0x17: {  	[sflag:s11] =	ssyncadd.s32 $0xFFFFFF80  }
0x18: {  	[tilespmem:s4], [sflag:$0x2] =	stream.linear.gather [hbm4b:s6+s4], $0x3F00, $0x38;
	[tilespmem:$0x4580] =	vst v63  }
0x19: {  	_ =	swait.ge [sflag:s11], $0x3F00  }
0x1a: {  	[sflag:s11] =	ssyncset.done $0x0  }
0x1b: {  	[sflag:s11] =	ssyncadd.s32 $0xFFFFC100  }
0x1c: {  	[spmem:s7] =	stream.linear.scatter [tilespmem:s10], [sflag:$0x2], $0x280, $0x38;
	[tilespmem:$0x4580] =	vst v63  }
0x1d: {  	_ =	swait.ge [sflag:s11], $0x280  }
0x1e: {  	[sflag:s11] =	ssyncset.done $0x0  }
0x1f: {  	[sflag:s11] =	ssyncadd.s32 $0xFFFFFD80  }
0x20: {  	s18 =	simm.s32 $0x0;
	[bflag:$0x0] =	sbarrier.arrive $0xFFFF  }
0x21: {  	[spmem:s3] =	stream.indirect.scatter.add.f32 [tilespmem:s12], [sflag:$0x1], $0x1, s18, s13, $0xb8;
	[tilespmem:$0x4580] =	vst v63  }
0x22: {  	s23 =	simm.s32 $0x80  }
0x23: {  	[spmem:s3] =	stream.indirect.scatter.add.f32 [tilespmem:s12], [sflag:$0x1], $0x1, s23, s13, $0xb8;
	[tilespmem:$0x4580] =	vst v63  }
0x24: {  	s24 =	simm.s32 $0x100  }
0x25: {  	[spmem:s3] =	stream.indirect.scatter.add.f32 [tilespmem:s12], [sflag:$0x1], $0x1, s24, s13, $0xb8;
	[tilespmem:$0x4580] =	vst v63  }
0x26: {  	s25 =	simm.s32 $0x180  }
0x27: {  	[spmem:s3] =	stream.indirect.scatter.add.f32 [tilespmem:s12], [sflag:$0x1], $0x1, s25, s13, $0xb8;
	[tilespmem:$0x4580] =	vst v63  }
0x28: {  	s26 =	simm.s32 $0x200  }
0x29: {  	[spmem:s3] =	stream.indirect.scatter.add.f32 [tilespmem:s12], [sflag:$0x1], $0x1, s26, s13, $0xb8;
	[tilespmem:$0x4580] =	vst v63  }
0x2a: {  	s28 =	simm.s32 $0x280  }
0x2b: {  	[spmem:s3] =	stream.indirect.scatter.add.f32 [tilespmem:s12], [sflag:$0x1], $0x1, s28, s13, $0xb8;
	[tilespmem:$0x4580] =	vst v63  }
0x2c: {  	s29 =	simm.s32 $0x300  }
0x2d: {  	[spmem:s3] =	stream.indirect.scatter.add.f32 [tilespmem:s12], [sflag:$0x1], $0x1, s29, s13, $0xb8;
	[tilespmem:$0x4580] =	vst v63  }
0x2e: {  	s30 =	simm.s32 $0x380  }
0x2f: {  	[spmem:s3] =	stream.indirect.scatter.add.f32 [tilespmem:s12], [sflag:$0x1], $0x1, s30, s13, $0xb8;
	[tilespmem:$0x4580] =	vst v63  }
0x30: {  	s31 =	simm.s32 $0x400  }
0x31: {  	[spmem:s3] =	stream.indirect.scatter.add.f32 [tilespmem:s12], [sflag:$0x1], $0x1, s31, s13, $0xb8;
	[tilespmem:$0x4580] =	vst v63  }
0x32: {  	s19 =	simm.s32 $0x480  }
0x33: {  	[spmem:s3] =	stream.indirect.scatter.add.f32 [tilespmem:s12], [sflag:$0x1], $0x1, s19, s13, $0xb8;
	[tilespmem:$0x4580] =	vst v63  }
0x34: {  	s20 =	simm.s32 $0x500  }
0x35: {  	[spmem:s3] =	stream.indirect.scatter.add.f32 [tilespmem:s12], [sflag:$0x1], $0x1, s20, s13, $0xb8;
	[tilespmem:$0x4580] =	vst v63  }
0x36: {  	s21 =	simm.s32 $0x580  }
0x37: {  	[spmem:s3] =	stream.indirect.scatter.add.f32 [tilespmem:s12], [sflag:$0x1], $0x1, s21, s13, $0xb8;
	[tilespmem:$0x4580] =	vst v63  }
0x38: {  	s22 =	simm.s32 $0x600  }
0x39: {  	[spmem:s3] =	stream.indirect.scatter.add.f32 [tilespmem:s12], [sflag:$0x1], $0x1, s22, s13, $0xb8;
	[tilespmem:$0x4580] =	vst v63  }
0x3a: {  	s23 =	simm.s32 $0x680  }
0x3b: {  	[spmem:s3] =	stream.indirect.scatter.add.f32 [tilespmem:s12], [sflag:$0x1], $0x1, s23, s13, $0xb8;
	[tilespmem:$0x4580] =	vst v63  }
0x3c: {  	s24 =	simm.s32 $0x700  }
0x3d: {  	[spmem:s3] =	stream.indirect.scatter.add.f32 [tilespmem:s12], [sflag:$0x1], $0x1, s24, s13, $0xb8;
	[tilespmem:$0x4580] =	vst v63  }
0x3e: {  	s25 =	simm.s32 $0x780  }
0x3f: {  	[spmem:s3] =	stream.indirect.scatter.add.f32 [tilespmem:s12], [sflag:$0x1], $0x1, s25, s13, $0xb8;
	[tilespmem:$0x4580] =	vst v63  }
0x40: {  	s26 =	simm.s32 $0x800  }
0x41: {  	[spmem:s3] =	stream.indirect.scatter.add.f32 [tilespmem:s12], [sflag:$0x1], $0x1, s26, s13, $0xb8;
	[tilespmem:$0x4580] =	vst v63  }
0x42: {  	s28 =	simm.s32 $0x880  }
0x43: {  	[spmem:s3] =	stream.indirect.scatter.add.f32 [tilespmem:s12], [sflag:$0x1], $0x1, s28, s13, $0xb8;
	[tilespmem:$0x4580] =	vst v63  }
0x44: {  	s29 =	simm.s32 $0x900  }
0x45: {  	[spmem:s3] =	stream.indirect.scatter.add.f32 [tilespmem:s12], [sflag:$0x1], $0x1, s29, s13, $0xb8;
	[tilespmem:$0x4580] =	vst v63  }
0x46: {  	s30 =	simm.s32 $0x980  }
0x47: {  	[spmem:s3] =	stream.indirect.scatter.add.f32 [tilespmem:s12], [sflag:$0x1], $0x1, s30, s13, $0xb8;
	[tilespmem:$0x4580] =	vst v63  }
0x48: {  	s31 =	simm.s32 $0xA00  }
0x49: {  	[spmem:s3] =	stream.indirect.scatter.add.f32 [tilespmem:s12], [sflag:$0x1], $0x1, s31, s13, $0xb8;
	[tilespmem:$0x4580] =	vst v63  }
0x4a: {  	_ =	swait.ge [sflag:s14], $0x50  }
0x4b: {  	[sflag:s14] =	ssyncset.done $0x0  }
0x4c: {  	[sflag:s14] =	ssyncadd.s32 $0xFFFFFFB0  }
0x4d: {  	_ =	swait.ge [sflag:s14], $0x50  }
0x4e: {  	[sflag:s14] =	ssyncset.done $0x0  }
0x4f: {  	[sflag:s14] =	ssyncadd.s32 $0xFFFFFFB0  }
0x50: {  	_ =	swait.ge [sflag:s14], $0x50  }
0x51: {  	[sflag:s14] =	ssyncset.done $0x0  }
0x52: {  	[sflag:s14] =	ssyncadd.s32 $0xFFFFFFB0  }
0x53: {  	_ =	swait.ge [sflag:s14], $0x50  }
0x54: {  	[sflag:s14] =	ssyncset.done $0x0  }
0x55: {  	[sflag:s14] =	ssyncadd.s32 $0xFFFFFFB0  }
0x56: {  	_ =	swait.ge [sflag:s14], $0x50  }
0x57: {  	[sflag:s14] =	ssyncset.done $0x0  }
0x58: {  	[sflag:s14] =	ssyncadd.s32 $0xFFFFFFB0  }
0x59: {  	_ =	swait.ge [sflag:s14], $0x50  }
0x5a: {  	[sflag:s14] =	ssyncset.done $0x0  }
0x5b: {  	[sflag:s14] =	ssyncadd.s32 $0xFFFFFFB0  }
0x5c: {  	_ =	swait.ge [sflag:s14], $0x50  }
0x5d: {  	[sflag:s14] =	ssyncset.done $0x0  }
0x5e: {  	[sflag:s14] =	ssyncadd.s32 $0xFFFFFFB0  }
0x5f: {  	_ =	swait.ge [sflag:s14], $0x50  }
0x60: {  	[sflag:s14] =	ssyncset.done $0x0  }
0x61: {  	[sflag:s14] =	ssyncadd.s32 $0xFFFFFFB0  }
0x62: {  	_ =	swait.ge [sflag:s14], $0x50  }
0x63: {  	[sflag:s14] =	ssyncset.done $0x0  }
0x64: {  	[sflag:s14] =	ssyncadd.s32 $0xFFFFFFB0  }
0x65: {  	_ =	swait.ge [sflag:s14], $0x50  }
0x66: {  	[sflag:s14] =	ssyncset.done $0x0  }
0x67: {  	[sflag:s14] =	ssyncadd.s32 $0xFFFFFFB0  }
0x68: {  	_ =	swait.ge [sflag:s14], $0x50  }
0x69: {  	[sflag:s14] =	ssyncset.done $0x0  }
0x6a: {  	[sflag:s14] =	ssyncadd.s32 $0xFFFFFFB0  }
0x6b: {  	_ =	swait.ge [sflag:s14], $0x50  }
0x6c: {  	[sflag:s14] =	ssyncset.done $0x0  }
0x6d: {  	[sflag:s14] =	ssyncadd.s32 $0xFFFFFFB0  }
0x6e: {  	_ =	swait.ge [sflag:s14], $0x50  }
0x6f: {  	[sflag:s14] =	ssyncset.done $0x0  }
0x70: {  	[sflag:s14] =	ssyncadd.s32 $0xFFFFFFB0  }
0x71: {  	_ =	swait.ge [sflag:s14], $0x50  }
0x72: {  	[sflag:s14] =	ssyncset.done $0x0  }
0x73: {  	[sflag:s14] =	ssyncadd.s32 $0xFFFFFFB0  }
0x74: {  	_ =	swait.ge [sflag:s14], $0x50  }
0x75: {  	[sflag:s14] =	ssyncset.done $0x0  }
0x76: {  	[sflag:s14] =	ssyncadd.s32 $0xFFFFFFB0  }
0x77: {  	_ =	swait.ge [sflag:s14], $0x50  }
0x78: {  	[sflag:s14] =	ssyncset.done $0x0  }
0x79: {  	[sflag:s14] =	ssyncadd.s32 $0xFFFFFFB0  }
0x7a: {  	_ =	swait.ge [sflag:s14], $0x50  }
0x7b: {  	[sflag:s14] =	ssyncset.done $0x0  }
0x7c: {  	[sflag:s14] =	ssyncadd.s32 $0xFFFFFFB0  }
0x7d: {  	_ =	swait.ge [sflag:s14], $0x50  }
0x7e: {  	[sflag:s14] =	ssyncset.done $0x0  }
0x7f: {  	[sflag:s14] =	ssyncadd.s32 $0xFFFFFFB0  }
0x80: {  	_ =	swait.ge [sflag:s14], $0x50  }
0x81: {  	[sflag:s14] =	ssyncset.done $0x0  }
0x82: {  	[sflag:s14] =	ssyncadd.s32 $0xFFFFFFB0  }
0x83: {  	_ =	swait.ge [sflag:s14], $0x50  }
0x84: {  	[sflag:s14] =	ssyncset.done $0x0  }
0x85: {  	[sflag:s14] =	ssyncadd.s32 $0xFFFFFFB0  }
0x86: {  	_ =	swait.ge [sflag:s14], $0x50  }
0x87: {  	s18 =	simm.s32 $0x2A00;
	s21 =	simm.s32 $0x5400;
	[sflag:s14] =	ssyncset.done $0x0  }
.LBB2_2:
0x88: {  	s20 =	sshra.s32 s18, $0x2  }
0x89: {  	[sflag:s14] =	ssyncadd.s32 $0xFFFFFFB0;
	s18 =	smov.u32 s21;
	s19 =	sadd.s32 $0x2A00, s21  }
0x8a: {  	[spmem:s3] =	stream.indirect.scatter.add.f32 [tilespmem:s12], [sflag:$0x1], $0x1, s20, s13, $0xb8;
	[tilespmem:$0x4580] =	vst v63  }
0x8b: {  	p0 =	sne.s32 s21, $0xD200;
	s21 =	sadd.s32 $0x80, s20  }
0x8c: {  	[spmem:s3] =	stream.indirect.scatter.add.f32 [tilespmem:s12], [sflag:$0x1], $0x1, s21, s13, $0xb8;
	[tilespmem:$0x4580] =	vst v63  }
0x8d: {  	s21 =	sadd.s32 $0x100, s20  }
0x8e: {  	[spmem:s3] =	stream.indirect.scatter.add.f32 [tilespmem:s12], [sflag:$0x1], $0x1, s21, s13, $0xb8;
	[tilespmem:$0x4580] =	vst v63  }
0x8f: {  	s21 =	sadd.s32 $0x180, s20  }
0x90: {  	[spmem:s3] =	stream.indirect.scatter.add.f32 [tilespmem:s12], [sflag:$0x1], $0x1, s21, s13, $0xb8;
	[tilespmem:$0x4580] =	vst v63  }
0x91: {  	s21 =	sadd.s32 $0x200, s20  }
0x92: {  	[spmem:s3] =	stream.indirect.scatter.add.f32 [tilespmem:s12], [sflag:$0x1], $0x1, s21, s13, $0xb8;
	[tilespmem:$0x4580] =	vst v63  }
0x93: {  	s21 =	sadd.s32 $0x280, s20  }
0x94: {  	[spmem:s3] =	stream.indirect.scatter.add.f32 [tilespmem:s12], [sflag:$0x1], $0x1, s21, s13, $0xb8;
	[tilespmem:$0x4580] =	vst v63  }
0x95: {  	s21 =	sadd.s32 $0x300, s20  }
0x96: {  	[spmem:s3] =	stream.indirect.scatter.add.f32 [tilespmem:s12], [sflag:$0x1], $0x1, s21, s13, $0xb8;
	[tilespmem:$0x4580] =	vst v63  }
0x97: {  	s21 =	sadd.s32 $0x380, s20  }
0x98: {  	[spmem:s3] =	stream.indirect.scatter.add.f32 [tilespmem:s12], [sflag:$0x1], $0x1, s21, s13, $0xb8;
	[tilespmem:$0x4580] =	vst v63  }
0x99: {  	s21 =	sadd.s32 $0x400, s20  }
0x9a: {  	[spmem:s3] =	stream.indirect.scatter.add.f32 [tilespmem:s12], [sflag:$0x1], $0x1, s21, s13, $0xb8;
	[tilespmem:$0x4580] =	vst v63  }
0x9b: {  	s21 =	sadd.s32 $0x480, s20  }
0x9c: {  	[spmem:s3] =	stream.indirect.scatter.add.f32 [tilespmem:s12], [sflag:$0x1], $0x1, s21, s13, $0xb8;
	[tilespmem:$0x4580] =	vst v63  }
0x9d: {  	s21 =	sadd.s32 $0x500, s20  }
0x9e: {  	[spmem:s3] =	stream.indirect.scatter.add.f32 [tilespmem:s12], [sflag:$0x1], $0x1, s21, s13, $0xb8;
	[tilespmem:$0x4580] =	vst v63  }
0x9f: {  	s21 =	sadd.s32 $0x580, s20  }
0xa0: {  	[spmem:s3] =	stream.indirect.scatter.add.f32 [tilespmem:s12], [sflag:$0x1], $0x1, s21, s13, $0xb8;
	[tilespmem:$0x4580] =	vst v63  }
0xa1: {  	s21 =	sadd.s32 $0x600, s20  }
0xa2: {  	[spmem:s3] =	stream.indirect.scatter.add.f32 [tilespmem:s12], [sflag:$0x1], $0x1, s21, s13, $0xb8;
	[tilespmem:$0x4580] =	vst v63  }
0xa3: {  	s21 =	sadd.s32 $0x680, s20  }
0xa4: {  	[spmem:s3] =	stream.indirect.scatter.add.f32 [tilespmem:s12], [sflag:$0x1], $0x1, s21, s13, $0xb8;
	[tilespmem:$0x4580] =	vst v63  }
0xa5: {  	s21 =	sadd.s32 $0x700, s20  }
0xa6: {  	[spmem:s3] =	stream.indirect.scatter.add.f32 [tilespmem:s12], [sflag:$0x1], $0x1, s21, s13, $0xb8;
	[tilespmem:$0x4580] =	vst v63  }
0xa7: {  	s21 =	sadd.s32 $0x780, s20  }
0xa8: {  	[spmem:s3] =	stream.indirect.scatter.add.f32 [tilespmem:s12], [sflag:$0x1], $0x1, s21, s13, $0xb8;
	[tilespmem:$0x4580] =	vst v63  }
0xa9: {  	s21 =	sadd.s32 $0x800, s20  }
0xaa: {  	[spmem:s3] =	stream.indirect.scatter.add.f32 [tilespmem:s12], [sflag:$0x1], $0x1, s21, s13, $0xb8;
	[tilespmem:$0x4580] =	vst v63  }
0xab: {  	s21 =	sadd.s32 $0x880, s20  }
0xac: {  	[spmem:s3] =	stream.indirect.scatter.add.f32 [tilespmem:s12], [sflag:$0x1], $0x1, s21, s13, $0xb8;
	[tilespmem:$0x4580] =	vst v63  }
0xad: {  	s21 =	sadd.s32 $0x900, s20  }
0xae: {  	[spmem:s3] =	stream.indirect.scatter.add.f32 [tilespmem:s12], [sflag:$0x1], $0x1, s21, s13, $0xb8;
	[tilespmem:$0x4580] =	vst v63  }
0xaf: {  	s21 =	sadd.s32 $0x980, s20  }
0xb0: {  	[spmem:s3] =	stream.indirect.scatter.add.f32 [tilespmem:s12], [sflag:$0x1], $0x1, s21, s13, $0xb8;
	[tilespmem:$0x4580] =	vst v63  }
0xb1: {  	s20 =	sadd.s32 $0xA00, s20  }
0xb2: {  	[spmem:s3] =	stream.indirect.scatter.add.f32 [tilespmem:s12], [sflag:$0x1], $0x1, s20, s13, $0xb8;
	[tilespmem:$0x4580] =	vst v63  }
0xb3: {  	_ =	swait.ge [sflag:s14], $0x50  }
0xb4: {  	[sflag:s14] =	ssyncset.done $0x0  }
0xb5: {  	[sflag:s14] =	ssyncadd.s32 $0xFFFFFFB0  }
0xb6: {  	_ =	swait.ge [sflag:s14], $0x50  }
0xb7: {  	[sflag:s14] =	ssyncset.done $0x0  }
0xb8: {  	[sflag:s14] =	ssyncadd.s32 $0xFFFFFFB0  }
0xb9: {  	_ =	swait.ge [sflag:s14], $0x50  }
0xba: {  	[sflag:s14] =	ssyncset.done $0x0  }
0xbb: {  	[sflag:s14] =	ssyncadd.s32 $0xFFFFFFB0  }
0xbc: {  	_ =	swait.ge [sflag:s14], $0x50  }
0xbd: {  	[sflag:s14] =	ssyncset.done $0x0  }
0xbe: {  	[sflag:s14] =	ssyncadd.s32 $0xFFFFFFB0  }
0xbf: {  	_ =	swait.ge [sflag:s14], $0x50  }
0xc0: {  	[sflag:s14] =	ssyncset.done $0x0  }
0xc1: {  	[sflag:s14] =	ssyncadd.s32 $0xFFFFFFB0  }
0xc2: {  	_ =	swait.ge [sflag:s14], $0x50  }
0xc3: {  	[sflag:s14] =	ssyncset.done $0x0  }
0xc4: {  	[sflag:s14] =	ssyncadd.s32 $0xFFFFFFB0  }
0xc5: {  	_ =	swait.ge [sflag:s14], $0x50  }
0xc6: {  	[sflag:s14] =	ssyncset.done $0x0  }
0xc7: {  	[sflag:s14] =	ssyncadd.s32 $0xFFFFFFB0  }
0xc8: {  	_ =	swait.ge [sflag:s14], $0x50  }
0xc9: {  	[sflag:s14] =	ssyncset.done $0x0  }
0xca: {  	[sflag:s14] =	ssyncadd.s32 $0xFFFFFFB0  }
0xcb: {  	_ =	swait.ge [sflag:s14], $0x50  }
0xcc: {  	[sflag:s14] =	ssyncset.done $0x0  }
0xcd: {  	[sflag:s14] =	ssyncadd.s32 $0xFFFFFFB0  }
0xce: {  	_ =	swait.ge [sflag:s14], $0x50  }
0xcf: {  	[sflag:s14] =	ssyncset.done $0x0  }
0xd0: {  	[sflag:s14] =	ssyncadd.s32 $0xFFFFFFB0  }
0xd1: {  	_ =	swait.ge [sflag:s14], $0x50  }
0xd2: {  	[sflag:s14] =	ssyncset.done $0x0  }
0xd3: {  	[sflag:s14] =	ssyncadd.s32 $0xFFFFFFB0  }
0xd4: {  	_ =	swait.ge [sflag:s14], $0x50  }
0xd5: {  	[sflag:s14] =	ssyncset.done $0x0  }
0xd6: {  	[sflag:s14] =	ssyncadd.s32 $0xFFFFFFB0  }
0xd7: {  	_ =	swait.ge [sflag:s14], $0x50  }
0xd8: {  	[sflag:s14] =	ssyncset.done $0x0  }
0xd9: {  	[sflag:s14] =	ssyncadd.s32 $0xFFFFFFB0  }
0xda: {  	_ =	swait.ge [sflag:s14], $0x50  }
0xdb: {  	[sflag:s14] =	ssyncset.done $0x0  }
0xdc: {  	[sflag:s14] =	ssyncadd.s32 $0xFFFFFFB0  }
0xdd: {  	_ =	swait.ge [sflag:s14], $0x50  }
0xde: {  	[sflag:s14] =	ssyncset.done $0x0  }
0xdf: {  	[sflag:s14] =	ssyncadd.s32 $0xFFFFFFB0  }
0xe0: {  	_ =	swait.ge [sflag:s14], $0x50  }
0xe1: {  	[sflag:s14] =	ssyncset.done $0x0  }
0xe2: {  	[sflag:s14] =	ssyncadd.s32 $0xFFFFFFB0  }
0xe3: {  	_ =	swait.ge [sflag:s14], $0x50  }
0xe4: {  	[sflag:s14] =	ssyncset.done $0x0  }
0xe5: {  	[sflag:s14] =	ssyncadd.s32 $0xFFFFFFB0  }
0xe6: {  	_ =	swait.ge [sflag:s14], $0x50  }
0xe7: {  	[sflag:s14] =	ssyncset.done $0x0  }
0xe8: {  	[sflag:s14] =	ssyncadd.s32 $0xFFFFFFB0  }
0xe9: {  	_ =	swait.ge [sflag:s14], $0x50  }
0xea: {  	[sflag:s14] =	ssyncset.done $0x0  }
0xeb: {  	[sflag:s14] =	ssyncadd.s32 $0xFFFFFFB0  }
.Ltmp0:
0xec: {  	_ =	swait.ge [sflag:s14], $0x50;
	(pc) =	sbr.rel @p0 .LBB2_2-.Ltmp0, $4  }
0xed: {  	[sflag:s14] =	ssyncset.done $0x0  }
0xee: {  	[sflag:s14] =	ssyncadd.s32 $0xFFFFFFB0  }
0xef: {  	_ =	swait.ge [sflag:s14], $0x50  }
0xf0: {  	s21 =	smov.u32 s19;
	[sflag:s14] =	ssyncset.done $0x0  }
0xf1: {  	s18 =	sshra.s32 s18, $0x2;
	[sflag:s14] =	ssyncadd.s32 $0xFFFFFFB0  }
0xf2: {  	[spmem:s3] =	stream.indirect.scatter.add.f32 [tilespmem:s12], [sflag:$0x1], $0x1, s18, s13, $0xb8;
	[tilespmem:$0x4580] =	vst v63  }
0xf3: {  	s19 =	sadd.s32 $0x80, s18  }
0xf4: {  	[spmem:s3] =	stream.indirect.scatter.add.f32 [tilespmem:s12], [sflag:$0x1], $0x1, s19, s13, $0xb8;
	[tilespmem:$0x4580] =	vst v63  }
0xf5: {  	s24 =	sadd.s32 $0x100, s18  }
0xf6: {  	[spmem:s3] =	stream.indirect.scatter.add.f32 [tilespmem:s12], [sflag:$0x1], $0x1, s24, s13, $0xb8;
	[tilespmem:$0x4580] =	vst v63  }
0xf7: {  	s25 =	sadd.s32 $0x180, s18  }
0xf8: {  	[spmem:s3] =	stream.indirect.scatter.add.f32 [tilespmem:s12], [sflag:$0x1], $0x1, s25, s13, $0xb8;
	[tilespmem:$0x4580] =	vst v63  }
0xf9: {  	s26 =	sadd.s32 $0x200, s18  }
0xfa: {  	[spmem:s3] =	stream.indirect.scatter.add.f32 [tilespmem:s12], [sflag:$0x1], $0x1, s26, s13, $0xb8;
	[tilespmem:$0x4580] =	vst v63  }
0xfb: {  	s28 =	sadd.s32 $0x280, s18  }
0xfc: {  	[spmem:s3] =	stream.indirect.scatter.add.f32 [tilespmem:s12], [sflag:$0x1], $0x1, s28, s13, $0xb8;
	[tilespmem:$0x4580] =	vst v63  }
0xfd: {  	s29 =	sadd.s32 $0x300, s18  }
0xfe: {  	[spmem:s3] =	stream.indirect.scatter.add.f32 [tilespmem:s12], [sflag:$0x1], $0x1, s29, s13, $0xb8;
	[tilespmem:$0x4580] =	vst v63  }
0xff: {  	s30 =	sadd.s32 $0x380, s18  }
0x100: {  	[spmem:s3] =	stream.indirect.scatter.add.f32 [tilespmem:s12], [sflag:$0x1], $0x1, s30, s13, $0xb8;
	[tilespmem:$0x4580] =	vst v63  }
0x101: {  	s31 =	sadd.s32 $0x400, s18  }
0x102: {  	[spmem:s3] =	stream.indirect.scatter.add.f32 [tilespmem:s12], [sflag:$0x1], $0x1, s31, s13, $0xb8;
	[tilespmem:$0x4580] =	vst v63  }
0x103: {  	s20 =	sadd.s32 $0x480, s18  }
0x104: {  	[spmem:s3] =	stream.indirect.scatter.add.f32 [tilespmem:s12], [sflag:$0x1], $0x1, s20, s13, $0xb8;
	[tilespmem:$0x4580] =	vst v63  }
0x105: {  	s21 =	sadd.s32 $0x500, s18  }
0x106: {  	[spmem:s3] =	stream.indirect.scatter.add.f32 [tilespmem:s12], [sflag:$0x1], $0x1, s21, s13, $0xb8;
	[tilespmem:$0x4580] =	vst v63  }
0x107: {  	s22 =	sadd.s32 $0x580, s18  }
0x108: {  	[spmem:s3] =	stream.indirect.scatter.add.f32 [tilespmem:s12], [sflag:$0x1], $0x1, s22, s13, $0xb8;
	[tilespmem:$0x4580] =	vst v63  }
0x109: {  	s23 =	sadd.s32 $0x600, s18  }
0x10a: {  	[spmem:s3] =	stream.indirect.scatter.add.f32 [tilespmem:s12], [sflag:$0x1], $0x1, s23, s13, $0xb8;
	[tilespmem:$0x4580] =	vst v63  }
0x10b: {  	s24 =	sadd.s32 $0x680, s18  }
0x10c: {  	[spmem:s3] =	stream.indirect.scatter.add.f32 [tilespmem:s12], [sflag:$0x1], $0x1, s24, s13, $0xb8;
	[tilespmem:$0x4580] =	vst v63  }
0x10d: {  	s25 =	sadd.s32 $0x700, s18  }
0x10e: {  	[spmem:s3] =	stream.indirect.scatter.add.f32 [tilespmem:s12], [sflag:$0x1], $0x1, s25, s13, $0xb8;
	[tilespmem:$0x4580] =	vst v63  }
0x10f: {  	s26 =	sadd.s32 $0x780, s18  }
0x110: {  	[spmem:s3] =	stream.indirect.scatter.add.f32 [tilespmem:s12], [sflag:$0x1], $0x1, s26, s13, $0xb8;
	[tilespmem:$0x4580] =	vst v63  }
0x111: {  	s28 =	sadd.s32 $0x800, s18  }
0x112: {  	[spmem:s3] =	stream.indirect.scatter.add.f32 [tilespmem:s12], [sflag:$0x1], $0x1, s28, s13, $0xb8;
	[tilespmem:$0x4580] =	vst v63  }
0x113: {  	s29 =	sadd.s32 $0x880, s18  }
0x114: {  	[spmem:s3] =	stream.indirect.scatter.add.f32 [tilespmem:s12], [sflag:$0x1], $0x1, s29, s13, $0xb8;
	[tilespmem:$0x4580] =	vst v63  }
0x115: {  	s30 =	sadd.s32 $0x900, s18  }
0x116: {  	[spmem:s3] =	stream.indirect.scatter.add.f32 [tilespmem:s12], [sflag:$0x1], $0x1, s30, s13, $0xb8;
	[tilespmem:$0x4580] =	vst v63  }
0x117: {  	s31 =	sadd.s32 $0x980, s18  }
0x118: {  	[spmem:s3] =	stream.indirect.scatter.add.f32 [tilespmem:s12], [sflag:$0x1], $0x1, s31, s13, $0xb8;
	[tilespmem:$0x4580] =	vst v63  }
0x119: {  	s18 =	sadd.s32 $0xA00, s18  }
0x11a: {  	[spmem:s3] =	stream.indirect.scatter.add.f32 [tilespmem:s12], [sflag:$0x1], $0x1, s18, s13, $0xb8;
	[tilespmem:$0x4580] =	vst v63  }
0x11b: {  	_ =	swait.ge [sflag:s14], $0x50  }
0x11c: {  	[sflag:s14] =	ssyncset.done $0x0  }
0x11d: {  	[sflag:s14] =	ssyncadd.s32 $0xFFFFFFB0  }
0x11e: {  	_ =	swait.ge [sflag:s14], $0x50  }
0x11f: {  	[sflag:s14] =	ssyncset.done $0x0  }
0x120: {  	[sflag:s14] =	ssyncadd.s32 $0xFFFFFFB0  }
0x121: {  	_ =	swait.ge [sflag:s14], $0x50  }
0x122: {  	[sflag:s14] =	ssyncset.done $0x0  }
0x123: {  	[sflag:s14] =	ssyncadd.s32 $0xFFFFFFB0  }
0x124: {  	_ =	swait.ge [sflag:s14], $0x50  }
0x125: {  	[sflag:s14] =	ssyncset.done $0x0  }
0x126: {  	[sflag:s14] =	ssyncadd.s32 $0xFFFFFFB0  }
0x127: {  	_ =	swait.ge [sflag:s14], $0x50  }
0x128: {  	[sflag:s14] =	ssyncset.done $0x0  }
0x129: {  	[sflag:s14] =	ssyncadd.s32 $0xFFFFFFB0  }
0x12a: {  	_ =	swait.ge [sflag:s14], $0x50  }
0x12b: {  	[sflag:s14] =	ssyncset.done $0x0  }
0x12c: {  	[sflag:s14] =	ssyncadd.s32 $0xFFFFFFB0  }
0x12d: {  	_ =	swait.ge [sflag:s14], $0x50  }
0x12e: {  	[sflag:s14] =	ssyncset.done $0x0  }
0x12f: {  	[sflag:s14] =	ssyncadd.s32 $0xFFFFFFB0  }
0x130: {  	_ =	swait.ge [sflag:s14], $0x50  }
0x131: {  	[sflag:s14] =	ssyncset.done $0x0  }
0x132: {  	[sflag:s14] =	ssyncadd.s32 $0xFFFFFFB0  }
0x133: {  	_ =	swait.ge [sflag:s14], $0x50  }
0x134: {  	[sflag:s14] =	ssyncset.done $0x0  }
0x135: {  	[sflag:s14] =	ssyncadd.s32 $0xFFFFFFB0  }
0x136: {  	_ =	swait.ge [sflag:s14], $0x50  }
0x137: {  	[sflag:s14] =	ssyncset.done $0x0  }
0x138: {  	[sflag:s14] =	ssyncadd.s32 $0xFFFFFFB0  }
0x139: {  	_ =	swait.ge [sflag:s14], $0x50  }
0x13a: {  	[sflag:s14] =	ssyncset.done $0x0  }
0x13b: {  	[sflag:s14] =	ssyncadd.s32 $0xFFFFFFB0  }
0x13c: {  	_ =	swait.ge [sflag:s14], $0x50  }
0x13d: {  	[sflag:s14] =	ssyncset.done $0x0  }
0x13e: {  	[sflag:s14] =	ssyncadd.s32 $0xFFFFFFB0  }
0x13f: {  	_ =	swait.ge [sflag:s14], $0x50  }
0x140: {  	[sflag:s14] =	ssyncset.done $0x0  }
0x141: {  	[sflag:s14] =	ssyncadd.s32 $0xFFFFFFB0  }
0x142: {  	_ =	swait.ge [sflag:s14], $0x50  }
0x143: {  	[sflag:s14] =	ssyncset.done $0x0  }
0x144: {  	[sflag:s14] =	ssyncadd.s32 $0xFFFFFFB0  }
0x145: {  	_ =	swait.ge [sflag:s14], $0x50  }
0x146: {  	[sflag:s14] =	ssyncset.done $0x0  }
0x147: {  	[sflag:s14] =	ssyncadd.s32 $0xFFFFFFB0  }
0x148: {  	_ =	swait.ge [sflag:s14], $0x50  }
0x149: {  	[sflag:s14] =	ssyncset.done $0x0  }
0x14a: {  	[sflag:s14] =	ssyncadd.s32 $0xFFFFFFB0  }
0x14b: {  	_ =	swait.ge [sflag:s14], $0x50  }
0x14c: {  	[sflag:s14] =	ssyncset.done $0x0  }
0x14d: {  	[sflag:s14] =	ssyncadd.s32 $0xFFFFFFB0  }
0x14e: {  	_ =	swait.ge [sflag:s14], $0x50  }
0x14f: {  	[sflag:s14] =	ssyncset.done $0x0  }
0x150: {  	[sflag:s14] =	ssyncadd.s32 $0xFFFFFFB0  }
0x151: {  	_ =	swait.ge [sflag:s14], $0x50  }
0x152: {  	[sflag:s14] =	ssyncset.done $0x0  }
0x153: {  	[sflag:s14] =	ssyncadd.s32 $0xFFFFFFB0  }
0x154: {  	_ =	swait.ge [sflag:s14], $0x50  }
0x155: {  	[sflag:s14] =	ssyncset.done $0x0  }
0x156: {  	[sflag:s14] =	ssyncadd.s32 $0xFFFFFFB0  }
0x157: {  	_ =	swait.ge [sflag:s14], $0x50  }
0x158: {  	[sflag:s14] =	ssyncset.done $0x0  }
0x159: {  	[sflag:s14] =	ssyncadd.s32 $0xFFFFFFB0  }
0x15a: {  	[bflag:$0x0] =	sbarrier.arrive $0xFFFF  }
0x15b: {  	[tilespmem:s10], [sflag:$0x2] =	stream.linear.gather [spmem:s7], $0x280, $0x38;
	[tilespmem:$0x4580] =	vst v63  }
0x15c: {  	s17 =	sadd.s32 $0x1, s17;
	_ =	swait.ge [sflag:s11], $0x280  }
0x15d: {  	p0 =	sne.s32 s17, s9;
	[sflag:s11] =	ssyncset.done $0x0  }
.Ltmp1:
0x15e: {  	[sflag:s11] =	ssyncadd.s32 $0xFFFFFD80;
	(pc) =	sbr.rel @p0 .LBB2_1-.Ltmp1, $4  }
0x15f: {  	[hbm4b:s8+s15] =	stream.strided.scatter [tilespmem:s10], [sflag:$0x2], $0x280, s16, s15, $0x38;
	[tilespmem:$0x4580] =	vst v63  }
0x160: {  	_ =	swait.ge [sflag:s11], $0x280  }
0x161: {  	[sflag:s11] =	ssyncset.done $0x0  }
0x162: {  	[sflag:s11] =	ssyncadd.s32 $0xFFFFFD80  }
0x163: {  	_ =	sfence.sel $0x180000  }
0x164: {  	[bflag:$0x0] =	sbarrier.arrive $0xFFFF  }
0x165: {  	p0 =	sne.s32 s1, $0x0;
	_ =	strace $0x90000047  }
0x166: {  	s0 =	sadd.s32 @!p0 $0x100000, s0;
	[bflag:$0x2] =	sbarrier.arrive $0xFFFF  }
0x167: {  	[sflag:s0] =	ssyncadd.tile.s32 @!p0 $0x1;
	_ =	shalt  }
.Lfunc_end2:
_tile_overlayer_lowered:
.L_overlay_start_2:
0x168: {  	(tag) =	ssettag $0x2  }
0x169: {  	s0 =	rddreg [dreg:$0x0];
	s2 =	stileid.u32  }
0x16a: {  	s1 =	rddreg [dreg:$0x1];
	p0 =	sne.s32 s2, $0x0  }
0x16b: {  	s3 =	rddreg [dreg:$0x2];
	[bflag:$0x3] =	sbarrier.arrive $0xFFFF;
	s2 =	simm.s32 @!p0 $0x1C02  }
0x16c: {  	[timem:s3], [sflag:s2] =	dma.local @!p0 [hbm:s0], s1  }
0x16d: {  	s0 =	simm.s32 @!p0 $0x2  }
0x16e: {  	_ =	swait.ge @!p0 [sflag:s0], s1  }
0x16f: {  	s1 =	ssub.s32 @!p0 $0x0, s1;
	[sflag:s0] =	ssyncset.done @!p0 $0x0  }
0x170: {  	[sflag:s0] =	ssyncadd.s32 @!p0 s1  }
0x171: {  	[bflag:$0x3] =	sbarrier.arrive $0xFFFF  }
0x172: {  	_ =	shalt  }

// kernel: kernel.9.cloned.1.call-start
scs
__scs_entry_jumppad:
0x0: {  	(pc) =	sbr.rel $0x88, $3  }
0x1: {  	(tag) =	ssettag $0x0;
	lr =	simm.s32 $0x1  }
0x2: {  	[smem:$0x3F9B] =	sst lr;
	_ =	strace $0xD0000000  }
0x3: {  	_ = 	snop  }
0x4: {  	_ = 	snop  }
0x5: {  	_ = 	snop  }
0x6: {  	_ = 	snop  }
0x7: {  	_ = 	snop  }
__scs_overlays_trampoline_lowered:
0x8: {  	[smem:$0x3FAA] =	sst s0  }
0x9: {  	[smem:$0x3FAB] =	sst s1  }
0xa: {  	[smem:$0x3FAC] =	sst s2  }
0xb: {  	[smem:$0x3FAD] =	sst s3  }
0xc: {  	[smem:$0x3FAE] =	sst s4  }
0xd: {  	[smem:$0x3FAF] =	sst s5  }
0xe: {  	[smem:$0x3FB0] =	sst s6  }
0xf: {  	[smem:$0x3FB1] =	sst s7  }
0x10: {  	[smem:$0x3FB2] =	sst s8  }
0x11: {  	[smem:$0x3FB3] =	sst s9;
	s0 =	simm.s32 @!p0 $0x0  }
0x12: {  	s1 =	sld [smem:$0x3F99];
	s0 =	simm.s32 @p0 $0x1  }
0x13: {  	[smem:$0x3FB4] =	sst s0;
	s0 =	simm.s32 @!p1 $0x0  }
0x14: {  	s2 =	sld [smem:$0x3F98];
	s0 =	simm.s32 @p1 $0x1  }
0x15: {  	[smem:$0x3FB5] =	sst s0;
	s0 =	simm.s32 @!p2 $0x0  }
0x16: {  	s3 =	sld [smem:$0x3FDB];
	s0 =	simm.s32 @p2 $0x1  }
0x17: {  	s4 =	simm.s32 $0x1BF5;
	[smem:$0x3FB7] =	sst s0  }
0x18: {  	s0 =	sld [smem:$0x3F9A];
	_ =	swait.ge [sflag:s4], $0x0  }
0x19: {  	s7 =	sld [smem:$0x3F9B]  }
0x1a: {  	s8 =	sadd.s32 $0xFFFFE003, lr  }
0x1b: {  	s9 =	sadd.s32 $0xFFFFFEF7, lr;
	s5 =	simm.s32 $0xFFFFFFFF;
	p2 =	slt.u32 s8, $0xFFFFF086  }
0x1c: {  	p1 =	slt.u32 s9, $0xF7A;
	s5 =	simm.s32 @!p2 $0x0  }
0x1d: {  	s5 =	simm.s32 @p1 $0x1;
	p0 =	seq.s32 s7, s2  }
0x1e: {  	s7 =	smul.u32 @!p0 $0xF7A, s2;
	p2 =	seq.s32 @!p0 s5, $0x0  }
0x1f: {  	s9 =	smul.u32 $0xF7A, s1;
	s8 =	simm.s32 @!p0 $0x1BF5;
	p2 =	por !p2, p0  }
0x20: {  	[sflag:s8] =	ssyncset.s32 @!p0 $0xFFFFF086;
	s6 =	sadd.s32 @!p0 s3, s7;
	s7 =	simm.s32 @!p0 $0x108  }
0x21: {  	s3 =	sadd.s32 s3, s9;
	s6 =	sadd.s32 @!p0 $0x88, s6;
	s7 =	simm.s32 @p2 $0x1082  }
0x22: {  	[simem:s7], [sflag:s8] =	dma.local @!p0 [hbm:s6], $0xF7A  }
0x23: {  	s9 =	sor.u32 $0xD0000000, s2;
	s6 =	simm.s32 $0x108;
	_ =	swait.ge @!p0 [sflag:s8], $0x0  }
0x24: {  	s3 =	sadd.s32 $0x88, s3;
	s6 =	simm.s32 @!p1 $0x1082;
	[sflag:s4] =	ssyncset.s32 $0xFFFFF086  }
0x25: {  	[simem:s6], [sflag:s4] =	dma.local [hbm:s3], $0xF7A  }
0x26: {  	[smem:$0x3F9B] =	sst s1;
	(tag) =	ssettag s2;
	_ =	strace s9  }
0x27: {  	s1 =	sld [smem:$0x3FAB]  }
0x28: {  	s2 =	sld [smem:$0x3FAC]  }
0x29: {  	s4 =	sld [smem:$0x3FAE]  }
0x2a: {  	p0 =	seq.s32 s5, $0x0;
	s5 =	sld [smem:$0x3FAF]  }
0x2b: {  	s6 =	sld [smem:$0x3FB0]  }
0x2c: {  	s7 =	sld [smem:$0x3FB1]  }
0x2d: {  	s3 =	simm.s32 $0x108;
	s8 =	sld [smem:$0x3FB2]  }
0x2e: {  	s3 =	simm.s32 @!p0 $0x1082;
	s9 =	sld [smem:$0x3FB3]  }
0x2f: {  	lr =	sadd.s32 s0, s3;
	s0 =	sld [smem:$0x3FAA]  }
0x30: {  	s3 =	sld [smem:$0x3FAD]  }
0x31: {  	[smem:$0x3FB6] =	sst s10  }
0x32: {  	s10 =	sld [smem:$0x3FB4];
	_ =	sdelay $0x3  }
0x33: {  	p0 =	seq.s32 s10, $0x1;
	s10 =	sld [smem:$0x3FB6];
	_ =	sdelay $0x3  }
0x34: {  	[smem:$0x3FB6] =	sst s10  }
0x35: {  	s10 =	sld [smem:$0x3FB5];
	_ =	sdelay $0x3  }
0x36: {  	p1 =	seq.s32 s10, $0x1;
	s10 =	sld [smem:$0x3FB6];
	_ =	sdelay $0x3  }
0x37: {  	[smem:$0x3FB6] =	sst s10  }
0x38: {  	s10 =	sld [smem:$0x3FB7]  }
0x39: {  	_ = 	snop;
	(pc) =	sbr.ind lr, $3  }
0x3a: {  	_ = 	snop  }
0x3b: {  	_ = 	snop  }
0x3c: {  	p2 =	seq.s32 s10, $0x1;
	s10 =	sld [smem:$0x3FB6]  }
0x3d: {  	_ =	shalt  }
0x3e: {  	_ =	shalt  }
0x3f: {  	_ =	shalt  }
0x40: {  	_ =	shalt  }
0x41: {  	_ =	shalt  }
0x42: {  	_ =	shalt  }
0x43: {  	_ =	shalt  }
0x44: {  	_ =	shalt  }
0x45: {  	_ =	shalt  }
0x46: {  	_ =	shalt  }
0x47: {  	_ =	shalt  }
0x48: {  	_ =	shalt  }
0x49: {  	_ =	shalt  }
0x4a: {  	_ =	shalt  }
0x4b: {  	_ =	shalt  }
0x4c: {  	_ =	shalt  }
0x4d: {  	_ =	shalt  }
0x4e: {  	_ =	shalt  }
0x4f: {  	_ =	shalt  }
0x50: {  	_ =	shalt  }
0x51: {  	_ =	shalt  }
0x52: {  	_ =	shalt  }
0x53: {  	_ =	shalt  }
0x54: {  	_ =	shalt  }
0x55: {  	_ =	shalt  }
0x56: {  	_ =	shalt  }
0x57: {  	_ =	shalt  }
0x58: {  	_ =	shalt  }
0x59: {  	_ =	shalt  }
0x5a: {  	_ =	shalt  }
0x5b: {  	_ =	shalt  }
0x5c: {  	_ =	shalt  }
0x5d: {  	_ =	shalt  }
0x5e: {  	_ =	shalt  }
0x5f: {  	_ =	shalt  }
0x60: {  	_ =	shalt  }
0x61: {  	_ =	shalt  }
0x62: {  	_ =	shalt  }
0x63: {  	_ =	shalt  }
0x64: {  	_ =	shalt  }
0x65: {  	_ =	shalt  }
0x66: {  	_ =	shalt  }
0x67: {  	_ =	shalt  }
0x68: {  	_ =	shalt  }
0x69: {  	_ =	shalt  }
0x6a: {  	_ =	shalt  }
0x6b: {  	_ =	shalt  }
0x6c: {  	_ =	shalt  }
0x6d: {  	_ =	shalt  }
0x6e: {  	_ =	shalt  }
0x6f: {  	_ =	shalt  }
0x70: {  	_ =	shalt  }
0x71: {  	_ =	shalt  }
0x72: {  	_ =	shalt  }
0x73: {  	_ =	shalt  }
0x74: {  	_ =	shalt  }
0x75: {  	_ =	shalt  }
0x76: {  	_ =	shalt  }
0x77: {  	_ =	shalt  }
0x78: {  	_ =	shalt  }
0x79: {  	_ =	shalt  }
0x7a: {  	_ =	shalt  }
0x7b: {  	_ =	shalt  }
0x7c: {  	_ =	shalt  }
0x7d: {  	_ =	shalt  }
0x7e: {  	_ =	shalt  }
0x7f: {  	_ =	shalt  }
0x80: {  	_ =	shalt  }
0x81: {  	_ =	shalt  }
0x82: {  	_ =	shalt  }
0x83: {  	_ =	shalt  }
0x84: {  	_ =	shalt  }
0x85: {  	_ =	shalt  }
0x86: {  	_ =	shalt  }
0x87: {  	_ =	shalt  }
.Lfunc_end0:
.L_simem_size_0:
called_computation.1_lowered:
.L_overlay_start_0:
0x88: {  	s2 =	sld [smem:$0x3FD9]  }
0x89: {  	s3 =	sld [smem:$0x3FFE];
	_ =	sdelay $0x1  }
0x8a: {  	s1 =	srdreg.scid  }
0x8b: {  	s0 =	sand.u32 $0x1, s1  }
0x8c: {  	s16 =	sshll.u32 s0, $0xA;
	s2 =	sadd.s32 s3, s2  }
0x8d: {  	s2 =	sadd.s32 s2, s16  }
0x8e: {  	[smem:$0x3FC2] =	sst s2  }
0x8f: {  	_ = 	snop  }
0x90: {  	(tm) =	ssettm $0x1  }
0x91: {  	s17 =	sld [smem:$0x3FFB];
	_ =	sdelay $0x3  }
0x92: {  	_ =	strace s17  }
0x93: {  	s2 =	sld [smem:$0x3FFC];
	_ =	sdelay $0x3  }
0x94: {  	_ =	strace s2  }
0x95: {  	s2 =	sld [smem:$0x3FFD];
	_ =	sdelay $0x3  }
0x96: {  	_ =	strace s2  }
0x97: {  	_ =	strace $0x8FFFFFFF  }
0x98: {  	s18 =	sld [smem:$0x3FDB];
	_ =	sdelay $0x1  }
0x99: {  	s19 =	simm.s32 $_scs_section_size  }
0x9a: {  	s4 =	simm.s32 $_size__tile_overlayer_lowered;
	s5 =	simm.s32 $_tile_overlayer_lowered  }
0x9b: {  	s22 =	simm.s32 $0x1BFF;
	s21 =	sshll.u32 s5, $0x1;
	s2 =	sadd.s32 s19, s18  }
0x9c: {  	s6 =	simm.s32 $0x0;
	s20 =	sshll.u32 s4, $0x1;
	s4 =	sadd.s32 s21, s2  }
0x9d: {  	[timem:s6], [sflag:s22] =	dma.local [hbm:s4], s20  }
0x9e: {  	_ =	swait.ge [sflag:s22], s20  }
0x9f: {  	s3 =	ssub.s32 $0x0, s20;
	[sflag:s22] =	ssyncset.done $0x0  }
0xa0: {  	[sflag:s22] =	ssyncadd.s32 s3;
	_ =	sdelay $0x1  }
0xa1: {  	s23 =	simm.s32 $0x1B8B  }
0xa2: {  	_ =	swait.ge [sflag:s23], $0x1  }
0xa3: {  	[sflag:s23] =	ssyncset.done $0x0  }
0xa4: {  	s25 =	simm.s32 $0x1B8E;
	s24 =	sld [smem:$0x3FFE];
	[sflag:s23] =	ssyncadd.s32 $0xFFFFFFFF  }
0xa5: {  	s26 =	simm.s32 $execute0_lowered;
	[smem:$0x3FD2] =	sst s25  }
0xa6: {  	s4 =	sshll.u32 s26, $0x1;
	_ =	strace $0x80000049;
	[dreg:$0x1] =	wrdreg $0xFFFFFFFF  }
0xa7: {  	s28 =	simm.s32 $_size_execute0_lowered;
	s2 =	sadd.s32 s2, s4;
	[dreg:$0x0] =	wrdreg $0x0  }
0xa8: {  	s4 =	sshll.u32 s28, $0x1;
	[dreg:$0x2] =	wrdreg s2  }
0xa9: {  	[dreg:$0x3] =	wrdreg s4  }
0xaa: {  	[dreg:$0x4] =	wrdreg $0xC0  }
0xab: {  	_ =	task [dreg:s6], $0x5FFFF  }
0xac: {  	[dreg:$0x1] =	wrdreg $0xFFFFFFFF  }
0xad: {  	[dreg:$0x0] =	wrdreg $0x60  }
0xae: {  	[dreg:$0x2] =	wrdreg s24  }
0xaf: {  	[dreg:$0x3] =	wrdreg $0x155800  }
0xb0: {  	[dreg:$0x4] =	wrdreg $0x9  }
0xb1: {  	_ =	task.clear_ibuf [dreg:s6], $0x5FFFF;
	_ =	strace $0x90000049  }
0xb2: {  	s29 =	simm.s32 $0x9;
	_ =	strace $0x8000004B  }
0xb3: {  	_ =	swait.ge [sflag:s29], $0x1  }
0xb4: {  	[sflag:s29] =	ssyncadd.s32 $0xFFFFFFFF  }
0xb5: {  	_ =	strace $0x9000004B  }
0xb6: {  	_ =	sfence  }
0xb7: {  	s30 =	sld [smem:$0x0];
	_ =	sdelay $0x2  }
0xb8: {  	s31 =	sshll.u32 s1, $0xD;
	s1 =	sshrl.u32 s1, $0x2  }
0xb9: {  	s3 =	sand.u32 $0x4000, s31;
	s1 =	sadd.s32 s1, s30  }
0xba: {  	s0 =	sor.u32 s3, s0;
	s1 =	sshll.u32 s1, $0x11  }
0xbb: {  	s0 =	sor.u32 s1, s0  }
0xbc: {  	s0 =	sadd.s32 $0x8F2B, s0  }
0xbd: {  	[sflag:s0] =	ssyncadd.remote.s32 $0x1  }
0xbe: {  	_ =	sfence.sel $0xFFFF  }
0xbf: {  	[dreg:$0x0] =	wrdreg $0xFFFFFFFF;
	(pc) =	sbr.abs _section_cstart, $3  }
0xc0: {  	[dreg:$0x1] =	wrdreg $0xFFFFFFFF  }
0xc1: {  	_ =	task.clear_ibuf [dreg:s6], $0x2FFFF;
	_ =	strace $0x9FFFFFFF  }
0xc2: {  	(tm) =	ssettm $0x7FFFFFFF  }
0xc3: {  	_ =	shalt  }
tec
execute0_lowered:
.L_overlay_start_1:
0x0: {  	(tag) =	ssettag $0x1  }
0x1: {  	s1 =	rddreg [dreg:$0x0]  }
0x2: {  	s0 =	srdreg.scid;
	s2 =	rddreg [dreg:$0x1]  }
0x3: {  	s3 =	simm.s32 $0x0;
	s11 =	stileid.u32;
	s29 =	simm.s32 $0xD580  }
0x4: {  	s30 =	simm.s32 $0x10580;
	s31 =	simm.s32 $0x12D80;
	s28 =	simm.s32 $0x0  }
0x5: {  	s0 =	sand.u32 $0x1, s0;
	[smem:$0x7FF] =	sst s3;
	s6 =	smul.u32 $0x9D8, s11  }
0x6: {  	s7 =	sadd.s32 $0xB600, s1;
	s10 =	smul.u32 $0xA000, s11;
	s21 =	sadd.s32 $0xC200, s1  }
0x7: {  	s22 =	sadd.s32 $0xBC00, s1;
	_ =	strace $0x8000004A;
	[dreg:$0x3] =	wrdreg s7  }
0x8: {  	s4 =	smul.u32 $0xA0000, s0;
	s20 =	sshll.u32 s0, $0x4;
	[dreg:$0x4] =	wrdreg s21  }
0x9: {  	[dreg:$0x5] =	wrdreg s22;
	s0 =	ssub.s32 $0x2, s0;
	s21 =	simm.s32 $0xF180  }
0xa: {  	s22 =	simm.s32 $0x4;
	s8 =	sadd.s32 s6, s1;
	s7 =	sor.u32 s11, s20  }
0xb: {  	s9 =	sshrl.u32 s0, $0x1;
	s11 =	smul.u32 $0x28000, s11;
	s5 =	sshrl.u32 s4, $0x3  }
0xc: {  	s4 =	sadd.s32 s10, s4;
	s7 =	smul.u32 $0x500, s7;
	s0 =	ssub.s32 s0, s9  }
0xd: {  	s23 =	sadd.s32 $0x1C200, s8;
	s24 =	sadd.s32 $0x1800, s8;
	s10 =	sadd.s32 s10, s2  }
0xe: {  	s5 =	sadd.s32 s5, s1;
	s4 =	sshrl.u32 s4, $0x3;
	[dreg:$0x6] =	wrdreg s23  }
0xf: {  	[dreg:$0x7] =	wrdreg s24;
	s11 =	sshrl.u32 s11, $0x2;
	s20 =	smax.u32 s0, $0x1  }
0x10: {  	s24 =	simm.s32 $0x70;
	s0 =	simm.s32 $0x1;
	s23 =	simm.s32 $0x3  }
0x11: {  	s4 =	sadd.s32 s4, s1;
	s1 =	sadd.s32 s7, s1;
	s25 =	sadd.s32 s11, s2  }
.Ltmp0:
0x12: {  	s9 =	sadd.s32 $0x76000, s5;
	s26 =	sadd.s32 $0x1400, s25;
	(pc) =	sbr.rel .LBB2_1-.Ltmp0, $4  }
0x13: {  	s12 =	sadd.s32 $0x2800, s25;
	s13 =	sadd.s32 $0x3C00, s25;
	s14 =	sadd.s32 $0x5000, s25  }
0x14: {  	s15 =	sadd.s32 $0x6400, s25;
	s16 =	sadd.s32 $0x7800, s25;
	s17 =	sadd.s32 $0x8C00, s25  }
0x15: {  	s18 =	sadd.s32 $0xC600, s1;
	s19 =	sadd.s32 $0x9E000, s4;
	s25 =	simm.s32 $0x9D80  }
0x16: {  	s1 =	simm.s32 $0x2;
	[dreg:$0x8] =	wrdreg s26;
	s26 =	simm.s32 $0xB980  }
.LBB2_4:
0x17: {  	[bflag:$0x0] =	sbarrier.arrive $0xFFFF;
	s4 =	stileid.u32  }
0x18: {  	[hbm4b:s18+s3] =	stream.linear.scatter [tilespmem:s31], [sflag:$0x4], $0x2800, $0x38;
	[tilespmem:$0x1F580] =	vst v63  }
0x19: {  	s5 =	sshrl.u32 s10, $0x3;
	s28 =	sadd.s32 $0x1, s28;
	_ =	swait.ge [sflag:s22], $0x2800  }
0x1a: {  	s4 =	sshll.u32 s4, $0x6;
	p0 =	sne.s32 s28, s20;
	[sflag:s22] =	ssyncset.done $0x0  }
.Ltmp1:
0x1b: {  	s4 =	sor.u32 $0x1C04, s4;
	[sflag:s22] =	ssyncadd.s32 $0xFFFFD800;
	(pc) =	sbr.rel @!p0 .LBB2_5-.Ltmp1, $4  }
0x1c: {  	[hbm:s19], [sflag:s4] =	dma.local [spmem:s5], $0x1400  }
0x1d: {  	_ =	swait.ge [sflag:s22], $0x1400  }
0x1e: {  	[sflag:s22] =	ssyncset.done $0x0  }
0x1f: {  	[sflag:s22] =	ssyncadd.s32 $0xFFFFEC00  }
.LBB2_1:
0x20: {  	s4 =	rddreg [dreg:$0x4]  }
0x21: {  	[tilespmem:s21], [sflag:$0x4] =	stream.linear.gather [hbm4b:s4+s3], $0x1400, $0x38;
	[tilespmem:$0x1F580] =	vst v63  }
0x22: {  	_ =	swait.ge [sflag:s22], $0x1400  }
0x23: {  	[sflag:s22] =	ssyncset.done $0x0  }
0x24: {  	s8 =	rddreg [dreg:$0x6];
	[sflag:s22] =	ssyncadd.s32 $0xFFFFEC00  }
0x25: {  	[tilespmem:s3], [sflag:$0x4] =	stream.linear.gather [hbm4b:s8+s3], $0x4EC0, $0x38;
	[tilespmem:$0x1F580] =	vst v63  }
0x26: {  	_ =	swait.ge [sflag:s22], $0x4EC0  }
0x27: {  	[sflag:s22] =	ssyncset.done $0x0  }
0x28: {  	s5 =	simm.s32 $0x4EC0;
	s11 =	rddreg [dreg:$0x7];
	[sflag:s22] =	ssyncadd.s32 $0xFFFFB140  }
0x29: {  	[tilespmem:s5], [sflag:$0x4] =	stream.linear.gather [hbm4b:s11+s3], $0x4EC0, $0x38;
	[tilespmem:$0x1F580] =	vst v63  }
0x2a: {  	_ =	swait.ge [sflag:s22], $0x4EC0  }
0x2b: {  	[sflag:s22] =	ssyncset.done $0x0  }
0x2c: {  	[sflag:s22] =	ssyncadd.s32 $0xFFFFB140  }
0x2d: {  	[tilespmem:s25], [sflag:$0x1] =	stream.indirect.gather [hbm4b:s9+s24], $0x40, s3, s24, $0xb8;
	[tilespmem:$0x1F580] =	vst v63  }
0x2e: {  	_ = 	snop  }
0x2f: {  	[tilespmem:s26], [sflag:$0x2] =	stream.indirect.gather [hbm4b:s9+s24], $0x40, s24, s24, $0xb8;
	[tilespmem:$0x1F580] =	vst v63  }
0x30: {  	s6 =	simm.s32 $0xE0  }
0x31: {  	[tilespmem:s29], [sflag:$0x3] =	stream.indirect.gather [hbm4b:s9+s24], $0x40, s6, s24, $0xb8;
	[tilespmem:$0x1F580] =	vst v63  }
0x32: {  	s7 =	rddreg [dreg:$0x3]  }
0x33: {  	[tilespmem:s30], [sflag:$0x4] =	stream.linear.gather [hbm4b:s7+s3], $0x2800, $0x38;
	[tilespmem:$0x1F580] =	vst v63  }
0x34: {  	_ =	swait.ge [sflag:s22], $0x2800  }
0x35: {  	[sflag:s22] =	ssyncset.done $0x0  }
0x36: {  	s8 =	rddreg [dreg:$0x5];
	[sflag:s22] =	ssyncadd.s32 $0xFFFFD800  }
0x37: {  	[tilespmem:s31], [sflag:$0x4] =	stream.linear.gather [hbm4b:s8+s3], $0x2800, $0x38;
	[tilespmem:$0x1F580] =	vst v63  }
0x38: {  	_ =	swait.ge [sflag:s22], $0x2800  }
0x39: {  	[sflag:s22] =	ssyncset.done $0x0  }
0x3a: {  	[sflag:s22] =	ssyncadd.s32 $0xFFFFD800  }
0x3b: {  	[spmem:s10] =	stream.linear.scatter [tilespmem:s21], [sflag:$0x4], $0x1400, $0x38;
	[tilespmem:$0x1F580] =	vst v63  }
0x3c: {  	_ =	swait.ge [sflag:s22], $0x1400  }
0x3d: {  	[sflag:s22] =	ssyncset.done $0x0  }
0x3e: {  	s11 =	rddreg [dreg:$0x8];
	[sflag:s22] =	ssyncadd.s32 $0xFFFFEC00  }
0x3f: {  	[spmem:s11] =	stream.linear.scatter [tilespmem:s21], [sflag:$0x4], $0x1400, $0x38;
	[tilespmem:$0x1F580] =	vst v63  }
0x40: {  	_ =	swait.ge [sflag:s22], $0x1400  }
0x41: {  	[sflag:s22] =	ssyncset.done $0x0  }
0x42: {  	[sflag:s22] =	ssyncadd.s32 $0xFFFFEC00  }
0x43: {  	[spmem:s12] =	stream.linear.scatter [tilespmem:s21], [sflag:$0x4], $0x1400, $0x38;
	[tilespmem:$0x1F580] =	vst v63  }
0x44: {  	_ =	swait.ge [sflag:s22], $0x1400  }
0x45: {  	[sflag:s22] =	ssyncset.done $0x0  }
0x46: {  	[sflag:s22] =	ssyncadd.s32 $0xFFFFEC00  }
0x47: {  	[spmem:s13] =	stream.linear.scatter [tilespmem:s21], [sflag:$0x4], $0x1400, $0x38;
	[tilespmem:$0x1F580] =	vst v63  }
0x48: {  	_ =	swait.ge [sflag:s22], $0x1400  }
0x49: {  	[sflag:s22] =	ssyncset.done $0x0  }
0x4a: {  	[sflag:s22] =	ssyncadd.s32 $0xFFFFEC00  }
0x4b: {  	[spmem:s14] =	stream.linear.scatter [tilespmem:s21], [sflag:$0x4], $0x1400, $0x38;
	[tilespmem:$0x1F580] =	vst v63  }
0x4c: {  	_ =	swait.ge [sflag:s22], $0x1400  }
0x4d: {  	[sflag:s22] =	ssyncset.done $0x0  }
0x4e: {  	[sflag:s22] =	ssyncadd.s32 $0xFFFFEC00  }
0x4f: {  	[spmem:s15] =	stream.linear.scatter [tilespmem:s21], [sflag:$0x4], $0x1400, $0x38;
	[tilespmem:$0x1F580] =	vst v63  }
0x50: {  	_ =	swait.ge [sflag:s22], $0x1400  }
0x51: {  	[sflag:s22] =	ssyncset.done $0x0  }
0x52: {  	[sflag:s22] =	ssyncadd.s32 $0xFFFFEC00  }
0x53: {  	[spmem:s16] =	stream.linear.scatter [tilespmem:s21], [sflag:$0x4], $0x1400, $0x38;
	[tilespmem:$0x1F580] =	vst v63  }
0x54: {  	_ =	swait.ge [sflag:s22], $0x1400  }
0x55: {  	[sflag:s22] =	ssyncset.done $0x0  }
0x56: {  	[sflag:s22] =	ssyncadd.s32 $0xFFFFEC00  }
0x57: {  	[spmem:s17] =	stream.linear.scatter [tilespmem:s21], [sflag:$0x4], $0x1400, $0x38;
	[tilespmem:$0x1F580] =	vst v63  }
0x58: {  	_ =	swait.ge [sflag:s22], $0x1400  }
0x59: {  	[sflag:s22] =	ssyncset.done $0x0  }
0x5a: {  	[sflag:s22] =	ssyncadd.s32 $0xFFFFEC00  }
0x5b: {  	s4 =	simm.s32 $0x0;
	[bflag:$0x0] =	sbarrier.arrive $0xFFFF  }
.LBB2_2:
0x5c: {  	s5 =	sshra.s32 s4, $0x2  }
0x5d: {  	v0 =	vld [tilespmem:s5+$0x4EC0];
	_ =	sdelay $0x4  }
0x5e: {  	v1 =	vld [tilespmem:s5+$0x0];
	_ =	sdelay $0x2  }
0x5f: {  	v0 =	vld.idx.msk [tilespmem:v0+s30+$0x0], $0xffff;
	_ =	sdelay $0x4  }
0x60: {  	[tilespmem:v1+s31+$0x0] =	vst.idx.add.f32.msk $0xffff, v0  }
0x61: {  	v0 =	vld [tilespmem:s5+$0x4ED0];
	_ =	sdelay $0x4  }
0x62: {  	v1 =	vld [tilespmem:s5+$0x10];
	_ =	sdelay $0x2  }
0x63: {  	v0 =	vld.idx.msk [tilespmem:v0+s30+$0x0], $0xffff;
	_ =	sdelay $0x4  }
0x64: {  	[tilespmem:v1+s31+$0x0] =	vst.idx.add.f32.msk $0xffff, v0  }
0x65: {  	v0 =	vld [tilespmem:s5+$0x4EE0];
	_ =	sdelay $0x4  }
0x66: {  	v1 =	vld [tilespmem:s5+$0x20];
	_ =	sdelay $0x2  }
0x67: {  	v0 =	vld.idx.msk [tilespmem:v0+s30+$0x0], $0xffff;
	_ =	sdelay $0x4  }
0x68: {  	[tilespmem:v1+s31+$0x0] =	vst.idx.add.f32.msk $0xffff, v0  }
0x69: {  	v0 =	vld [tilespmem:s5+$0x4EF0];
	_ =	sdelay $0x4  }
0x6a: {  	v1 =	vld [tilespmem:s5+$0x30];
	_ =	sdelay $0x2  }
0x6b: {  	v0 =	vld.idx.msk [tilespmem:v0+s30+$0x0], $0xffff;
	_ =	sdelay $0x4  }
0x6c: {  	[tilespmem:v1+s31+$0x0] =	vst.idx.add.f32.msk $0xffff, v0  }
0x6d: {  	v0 =	vld [tilespmem:s5+$0x4F00];
	_ =	sdelay $0x4  }
0x6e: {  	v1 =	vld [tilespmem:s5+$0x40];
	_ =	sdelay $0x2  }
0x6f: {  	v0 =	vld.idx.msk [tilespmem:v0+s30+$0x0], $0xffff;
	_ =	sdelay $0x4  }
0x70: {  	[tilespmem:v1+s31+$0x0] =	vst.idx.add.f32.msk $0xffff, v0  }
0x71: {  	v0 =	vld [tilespmem:s5+$0x4F10];
	_ =	sdelay $0x4  }
0x72: {  	v1 =	vld [tilespmem:s5+$0x50];
	_ =	sdelay $0x2  }
0x73: {  	v0 =	vld.idx.msk [tilespmem:v0+s30+$0x0], $0xffff;
	_ =	sdelay $0x4  }
0x74: {  	[tilespmem:v1+s31+$0x0] =	vst.idx.add.f32.msk $0xffff, v0  }
0x75: {  	v0 =	vld [tilespmem:s5+$0x4F20];
	_ =	sdelay $0x4  }
0x76: {  	v1 =	vld [tilespmem:s5+$0x60];
	_ =	sdelay $0x2  }
0x77: {  	v0 =	vld.idx.msk [tilespmem:v0+s30+$0x0], $0xffff;
	_ =	sdelay $0x4  }
0x78: {  	[tilespmem:v1+s31+$0x0] =	vst.idx.add.f32.msk $0xffff, v0  }
0x79: {  	_ =	swait.ge [sflag:s0], $0x1C00  }
0x7a: {  	[sflag:s0] =	ssyncset.done $0x0  }
0x7b: {  	s6 =	sadd.s32 $0x4EC0, s5;
	[sflag:s0] =	ssyncadd.s32 $0xFFFFE400  }
0x7c: {  	[spmem:s2] =	stream.indirect.scatter.add.f32 [tilespmem:s25], [sflag:$0x4], $0x40, s6, s24, $0xb8;
	[tilespmem:$0x1F580] =	vst v63  }
0x7d: {  	p0 =	seq.s32 s4, $0x135C0;
	_ =	swait.ge [sflag:s22], $0x1C00  }
0x7e: {  	s8 =	simm.s32 @!p0 $0x70;
	s6 =	sshra.s32 @!p0 s4, $0x2;
	[sflag:s22] =	ssyncset.done $0x0  }
0x7f: {  	s11 =	simm.s32 @!p0 $0x9D80;
	s7 =	sadd.s32 @!p0 $0x150, s6;
	[sflag:s22] =	ssyncadd.s32 $0xFFFFE400  }
0x80: {  	[tilespmem:s11], [sflag:$0x1] =	stream.indirect.gather @!p0 [hbm4b:s9+s8], $0x40, s7, s8, $0xb8;
	[tilespmem:$0x1F580] =	vst v63  }
0x81: {  	v60 =	vld [tilespmem:s5+$0x4F30];
	_ =	sdelay $0x4  }
0x82: {  	v61 =	vld [tilespmem:s5+$0x70];
	_ =	sdelay $0x2  }
0x83: {  	v0 =	vld.idx.msk [tilespmem:v60+s30+$0x0], $0xffff;
	_ =	sdelay $0x4  }
0x84: {  	[tilespmem:v61+s31+$0x0] =	vst.idx.add.f32.msk $0xffff, v0  }
0x85: {  	v0 =	vld [tilespmem:s5+$0x4F40];
	_ =	sdelay $0x4  }
0x86: {  	v1 =	vld [tilespmem:s5+$0x80];
	_ =	sdelay $0x2  }
0x87: {  	v0 =	vld.idx.msk [tilespmem:v0+s30+$0x0], $0xffff;
	_ =	sdelay $0x4  }
0x88: {  	[tilespmem:v1+s31+$0x0] =	vst.idx.add.f32.msk $0xffff, v0  }
0x89: {  	v0 =	vld [tilespmem:s5+$0x4F50];
	_ =	sdelay $0x4  }
0x8a: {  	v1 =	vld [tilespmem:s5+$0x90];
	_ =	sdelay $0x2  }
0x8b: {  	v0 =	vld.idx.msk [tilespmem:v0+s30+$0x0], $0xffff;
	_ =	sdelay $0x4  }
0x8c: {  	[tilespmem:v1+s31+$0x0] =	vst.idx.add.f32.msk $0xffff, v0  }
0x8d: {  	v0 =	vld [tilespmem:s5+$0x4F60];
	_ =	sdelay $0x4  }
0x8e: {  	v1 =	vld [tilespmem:s5+$0xA0];
	_ =	sdelay $0x2  }
0x8f: {  	v0 =	vld.idx.msk [tilespmem:v0+s30+$0x0], $0xffff;
	_ =	sdelay $0x4  }
0x90: {  	[tilespmem:v1+s31+$0x0] =	vst.idx.add.f32.msk $0xffff, v0  }
0x91: {  	v0 =	vld [tilespmem:s5+$0x4F70];
	_ =	sdelay $0x4  }
0x92: {  	v1 =	vld [tilespmem:s5+$0xB0];
	_ =	sdelay $0x2  }
0x93: {  	v0 =	vld.idx.msk [tilespmem:v0+s30+$0x0], $0xffff;
	_ =	sdelay $0x4  }
0x94: {  	[tilespmem:v1+s31+$0x0] =	vst.idx.add.f32.msk $0xffff, v0  }
0x95: {  	v0 =	vld [tilespmem:s5+$0x4F80];
	_ =	sdelay $0x4  }
0x96: {  	v1 =	vld [tilespmem:s5+$0xC0];
	_ =	sdelay $0x2  }
0x97: {  	v0 =	vld.idx.msk [tilespmem:v0+s30+$0x0], $0xffff;
	_ =	sdelay $0x4  }
0x98: {  	[tilespmem:v1+s31+$0x0] =	vst.idx.add.f32.msk $0xffff, v0  }
0x99: {  	v0 =	vld [tilespmem:s5+$0x4F90];
	_ =	sdelay $0x4  }
0x9a: {  	v1 =	vld [tilespmem:s5+$0xD0];
	_ =	sdelay $0x2  }
0x9b: {  	v0 =	vld.idx.msk [tilespmem:v0+s30+$0x0], $0xffff;
	_ =	sdelay $0x4  }
0x9c: {  	[tilespmem:v1+s31+$0x0] =	vst.idx.add.f32.msk $0xffff, v0  }
0x9d: {  	_ =	swait.ge [sflag:s1], $0x1C00  }
0x9e: {  	[sflag:s1] =	ssyncset.done $0x0  }
0x9f: {  	s11 =	sadd.s32 $0x4F30, s5;
	[sflag:s1] =	ssyncadd.s32 $0xFFFFE400  }
0xa0: {  	[spmem:s2] =	stream.indirect.scatter.add.f32 [tilespmem:s26], [sflag:$0x4], $0x40, s11, s24, $0xb8;
	[tilespmem:$0x1F580] =	vst v63  }
0xa1: {  	_ =	swait.ge [sflag:s22], $0x1C00  }
0xa2: {  	[sflag:s22] =	ssyncset.done $0x0  }
0xa3: {  	s6 =	sadd.s32 @!p0 $0x1C0, s6;
	s7 =	simm.s32 @!p0 $0xB980;
	[sflag:s22] =	ssyncadd.s32 $0xFFFFE400  }
0xa4: {  	[tilespmem:s7], [sflag:$0x2] =	stream.indirect.gather @!p0 [hbm4b:s9+s8], $0x40, s6, s8, $0xb8;
	[tilespmem:$0x1F580] =	vst v63  }
0xa5: {  	v62 =	vld [tilespmem:s5+$0x4FA0];
	_ =	sdelay $0x4  }
0xa6: {  	v63 =	vld [tilespmem:s5+$0xE0];
	_ =	sdelay $0x2  }
0xa7: {  	v0 =	vld.idx.msk [tilespmem:v62+s30+$0x0], $0xffff;
	_ =	sdelay $0x4  }
0xa8: {  	[tilespmem:v63+s31+$0x0] =	vst.idx.add.f32.msk $0xffff, v0  }
0xa9: {  	v0 =	vld [tilespmem:s5+$0x4FB0];
	_ =	sdelay $0x4  }
0xaa: {  	v1 =	vld [tilespmem:s5+$0xF0];
	_ =	sdelay $0x2  }
0xab: {  	v0 =	vld.idx.msk [tilespmem:v0+s30+$0x0], $0xffff;
	_ =	sdelay $0x4  }
0xac: {  	[tilespmem:v1+s31+$0x0] =	vst.idx.add.f32.msk $0xffff, v0  }
0xad: {  	v0 =	vld [tilespmem:s5+$0x4FC0];
	_ =	sdelay $0x4  }
0xae: {  	v1 =	vld [tilespmem:s5+$0x100];
	_ =	sdelay $0x2  }
0xaf: {  	v0 =	vld.idx.msk [tilespmem:v0+s30+$0x0], $0xffff;
	_ =	sdelay $0x4  }
0xb0: {  	[tilespmem:v1+s31+$0x0] =	vst.idx.add.f32.msk $0xffff, v0  }
0xb1: {  	v0 =	vld [tilespmem:s5+$0x4FD0];
	_ =	sdelay $0x4  }
0xb2: {  	v1 =	vld [tilespmem:s5+$0x110];
	_ =	sdelay $0x2  }
0xb3: {  	v0 =	vld.idx.msk [tilespmem:v0+s30+$0x0], $0xffff;
	_ =	sdelay $0x4  }
0xb4: {  	[tilespmem:v1+s31+$0x0] =	vst.idx.add.f32.msk $0xffff, v0  }
0xb5: {  	v0 =	vld [tilespmem:s5+$0x4FE0];
	_ =	sdelay $0x4  }
0xb6: {  	v1 =	vld [tilespmem:s5+$0x120];
	_ =	sdelay $0x2  }
0xb7: {  	v0 =	vld.idx.msk [tilespmem:v0+s30+$0x0], $0xffff;
	_ =	sdelay $0x4  }
0xb8: {  	[tilespmem:v1+s31+$0x0] =	vst.idx.add.f32.msk $0xffff, v0  }
0xb9: {  	v0 =	vld [tilespmem:s5+$0x4FF0];
	_ =	sdelay $0x4  }
0xba: {  	v1 =	vld [tilespmem:s5+$0x130];
	_ =	sdelay $0x2  }
0xbb: {  	v0 =	vld.idx.msk [tilespmem:v0+s30+$0x0], $0xffff;
	_ =	sdelay $0x4  }
0xbc: {  	[tilespmem:v1+s31+$0x0] =	vst.idx.add.f32.msk $0xffff, v0  }
0xbd: {  	v0 =	vld [tilespmem:s5+$0x5000];
	_ =	sdelay $0x4  }
0xbe: {  	v1 =	vld [tilespmem:s5+$0x140];
	_ =	sdelay $0x2  }
0xbf: {  	v0 =	vld.idx.msk [tilespmem:v0+s30+$0x0], $0xffff;
	_ =	sdelay $0x4  }
0xc0: {  	[tilespmem:v1+s31+$0x0] =	vst.idx.add.f32.msk $0xffff, v0  }
0xc1: {  	_ =	swait.ge [sflag:s23], $0x1C00  }
0xc2: {  	[sflag:s23] =	ssyncset.done $0x0  }
.Ltmp2:
0xc3: {  	s11 =	sadd.s32 $0x4FA0, s5;
	[sflag:s23] =	ssyncadd.s32 $0xFFFFE400;
	(pc) =	sbr.rel @p0 .LBB2_4-.Ltmp2, $4  }
0xc4: {  	[spmem:s2] =	stream.indirect.scatter.add.f32 [tilespmem:s29], [sflag:$0x4], $0x40, s11, s24, $0xb8;
	[tilespmem:$0x1F580] =	vst v63  }
0xc5: {  	_ =	swait.ge [sflag:s22], $0x1C00  }
0xc6: {  	[sflag:s22] =	ssyncset.done $0x0  }
0xc7: {  	[sflag:s22] =	ssyncadd.s32 $0xFFFFE400  }
.Ltmp3:
0xc8: {  	(pc) =	sbr.rel .LBB2_2-.Ltmp3, $3  }
0xc9: {  	_ =	sdelay $0x1  }
0xca: {  	s5 =	sadd.s32 $0x230, s5;
	s4 =	sadd.s32 $0x540, s4  }
0xcb: {  	[tilespmem:s29], [sflag:$0x3] =	stream.indirect.gather [hbm4b:s9+s24], $0x40, s5, s24, $0xb8;
	[tilespmem:$0x1F580] =	vst v63  }
.LBB2_5:
0xcc: {  	_ =	sfence.sel $0x180000  }
0xcd: {  	[bflag:$0x0] =	sbarrier.arrive $0xFFFF  }
0xce: {  	_ =	strace $0x9000004A  }
0xcf: {  	s0 =	stileid.u32;
	[bflag:$0x2] =	sbarrier.arrive $0xFFFF  }
0xd0: {  	p0 =	sne.s32 s0, $0x0;
	s0 =	rddreg [dreg:$0x2]  }
0xd1: {  	s0 =	sadd.s32 @!p0 $0x100000, s0  }
0xd2: {  	[sflag:s0] =	ssyncadd.tile.s32 @!p0 $0x1;
	_ =	shalt  }
.Lfunc_end2:
_tile_overlayer_lowered:
.L_overlay_start_2:
0xd3: {  	(tag) =	ssettag $0x2  }
0xd4: {  	s0 =	rddreg [dreg:$0x0];
	s2 =	stileid.u32  }
0xd5: {  	s1 =	rddreg [dreg:$0x1];
	p0 =	sne.s32 s2, $0x0  }
0xd6: {  	s3 =	rddreg [dreg:$0x2];
	[bflag:$0x3] =	sbarrier.arrive $0xFFFF;
	s2 =	simm.s32 @!p0 $0x1C04  }
0xd7: {  	[timem:s3], [sflag:s2] =	dma.local @!p0 [hbm:s0], s1  }
0xd8: {  	s0 =	simm.s32 @!p0 $0x4  }
0xd9: {  	_ =	swait.ge @!p0 [sflag:s0], s1  }
0xda: {  	s1 =	ssub.s32 @!p0 $0x0, s1;
	[sflag:s0] =	ssyncset.done @!p0 $0x0  }
0xdb: {  	[sflag:s0] =	ssyncadd.s32 @!p0 s1  }
0xdc: {  	[bflag:$0x3] =	sbarrier.arrive $0xFFFF  }
0xdd: {  	_ =	shalt  }

</sc_bundles>
